<compile_context>
chip_gen: v7x
topology: tpu7x:2x2x1
jax: 0.10.2.dev20260603
libtpu: 0.0.44.dev20260713+nightly
codegen_flags: <defaults>
</compile_context>

<pallas_src>
import jax
import jax.numpy as jnp
from jax import lax
from jax.experimental import pallas as pl
from jax.experimental.pallas import tpu as pltpu
from jax.experimental.pallas import tpu_sc as plsc

_NC, _NS = 2, 16
_NW = _NC * _NS
_CH = 128
_BC = 4096


def _sc_gather(user, item, eugT, eigT, eum, eim):
    B = user.shape[0]
    bpw = B // _NW
    nch = bpw // _CH
    nbc = B // _BC
    F, V = eugT.shape
    DM = eum.shape[1]
    f32 = jnp.float32
    mesh = plsc.VectorSubcoreMesh(core_axis_name="c", subcore_axis_name="s",
                                  num_cores=_NC, num_subcores=_NS)

    def body(user_h, item_h, eugT_h, eigT_h, eum_h, eim_h,
             prod_o, um_o, im_o,
             feat, valsc, idxc, mbuf, uidx, iidx, sems, semf):
        wid = lax.axis_index("s") * _NC + lax.axis_index("c")
        base = wid * bpw
        cpf = pltpu.async_copy(eugT_h.at[wid], feat, semf)
        pltpu.sync_copy(user_h.at[pl.ds(base, bpw)], uidx)
        pltpu.sync_copy(item_h.at[pl.ds(base, bpw)], iidx)

        mlp = ((eum_h, uidx, um_o), (eim_h, iidx, im_o))
        nst = 2 * nch

        def fire(j):
            th, ix, oo = mlp[j // nch]
            jj = j % nch
            cp = pltpu.async_copy(th.at[ix.at[pl.ds(jj * _CH, _CH)]],
                                  mbuf, sems)
            return (cp, oo, jj)

        def drain(cur, j):
            cp, oo, jj = cur
            cp.wait()
            pltpu.sync_copy(mbuf, oo.at[pl.ds(base + jj * _CH, _CH)])
            return fire(j + 1) if j + 1 < nst else None

        cur = fire(0)
        step = 0
        cpf.wait()
        for c in range(nbc):
            pltpu.sync_copy(user_h.at[pl.ds(c * _BC, _BC)], idxc)
            def ga(g, carry):
                for u in range(8):
                    vec = idxc[pl.ds((g * 8 + u) * 16, 16)]
                    valsc[pl.ds((g * 8 + u) * 16, 16)] = plsc.load_gather(
                        feat, [vec])
                return carry
            lax.fori_loop(0, _BC // 128, ga, 0)
            if c == nbc - 1:
                cpf = pltpu.async_copy(eigT_h.at[wid], feat, semf)
            pltpu.sync_copy(valsc, prod_o.at[wid, pl.ds(c * _BC, _BC)])
            cur = drain(cur, step)
            step += 1
        for c in range(nbc):
            pltpu.sync_copy(item_h.at[pl.ds(c * _BC, _BC)], idxc)
            pltpu.sync_copy(prod_o.at[wid, pl.ds(c * _BC, _BC)], valsc)
            if c == 0:
                cpf.wait()
            def gb(g, carry):
                for u in range(8):
                    sl = pl.ds((g * 8 + u) * 16, 16)
                    valsc[sl] = valsc[sl] * plsc.load_gather(
                        feat, [idxc[sl]])
                return carry
            lax.fori_loop(0, _BC // 128, gb, 0)
            pltpu.sync_copy(valsc, prod_o.at[wid, pl.ds(c * _BC, _BC)])
            if cur is not None:
                cur = drain(cur, step)
                step += 1

    k = pl.kernel(
        body,
        out_type=(jax.ShapeDtypeStruct((F, B), f32),
                  jax.ShapeDtypeStruct((B, DM), f32),
                  jax.ShapeDtypeStruct((B, DM), f32)),
        mesh=mesh,
        compiler_params=pltpu.CompilerParams(needs_layout_passes=False),
        scratch_types=[
            pltpu.VMEM((V,), f32),
            pltpu.VMEM((_BC,), f32),
            pltpu.VMEM((_BC,), jnp.int32),
            pltpu.VMEM((_CH, DM), f32),
            pltpu.VMEM((bpw,), jnp.int32),
            pltpu.VMEM((bpw,), jnp.int32),
            pltpu.SemaphoreType.DMA,
            pltpu.SemaphoreType.DMA,
        ],
    )
    return k(user, item, eugT, eigT, eum, eim)


def _tc_mlp(prod, um, im, W0a, W0b, b0, W1, b1, W2, b2, wpgT, wph, bp):
    F, B = prod.shape
    DM = um.shape[1]
    BT = 4096
    f32 = jnp.float32

    def body(prod_r, um_r, im_r, W0a_r, W0b_r, b0_r, W1_r, b1_r,
             W2_r, b2_r, wpgT_r, wph_r, bp_r, out_r):
        h = jnp.dot(um_r[...], W0a_r[...], preferred_element_type=f32)
        h = h + jnp.dot(im_r[...], W0b_r[...], preferred_element_type=f32)
        h = jnp.maximum(h + b0_r[...], 0.0)
        h = jnp.maximum(
            jnp.dot(h, W1_r[...], preferred_element_type=f32) + b1_r[...], 0.0)
        h = jnp.maximum(
            jnp.dot(h, W2_r[...], preferred_element_type=f32) + b2_r[...], 0.0)
        p = (jnp.sum(prod_r[...] * wpgT_r[...], axis=0)
             + jnp.sum(h * wph_r[...], axis=1) + bp_r[0])
        out_r[...] = p

    full = lambda shape: pl.BlockSpec(shape, lambda i: tuple(0 for _ in shape))
    out = pl.pallas_call(
        body,
        grid=(B // BT,),
        in_specs=[
            pl.BlockSpec((F, BT), lambda i: (0, i)),
            pl.BlockSpec((BT, DM), lambda i: (i, 0)),
            pl.BlockSpec((BT, DM), lambda i: (i, 0)),
            full((DM, DM)), full((DM, DM)), full((1, DM)),
            full((DM, DM // 2)), full((1, DM // 2)),
            full((DM // 2, DM // 4)), full((1, DM // 4)),
            full((F, 1)), full((1, F)),
            pl.BlockSpec(memory_space=pltpu.SMEM),
        ],
        out_specs=pl.BlockSpec((BT,), lambda i: (i,)),
        out_shape=jax.ShapeDtypeStruct((B,), f32),
    )(prod, um, im, W0a, W0b, b0, W1, b1, W2, b2, wpgT, wph, bp)
    return out


def kernel(user, item, emb_user_gmf, emb_item_gmf, emb_user_mlp, emb_item_mlp,
           W0, b0, W1, b1, W2, b2, Wp, bp):
    F = emb_user_gmf.shape[1]
    DM = emb_user_mlp.shape[1]
    user = user.astype(jnp.int32)
    item = item.astype(jnp.int32)
    prod, um, im = _sc_gather(user, item, emb_user_gmf.T, emb_item_gmf.T,
                              emb_user_mlp, emb_item_mlp)
    return _tc_mlp(prod, um, im,
                   W0[:DM], W0[DM:], b0.reshape(1, DM),
                   W1, b1.reshape(1, DM // 2),
                   W2, b2.reshape(1, DM // 4),
                   Wp[:F].reshape(F, 1), Wp[F:].reshape(1, F),
                   bp)

# --- scband reference (transcript-rebuilt; emitter-appended) ---
"""Pipeline reference for scband-ncf-59880434041494 (READ-ONLY COPY).

The authoritative reference and input builder live on the scoring server;
editing this copy changes nothing except your own understanding.
"""

import jax, jax.numpy as jnp
import numpy as np

B = 16384
U = 100000
I = 100000
F = 32
L = 3
DM = F * 2 ** (L - 1)  # 128


def _xavier(key, fan_in, fan_out):
    limit = np.sqrt(6.0 / (fan_in + fan_out))
    return jax.random.uniform(key, (fan_in, fan_out), minval=-limit, maxval=limit, dtype=jnp.float32)


def setup_inputs(seed: int = 0) -> dict:
    key = jax.random.key(seed)
    ks = jax.random.split(key, 12)
    user = jax.random.randint(ks[0], (B,), 0, U, dtype=jnp.int64 if jax.config.read('jax_enable_x64') else jnp.int32)
    item = jax.random.randint(ks[1], (B,), 0, I, dtype=jnp.int64 if jax.config.read('jax_enable_x64') else jnp.int32)
    emb_user_gmf = 0.01 * jax.random.normal(ks[2], (U, F), dtype=jnp.float32)
    emb_item_gmf = 0.01 * jax.random.normal(ks[3], (I, F), dtype=jnp.float32)
    emb_user_mlp = 0.01 * jax.random.normal(ks[4], (U, DM), dtype=jnp.float32)
    emb_item_mlp = 0.01 * jax.random.normal(ks[5], (I, DM), dtype=jnp.float32)
    # MLP layers: 256->128, 128->64, 64->32
    W0 = _xavier(ks[6], 2 * DM, DM)
    b0 = jnp.zeros((DM,), dtype=jnp.float32)
    W1 = _xavier(ks[7], DM, DM // 2)
    b1 = jnp.zeros((DM // 2,), dtype=jnp.float32)
    W2 = _xavier(ks[8], DM // 2, DM // 4)
    b2 = jnp.zeros((DM // 4,), dtype=jnp.float32)
    # predict layer: 2*factor_num -> 1
    Wp = _xavier(ks[9], 2 * F, 1)
    bp = jnp.zeros((1,), dtype=jnp.float32)
    return {
        'user': user, 'item': item,
        'emb_user_gmf': emb_user_gmf, 'emb_item_gmf': emb_item_gmf,
        'emb_user_mlp': emb_user_mlp, 'emb_item_mlp': emb_item_mlp,
        'W0': W0, 'b0': b0, 'W1': W1, 'b1': b1, 'W2': W2, 'b2': b2,
        'Wp': Wp, 'bp': bp,
    }


def reference(user, item, emb_user_gmf, emb_item_gmf, emb_user_mlp, emb_item_mlp,
              W0, b0, W1, b1, W2, b2, Wp, bp):
    ug = jnp.take(emb_user_gmf, user, axis=0)
    ig = jnp.take(emb_item_gmf, item, axis=0)
    output_gmf = ug * ig
    um = jnp.take(emb_user_mlp, user, axis=0)
    im = jnp.take(emb_item_mlp, item, axis=0)
    h = jnp.concatenate([um, im], axis=-1)
    # dropout p=0.0 -> identity
    h = jax.nn.relu(h @ W0 + b0)
    h = jax.nn.relu(h @ W1 + b1)
    h = jax.nn.relu(h @ W2 + b2)
    concat = jnp.concatenate([output_gmf, h], axis=-1)
    prediction = concat @ Wp + bp
    return prediction.reshape(-1)

if __name__ == "__main__":
    import jax
    _d = setup_inputs()
    print(jax.jit(kernel)(*tuple(_d.values())))

</pallas_src>

<mosaic_0001>
#map = affine_map<(d0, d1) -> (0)>
#map1 = affine_map<(d0, d1) -> (0, 0)>
module attributes {stable_mosaic.version = 14 : i64} {
  func.func @body(%arg0: i32, %arg1: i32, %arg2: memref<16384xi32, #tpu.memory_space<hbm>>, %arg3: memref<16384xi32, #tpu.memory_space<hbm>>, %arg4: memref<32x100000xf32, #tpu.memory_space<hbm>>, %arg5: memref<32x100000xf32, #tpu.memory_space<hbm>>, %arg6: memref<100000x128xf32, #tpu.memory_space<hbm>>, %arg7: memref<100000x128xf32, #tpu.memory_space<hbm>>, %arg8: memref<32x16384xf32, #tpu.memory_space<hbm>>, %arg9: memref<16384x128xf32, #tpu.memory_space<hbm>>, %arg10: memref<16384x128xf32, #tpu.memory_space<hbm>>, %arg11: memref<100000xf32, #tpu.memory_space<vmem>>, %arg12: memref<4096xf32, #tpu.memory_space<vmem>>, %arg13: memref<4096xi32, #tpu.memory_space<vmem>>, %arg14: memref<128x128xf32, #tpu.memory_space<vmem>>, %arg15: memref<512xi32, #tpu.memory_space<vmem>>, %arg16: memref<512xi32, #tpu.memory_space<vmem>>, %arg17: memref<!tpu.dma_semaphore, #tpu.memory_space<semaphore_mem>>, %arg18: memref<!tpu.dma_semaphore, #tpu.memory_space<semaphore_mem>>) attributes {dimension_semantics = [#tpu.dimension_semantics<core_parallel>, #tpu.dimension_semantics<subcore_parallel>], iteration_bounds = array<i64: 2, 16>, scalar_prefetch = 0 : i64, scratch_operands = 8 : i64, tpu.core_type = #tpu.core_type<sc_vector_subcore>, window_params = [{transform_indices = #map}, {transform_indices = #map}, {transform_indices = #map1}, {transform_indices = #map1}, {transform_indices = #map1}, {transform_indices = #map1}, {transform_indices = #map1}, {transform_indices = #map1}, {transform_indices = #map1}]} {
    %mul3A = arith.constant 2 : i32
    %mul3A_0 = arith.muli %arg1, %mul3A : i32
    %add3A = arith.addi %mul3A_0, %arg0 : i32
    %mul3A_1 = arith.constant 512 : i32
    %mul3A_2 = arith.muli %add3A, %mul3A_1 : i32
    %dma_start3A = arith.constant 0 : i32
    %dma_start3A_3 = tpu.memref_slice %arg4[%add3A, %dma_start3A] : memref<32x100000xf32, #tpu.memory_space<hbm>> -> memref<1x100000xf32, #tpu.memory_space<hbm>>
    %dma_start3A_4 = tpu.memref_squeeze %dma_start3A_3 : memref<1x100000xf32, #tpu.memory_space<hbm>> -> memref<100000xf32, #tpu.memory_space<hbm>>
    %dma_start3A_5 = arith.constant 0 : i32
    %dma_start3A_6 = tpu.memref_slice %arg4[%add3A, %dma_start3A_5] : memref<32x100000xf32, #tpu.memory_space<hbm>> -> memref<1x100000xf32, #tpu.memory_space<hbm>>
    %dma_start3A_7 = tpu.memref_squeeze %dma_start3A_6 : memref<1x100000xf32, #tpu.memory_space<hbm>> -> memref<100000xf32, #tpu.memory_space<hbm>>
    tpu.enqueue_dma source(%dma_start3A_7 : memref<100000xf32, #tpu.memory_space<hbm>>) target(%arg11 : memref<100000xf32, #tpu.memory_space<vmem>>) target_semaphore(%arg18 : memref<!tpu.dma_semaphore, #tpu.memory_space<semaphore_mem>>)
    "tpu.region"() ({
      %run_scoped3A = tpu.sem_alloc : memref<!tpu.dma_semaphore, #tpu.memory_space<semaphore_mem>>
      %dma_start3A_168 = tpu.memref_slice %arg2[%mul3A_2] : memref<16384xi32, #tpu.memory_space<hbm>> -> memref<512xi32, #tpu.memory_space<hbm>>
      %dma_start3A_169 = tpu.memref_slice %arg2[%mul3A_2] : memref<16384xi32, #tpu.memory_space<hbm>> -> memref<512xi32, #tpu.memory_space<hbm>>
      tpu.enqueue_dma source(%dma_start3A_169 : memref<512xi32, #tpu.memory_space<hbm>>) target(%arg15 : memref<512xi32, #tpu.memory_space<vmem>>) target_semaphore(%run_scoped3A : memref<!tpu.dma_semaphore, #tpu.memory_space<semaphore_mem>>)
      %dma_wait3A_170 = tpu.memref_slice %arg2[%mul3A_2] : memref<16384xi32, #tpu.memory_space<hbm>> -> memref<512xi32, #tpu.memory_space<hbm>>
      %dma_wait3A_171 = tpu.memref_slice %arg2[%mul3A_2] : memref<16384xi32, #tpu.memory_space<hbm>> -> memref<512xi32, #tpu.memory_space<hbm>>
      tpu.wait_dma2 semaphore(%run_scoped3A : memref<!tpu.dma_semaphore, #tpu.memory_space<semaphore_mem>>) src(%dma_wait3A_171 : memref<512xi32, #tpu.memory_space<hbm>>) dst(%arg15 : memref<512xi32, #tpu.memory_space<vmem>>)
      tpu.yield
    }) : () -> ()
    "tpu.region"() ({
      %run_scoped3A = tpu.sem_alloc : memref<!tpu.dma_semaphore, #tpu.memory_space<semaphore_mem>>
      %dma_start3A_168 = tpu.memref_slice %arg3[%mul3A_2] : memref<16384xi32, #tpu.memory_space<hbm>> -> memref<512xi32, #tpu.memory_space<hbm>>
      %dma_start3A_169 = tpu.memref_slice %arg3[%mul3A_2] : memref<16384xi32, #tpu.memory_space<hbm>> -> memref<512xi32, #tpu.memory_space<hbm>>
      tpu.enqueue_dma source(%dma_start3A_169 : memref<512xi32, #tpu.memory_space<hbm>>) target(%arg16 : memref<512xi32, #tpu.memory_space<vmem>>) target_semaphore(%run_scoped3A : memref<!tpu.dma_semaphore, #tpu.memory_space<semaphore_mem>>)
      %dma_wait3A_170 = tpu.memref_slice %arg3[%mul3A_2] : memref<16384xi32, #tpu.memory_space<hbm>> -> memref<512xi32, #tpu.memory_space<hbm>>
      %dma_wait3A_171 = tpu.memref_slice %arg3[%mul3A_2] : memref<16384xi32, #tpu.memory_space<hbm>> -> memref<512xi32, #tpu.memory_space<hbm>>
      tpu.wait_dma2 semaphore(%run_scoped3A : memref<!tpu.dma_semaphore, #tpu.memory_space<semaphore_mem>>) src(%dma_wait3A_171 : memref<512xi32, #tpu.memory_space<hbm>>) dst(%arg16 : memref<512xi32, #tpu.memory_space<vmem>>)
      tpu.yield
    }) : () -> ()
    %dma_start3A_8 = arith.constant 0 : i32
    %dma_start3A_9 = tpu.memref_slice %arg15[%dma_start3A_8] : memref<512xi32, #tpu.memory_space<vmem>> -> memref<128xi32, #tpu.memory_space<vmem>>
    %dma_start3A_10 = arith.constant 0 : i32
    %dma_start3A_11 = arith.constant 0 : i32
    %dma_start3A_12 = tpu.memref_slice %arg6[%dma_start3A_10, %dma_start3A_11] : memref<100000x128xf32, #tpu.memory_space<hbm>> -> memref<100000x128xf32, #tpu.memory_space<hbm>>
    tpu.enqueue_indirect_dma source(%dma_start3A_12 : memref<100000x128xf32, #tpu.memory_space<hbm>>) target(%arg14 : memref<128x128xf32, #tpu.memory_space<vmem>>) offsets(%dma_start3A_9 : memref<128xi32, #tpu.memory_space<vmem>>) semaphore(%arg17 : memref<!tpu.dma_semaphore, #tpu.memory_space<semaphore_mem>>)
    %dma_wait3A = arith.constant 0 : i32
    %dma_wait3A_13 = tpu.memref_slice %arg4[%add3A, %dma_wait3A] : memref<32x100000xf32, #tpu.memory_space<hbm>> -> memref<1x100000xf32, #tpu.memory_space<hbm>>
    %dma_wait3A_14 = tpu.memref_squeeze %dma_wait3A_13 : memref<1x100000xf32, #tpu.memory_space<hbm>> -> memref<100000xf32, #tpu.memory_space<hbm>>
    %dma_wait3A_15 = arith.constant 0 : i32
    %dma_wait3A_16 = tpu.memref_slice %arg4[%add3A, %dma_wait3A_15] : memref<32x100000xf32, #tpu.memory_space<hbm>> -> memref<1x100000xf32, #tpu.memory_space<hbm>>
    %dma_wait3A_17 = tpu.memref_squeeze %dma_wait3A_16 : memref<1x100000xf32, #tpu.memory_space<hbm>> -> memref<100000xf32, #tpu.memory_space<hbm>>
    tpu.wait_dma2 semaphore(%arg18 : memref<!tpu.dma_semaphore, #tpu.memory_space<semaphore_mem>>) src(%dma_wait3A_17 : memref<100000xf32, #tpu.memory_space<hbm>>) dst(%arg11 : memref<100000xf32, #tpu.memory_space<vmem>>)
    "tpu.region"() ({
      %run_scoped3A = tpu.sem_alloc : memref<!tpu.dma_semaphore, #tpu.memory_space<semaphore_mem>>
      %dma_start3A_168 = arith.constant 0 : i32
      %dma_start3A_169 = tpu.memref_slice %arg2[%dma_start3A_168] : memref<16384xi32, #tpu.memory_space<hbm>> -> memref<4096xi32, #tpu.memory_space<hbm>>
      %dma_start3A_170 = arith.constant 0 : i32
      %dma_start3A_171 = tpu.memref_slice %arg2[%dma_start3A_170] : memref<16384xi32, #tpu.memory_space<hbm>> -> memref<4096xi32, #tpu.memory_space<hbm>>
      tpu.enqueue_dma source(%dma_start3A_171 : memref<4096xi32, #tpu.memory_space<hbm>>) target(%arg13 : memref<4096xi32, #tpu.memory_space<vmem>>) target_semaphore(%run_scoped3A : memref<!tpu.dma_semaphore, #tpu.memory_space<semaphore_mem>>)
      %dma_wait3A_172 = arith.constant 0 : i32
      %dma_wait3A_173 = tpu.memref_slice %arg2[%dma_wait3A_172] : memref<16384xi32, #tpu.memory_space<hbm>> -> memref<4096xi32, #tpu.memory_space<hbm>>
      %dma_wait3A_174 = arith.constant 0 : i32
      %dma_wait3A_175 = tpu.memref_slice %arg2[%dma_wait3A_174] : memref<16384xi32, #tpu.memory_space<hbm>> -> memref<4096xi32, #tpu.memory_space<hbm>>
      tpu.wait_dma2 semaphore(%run_scoped3A : memref<!tpu.dma_semaphore, #tpu.memory_space<semaphore_mem>>) src(%dma_wait3A_175 : memref<4096xi32, #tpu.memory_space<hbm>>) dst(%arg13 : memref<4096xi32, #tpu.memory_space<vmem>>)
      tpu.yield
    }) : () -> ()
    %scan3A = arith.constant 0 : i32
    %scan3A_18 = arith.constant 0 : i32
    %scan3A_19 = arith.constant 32 : i32
    %scan3A_20 = arith.addi %scan3A_18, %scan3A_19 : i32
    %scan3A_21 = arith.constant 1 : i32
    scf.for %scan3A_168 = %scan3A_18 to %scan3A_20 step %scan3A_21  : i32 {
      %mul3A_169 = arith.constant 8 : i32
      %mul3A_170 = arith.muli %scan3A_168, %mul3A_169 : i32
      %add3A_171 = arith.constant 0 : i32
      %add3A_172 = arith.addi %mul3A_170, %add3A_171 : i32
      %mul3A_173 = arith.constant 16 : i32
      %mul3A_174 = arith.muli %add3A_172, %mul3A_173 : i32
      %get3A = arith.index_cast %mul3A_174 : i32 to index
      %get3A_175 = tpu.vector_load %arg13[%get3A] {strides = array<i32>} : memref<4096xi32, #tpu.memory_space<vmem>>, vector<16xi32>,
      %gather3A = tpu.vector_load_idx %arg11[%get3A_175] : memref<100000xf32, #tpu.memory_space<vmem>>[vector<16xi32>], vector<16xf32>,
      %mul3A_176 = arith.constant 8 : i32
      %mul3A_177 = arith.muli %scan3A_168, %mul3A_176 : i32
      %add3A_178 = arith.constant 0 : i32
      %add3A_179 = arith.addi %mul3A_177, %add3A_178 : i32
      %mul3A_180 = arith.constant 16 : i32
      %mul3A_181 = arith.muli %add3A_179, %mul3A_180 : i32
      %swap3A = arith.index_cast %mul3A_181 : i32 to index
      %swap3A_182 = tpu.vector_load %arg12[%swap3A] {strides = array<i32>} : memref<4096xf32, #tpu.memory_space<vmem>>, vector<16xf32>,
      tpu.vector_store %arg12[%swap3A], %gather3A {strides = array<i32>} : memref<4096xf32, #tpu.memory_space<vmem>>, vector<16xf32>,
      %mul3A_183 = arith.constant 8 : i32
      %mul3A_184 = arith.muli %scan3A_168, %mul3A_183 : i32
      %add3A_185 = arith.constant 1 : i32
      %add3A_186 = arith.addi %mul3A_184, %add3A_185 : i32
      %mul3A_187 = arith.constant 16 : i32
      %mul3A_188 = arith.muli %add3A_186, %mul3A_187 : i32
      %get3A_189 = arith.index_cast %mul3A_188 : i32 to index
      %get3A_190 = tpu.vector_load %arg13[%get3A_189] {strides = array<i32>} : memref<4096xi32, #tpu.memory_space<vmem>>, vector<16xi32>,
      %gather3A_191 = tpu.vector_load_idx %arg11[%get3A_190] : memref<100000xf32, #tpu.memory_space<vmem>>[vector<16xi32>], vector<16xf32>,
      %mul3A_192 = arith.constant 8 : i32
      %mul3A_193 = arith.muli %scan3A_168, %mul3A_192 : i32
      %add3A_194 = arith.constant 1 : i32
      %add3A_195 = arith.addi %mul3A_193, %add3A_194 : i32
      %mul3A_196 = arith.constant 16 : i32
      %mul3A_197 = arith.muli %add3A_195, %mul3A_196 : i32
      %swap3A_198 = arith.index_cast %mul3A_197 : i32 to index
      %swap3A_199 = tpu.vector_load %arg12[%swap3A_198] {strides = array<i32>} : memref<4096xf32, #tpu.memory_space<vmem>>, vector<16xf32>,
      tpu.vector_store %arg12[%swap3A_198], %gather3A_191 {strides = array<i32>} : memref<4096xf32, #tpu.memory_space<vmem>>, vector<16xf32>,
      %mul3A_200 = arith.constant 8 : i32
      %mul3A_201 = arith.muli %scan3A_168, %mul3A_200 : i32
      %add3A_202 = arith.constant 2 : i32
      %add3A_203 = arith.addi %mul3A_201, %add3A_202 : i32
      %mul3A_204 = arith.constant 16 : i32
      %mul3A_205 = arith.muli %add3A_203, %mul3A_204 : i32
      %get3A_206 = arith.index_cast %mul3A_205 : i32 to index
      %get3A_207 = tpu.vector_load %arg13[%get3A_206] {strides = array<i32>} : memref<4096xi32, #tpu.memory_space<vmem>>, vector<16xi32>,
      %gather3A_208 = tpu.vector_load_idx %arg11[%get3A_207] : memref<100000xf32, #tpu.memory_space<vmem>>[vector<16xi32>], vector<16xf32>,
      %mul3A_209 = arith.constant 8 : i32
      %mul3A_210 = arith.muli %scan3A_168, %mul3A_209 : i32
      %add3A_211 = arith.constant 2 : i32
      %add3A_212 = arith.addi %mul3A_210, %add3A_211 : i32
      %mul3A_213 = arith.constant 16 : i32
      %mul3A_214 = arith.muli %add3A_212, %mul3A_213 : i32
      %swap3A_215 = arith.index_cast %mul3A_214 : i32 to index
      %swap3A_216 = tpu.vector_load %arg12[%swap3A_215] {strides = array<i32>} : memref<4096xf32, #tpu.memory_space<vmem>>, vector<16xf32>,
      tpu.vector_store %arg12[%swap3A_215], %gather3A_208 {strides = array<i32>} : memref<4096xf32, #tpu.memory_space<vmem>>, vector<16xf32>,
      %mul3A_217 = arith.constant 8 : i32
      %mul3A_218 = arith.muli %scan3A_168, %mul3A_217 : i32
      %add3A_219 = arith.constant 3 : i32
      %add3A_220 = arith.addi %mul3A_218, %add3A_219 : i32
      %mul3A_221 = arith.constant 16 : i32
      %mul3A_222 = arith.muli %add3A_220, %mul3A_221 : i32
      %get3A_223 = arith.index_cast %mul3A_222 : i32 to index
      %get3A_224 = tpu.vector_load %arg13[%get3A_223] {strides = array<i32>} : memref<4096xi32, #tpu.memory_space<vmem>>, vector<16xi32>,
      %gather3A_225 = tpu.vector_load_idx %arg11[%get3A_224] : memref<100000xf32, #tpu.memory_space<vmem>>[vector<16xi32>], vector<16xf32>,
      %mul3A_226 = arith.constant 8 : i32
      %mul3A_227 = arith.muli %scan3A_168, %mul3A_226 : i32
      %add3A_228 = arith.constant 3 : i32
      %add3A_229 = arith.addi %mul3A_227, %add3A_228 : i32
      %mul3A_230 = arith.constant 16 : i32
      %mul3A_231 = arith.muli %add3A_229, %mul3A_230 : i32
      %swap3A_232 = arith.index_cast %mul3A_231 : i32 to index
      %swap3A_233 = tpu.vector_load %arg12[%swap3A_232] {strides = array<i32>} : memref<4096xf32, #tpu.memory_space<vmem>>, vector<16xf32>,
      tpu.vector_store %arg12[%swap3A_232], %gather3A_225 {strides = array<i32>} : memref<4096xf32, #tpu.memory_space<vmem>>, vector<16xf32>,
      %mul3A_234 = arith.constant 8 : i32
      %mul3A_235 = arith.muli %scan3A_168, %mul3A_234 : i32
      %add3A_236 = arith.constant 4 : i32
      %add3A_237 = arith.addi %mul3A_235, %add3A_236 : i32
      %mul3A_238 = arith.constant 16 : i32
      %mul3A_239 = arith.muli %add3A_237, %mul3A_238 : i32
      %get3A_240 = arith.index_cast %mul3A_239 : i32 to index
      %get3A_241 = tpu.vector_load %arg13[%get3A_240] {strides = array<i32>} : memref<4096xi32, #tpu.memory_space<vmem>>, vector<16xi32>,
      %gather3A_242 = tpu.vector_load_idx %arg11[%get3A_241] : memref<100000xf32, #tpu.memory_space<vmem>>[vector<16xi32>], vector<16xf32>,
      %mul3A_243 = arith.constant 8 : i32
      %mul3A_244 = arith.muli %scan3A_168, %mul3A_243 : i32
      %add3A_245 = arith.constant 4 : i32
      %add3A_246 = arith.addi %mul3A_244, %add3A_245 : i32
      %mul3A_247 = arith.constant 16 : i32
      %mul3A_248 = arith.muli %add3A_246, %mul3A_247 : i32
      %swap3A_249 = arith.index_cast %mul3A_248 : i32 to index
      %swap3A_250 = tpu.vector_load %arg12[%swap3A_249] {strides = array<i32>} : memref<4096xf32, #tpu.memory_space<vmem>>, vector<16xf32>,
      tpu.vector_store %arg12[%swap3A_249], %gather3A_242 {strides = array<i32>} : memref<4096xf32, #tpu.memory_space<vmem>>, vector<16xf32>,
      %mul3A_251 = arith.constant 8 : i32
      %mul3A_252 = arith.muli %scan3A_168, %mul3A_251 : i32
      %add3A_253 = arith.constant 5 : i32
      %add3A_254 = arith.addi %mul3A_252, %add3A_253 : i32
      %mul3A_255 = arith.constant 16 : i32
      %mul3A_256 = arith.muli %add3A_254, %mul3A_255 : i32
      %get3A_257 = arith.index_cast %mul3A_256 : i32 to index
      %get3A_258 = tpu.vector_load %arg13[%get3A_257] {strides = array<i32>} : memref<4096xi32, #tpu.memory_space<vmem>>, vector<16xi32>,
      %gather3A_259 = tpu.vector_load_idx %arg11[%get3A_258] : memref<100000xf32, #tpu.memory_space<vmem>>[vector<16xi32>], vector<16xf32>,
      %mul3A_260 = arith.constant 8 : i32
      %mul3A_261 = arith.muli %scan3A_168, %mul3A_260 : i32
      %add3A_262 = arith.constant 5 : i32
      %add3A_263 = arith.addi %mul3A_261, %add3A_262 : i32
      %mul3A_264 = arith.constant 16 : i32
      %mul3A_265 = arith.muli %add3A_263, %mul3A_264 : i32
      %swap3A_266 = arith.index_cast %mul3A_265 : i32 to index
      %swap3A_267 = tpu.vector_load %arg12[%swap3A_266] {strides = array<i32>} : memref<4096xf32, #tpu.memory_space<vmem>>, vector<16xf32>,
      tpu.vector_store %arg12[%swap3A_266], %gather3A_259 {strides = array<i32>} : memref<4096xf32, #tpu.memory_space<vmem>>, vector<16xf32>,
      %mul3A_268 = arith.constant 8 : i32
      %mul3A_269 = arith.muli %scan3A_168, %mul3A_268 : i32
      %add3A_270 = arith.constant 6 : i32
      %add3A_271 = arith.addi %mul3A_269, %add3A_270 : i32
      %mul3A_272 = arith.constant 16 : i32
      %mul3A_273 = arith.muli %add3A_271, %mul3A_272 : i32
      %get3A_274 = arith.index_cast %mul3A_273 : i32 to index
      %get3A_275 = tpu.vector_load %arg13[%get3A_274] {strides = array<i32>} : memref<4096xi32, #tpu.memory_space<vmem>>, vector<16xi32>,
      %gather3A_276 = tpu.vector_load_idx %arg11[%get3A_275] : memref<100000xf32, #tpu.memory_space<vmem>>[vector<16xi32>], vector<16xf32>,
      %mul3A_277 = arith.constant 8 : i32
      %mul3A_278 = arith.muli %scan3A_168, %mul3A_277 : i32
      %add3A_279 = arith.constant 6 : i32
      %add3A_280 = arith.addi %mul3A_278, %add3A_279 : i32
      %mul3A_281 = arith.constant 16 : i32
      %mul3A_282 = arith.muli %add3A_280, %mul3A_281 : i32
      %swap3A_283 = arith.index_cast %mul3A_282 : i32 to index
      %swap3A_284 = tpu.vector_load %arg12[%swap3A_283] {strides = array<i32>} : memref<4096xf32, #tpu.memory_space<vmem>>, vector<16xf32>,
      tpu.vector_store %arg12[%swap3A_283], %gather3A_276 {strides = array<i32>} : memref<4096xf32, #tpu.memory_space<vmem>>, vector<16xf32>,
      %mul3A_285 = arith.constant 8 : i32
      %mul3A_286 = arith.muli %scan3A_168, %mul3A_285 : i32
      %add3A_287 = arith.constant 7 : i32
      %add3A_288 = arith.addi %mul3A_286, %add3A_287 : i32
      %mul3A_289 = arith.constant 16 : i32
      %mul3A_290 = arith.muli %add3A_288, %mul3A_289 : i32
      %get3A_291 = arith.index_cast %mul3A_290 : i32 to index
      %get3A_292 = tpu.vector_load %arg13[%get3A_291] {strides = array<i32>} : memref<4096xi32, #tpu.memory_space<vmem>>, vector<16xi32>,
      %gather3A_293 = tpu.vector_load_idx %arg11[%get3A_292] : memref<100000xf32, #tpu.memory_space<vmem>>[vector<16xi32>], vector<16xf32>,
      %mul3A_294 = arith.constant 8 : i32
      %mul3A_295 = arith.muli %scan3A_168, %mul3A_294 : i32
      %add3A_296 = arith.constant 7 : i32
      %add3A_297 = arith.addi %mul3A_295, %add3A_296 : i32
      %mul3A_298 = arith.constant 16 : i32
      %mul3A_299 = arith.muli %add3A_297, %mul3A_298 : i32
      %swap3A_300 = arith.index_cast %mul3A_299 : i32 to index
      %swap3A_301 = tpu.vector_load %arg12[%swap3A_300] {strides = array<i32>} : memref<4096xf32, #tpu.memory_space<vmem>>, vector<16xf32>,
      tpu.vector_store %arg12[%swap3A_300], %gather3A_293 {strides = array<i32>} : memref<4096xf32, #tpu.memory_space<vmem>>, vector<16xf32>,
    }
    %scan3A_22 = arith.constant 32 : i32
    "tpu.region"() ({
      %run_scoped3A = tpu.sem_alloc : memref<!tpu.dma_semaphore, #tpu.memory_space<semaphore_mem>>
      %dma_start3A_168 = arith.constant 0 : i32
      %dma_start3A_169 = tpu.memref_slice %arg8[%add3A, %dma_start3A_168] : memref<32x16384xf32, #tpu.memory_space<hbm>> -> memref<1x4096xf32, #tpu.memory_space<hbm>>
      %dma_start3A_170 = tpu.memref_squeeze %dma_start3A_169 : memref<1x4096xf32, #tpu.memory_space<hbm>> -> memref<4096xf32, #tpu.memory_space<hbm>>
      %dma_start3A_171 = arith.constant 0 : i32
      %dma_start3A_172 = tpu.memref_slice %arg8[%add3A, %dma_start3A_171] : memref<32x16384xf32, #tpu.memory_space<hbm>> -> memref<1x4096xf32, #tpu.memory_space<hbm>>
      %dma_start3A_173 = tpu.memref_squeeze %dma_start3A_172 : memref<1x4096xf32, #tpu.memory_space<hbm>> -> memref<4096xf32, #tpu.memory_space<hbm>>
      tpu.enqueue_dma source(%arg12 : memref<4096xf32, #tpu.memory_space<vmem>>) target(%dma_start3A_173 : memref<4096xf32, #tpu.memory_space<hbm>>) target_semaphore(%run_scoped3A : memref<!tpu.dma_semaphore, #tpu.memory_space<semaphore_mem>>)
      %dma_wait3A_174 = arith.constant 0 : i32
      %dma_wait3A_175 = tpu.memref_slice %arg8[%add3A, %dma_wait3A_174] : memref<32x16384xf32, #tpu.memory_space<hbm>> -> memref<1x4096xf32, #tpu.memory_space<hbm>>
      %dma_wait3A_176 = tpu.memref_squeeze %dma_wait3A_175 : memref<1x4096xf32, #tpu.memory_space<hbm>> -> memref<4096xf32, #tpu.memory_space<hbm>>
      %dma_wait3A_177 = arith.constant 0 : i32
      %dma_wait3A_178 = tpu.memref_slice %arg8[%add3A, %dma_wait3A_177] : memref<32x16384xf32, #tpu.memory_space<hbm>> -> memref<1x4096xf32, #tpu.memory_space<hbm>>
      %dma_wait3A_179 = tpu.memref_squeeze %dma_wait3A_178 : memref<1x4096xf32, #tpu.memory_space<hbm>> -> memref<4096xf32, #tpu.memory_space<hbm>>
      tpu.wait_dma2 semaphore(%run_scoped3A : memref<!tpu.dma_semaphore, #tpu.memory_space<semaphore_mem>>) src(%arg12 : memref<4096xf32, #tpu.memory_space<vmem>>) dst(%dma_wait3A_179 : memref<4096xf32, #tpu.memory_space<hbm>>)
      tpu.yield
    }) : () -> ()
    %dma_wait3A_23 = arith.constant 0 : i32
    %dma_wait3A_24 = tpu.memref_slice %arg15[%dma_wait3A_23] : memref<512xi32, #tpu.memory_space<vmem>> -> memref<128xi32, #tpu.memory_space<vmem>>
    %dma_wait3A_25 = arith.constant 0 : i32
    %dma_wait3A_26 = arith.constant 0 : i32
    %dma_wait3A_27 = tpu.memref_slice %arg6[%dma_wait3A_25, %dma_wait3A_26] : memref<100000x128xf32, #tpu.memory_space<hbm>> -> memref<100000x128xf32, #tpu.memory_space<hbm>>
    tpu.wait_indirect_dma semaphore(%arg17 : memref<!tpu.dma_semaphore, #tpu.memory_space<semaphore_mem>>) src(%dma_wait3A_27 : memref<100000x128xf32, #tpu.memory_space<hbm>>) dst(%arg14 : memref<128x128xf32, #tpu.memory_space<vmem>>)
    %add3A_28 = arith.constant 0 : i32
    %add3A_29 = arith.addi %mul3A_2, %add3A_28 : i32
    "tpu.region"() ({
      %run_scoped3A = tpu.sem_alloc : memref<!tpu.dma_semaphore, #tpu.memory_space<semaphore_mem>>
      %dma_start3A_168 = arith.constant 0 : i32
      %dma_start3A_169 = tpu.memref_slice %arg9[%add3A_29, %dma_start3A_168] : memref<16384x128xf32, #tpu.memory_space<hbm>> -> memref<128x128xf32, #tpu.memory_space<hbm>>
      %dma_start3A_170 = arith.constant 0 : i32
      %dma_start3A_171 = tpu.memref_slice %arg9[%add3A_29, %dma_start3A_170] : memref<16384x128xf32, #tpu.memory_space<hbm>> -> memref<128x128xf32, #tpu.memory_space<hbm>>
      tpu.enqueue_dma source(%arg14 : memref<128x128xf32, #tpu.memory_space<vmem>>) target(%dma_start3A_171 : memref<128x128xf32, #tpu.memory_space<hbm>>) target_semaphore(%run_scoped3A : memref<!tpu.dma_semaphore, #tpu.memory_space<semaphore_mem>>)
      %dma_wait3A_172 = arith.constant 0 : i32
      %dma_wait3A_173 = tpu.memref_slice %arg9[%add3A_29, %dma_wait3A_172] : memref<16384x128xf32, #tpu.memory_space<hbm>> -> memref<128x128xf32, #tpu.memory_space<hbm>>
      %dma_wait3A_174 = arith.constant 0 : i32
      %dma_wait3A_175 = tpu.memref_slice %arg9[%add3A_29, %dma_wait3A_174] : memref<16384x128xf32, #tpu.memory_space<hbm>> -> memref<128x128xf32, #tpu.memory_space<hbm>>
      tpu.wait_dma2 semaphore(%run_scoped3A : memref<!tpu.dma_semaphore, #tpu.memory_space<semaphore_mem>>) src(%arg14 : memref<128x128xf32, #tpu.memory_space<vmem>>) dst(%dma_wait3A_175 : memref<128x128xf32, #tpu.memory_space<hbm>>)
      tpu.yield
    }) : () -> ()
    %dma_start3A_30 = arith.constant 128 : i32
    %dma_start3A_31 = tpu.memref_slice %arg15[%dma_start3A_30] : memref<512xi32, #tpu.memory_space<vmem>> -> memref<128xi32, #tpu.memory_space<vmem>>
    %dma_start3A_32 = arith.constant 0 : i32
    %dma_start3A_33 = arith.constant 0 : i32
    %dma_start3A_34 = tpu.memref_slice %arg6[%dma_start3A_32, %dma_start3A_33] : memref<100000x128xf32, #tpu.memory_space<hbm>> -> memref<100000x128xf32, #tpu.memory_space<hbm>>
    tpu.enqueue_indirect_dma source(%dma_start3A_34 : memref<100000x128xf32, #tpu.memory_space<hbm>>) target(%arg14 : memref<128x128xf32, #tpu.memory_space<vmem>>) offsets(%dma_start3A_31 : memref<128xi32, #tpu.memory_space<vmem>>) semaphore(%arg17 : memref<!tpu.dma_semaphore, #tpu.memory_space<semaphore_mem>>)
    "tpu.region"() ({
      %run_scoped3A = tpu.sem_alloc : memref<!tpu.dma_semaphore, #tpu.memory_space<semaphore_mem>>
      %dma_start3A_168 = arith.constant 4096 : i32
      %dma_start3A_169 = tpu.memref_slice %arg2[%dma_start3A_168] : memref<16384xi32, #tpu.memory_space<hbm>> -> memref<4096xi32, #tpu.memory_space<hbm>>
      %dma_start3A_170 = arith.constant 4096 : i32
      %dma_start3A_171 = tpu.memref_slice %arg2[%dma_start3A_170] : memref<16384xi32, #tpu.memory_space<hbm>> -> memref<4096xi32, #tpu.memory_space<hbm>>
      tpu.enqueue_dma source(%dma_start3A_171 : memref<4096xi32, #tpu.memory_space<hbm>>) target(%arg13 : memref<4096xi32, #tpu.memory_space<vmem>>) target_semaphore(%run_scoped3A : memref<!tpu.dma_semaphore, #tpu.memory_space<semaphore_mem>>)
      %dma_wait3A_172 = arith.constant 4096 : i32
      %dma_wait3A_173 = tpu.memref_slice %arg2[%dma_wait3A_172] : memref<16384xi32, #tpu.memory_space<hbm>> -> memref<4096xi32, #tpu.memory_space<hbm>>
      %dma_wait3A_174 = arith.constant 4096 : i32
      %dma_wait3A_175 = tpu.memref_slice %arg2[%dma_wait3A_174] : memref<16384xi32, #tpu.memory_space<hbm>> -> memref<4096xi32, #tpu.memory_space<hbm>>
      tpu.wait_dma2 semaphore(%run_scoped3A : memref<!tpu.dma_semaphore, #tpu.memory_space<semaphore_mem>>) src(%dma_wait3A_175 : memref<4096xi32, #tpu.memory_space<hbm>>) dst(%arg13 : memref<4096xi32, #tpu.memory_space<vmem>>)
      tpu.yield
    }) : () -> ()
    %scan3A_35 = arith.constant 0 : i32
    %scan3A_36 = arith.constant 0 : i32
    %scan3A_37 = arith.constant 32 : i32
    %scan3A_38 = arith.addi %scan3A_36, %scan3A_37 : i32
    %scan3A_39 = arith.constant 1 : i32
    scf.for %scan3A_168 = %scan3A_36 to %scan3A_38 step %scan3A_39  : i32 {
      %mul3A_169 = arith.constant 8 : i32
      %mul3A_170 = arith.muli %scan3A_168, %mul3A_169 : i32
      %add3A_171 = arith.constant 0 : i32
      %add3A_172 = arith.addi %mul3A_170, %add3A_171 : i32
      %mul3A_173 = arith.constant 16 : i32
      %mul3A_174 = arith.muli %add3A_172, %mul3A_173 : i32
      %get3A = arith.index_cast %mul3A_174 : i32 to index
      %get3A_175 = tpu.vector_load %arg13[%get3A] {strides = array<i32>} : memref<4096xi32, #tpu.memory_space<vmem>>, vector<16xi32>,
      %gather3A = tpu.vector_load_idx %arg11[%get3A_175] : memref<100000xf32, #tpu.memory_space<vmem>>[vector<16xi32>], vector<16xf32>,
      %mul3A_176 = arith.constant 8 : i32
      %mul3A_177 = arith.muli %scan3A_168, %mul3A_176 : i32
      %add3A_178 = arith.constant 0 : i32
      %add3A_179 = arith.addi %mul3A_177, %add3A_178 : i32
      %mul3A_180 = arith.constant 16 : i32
      %mul3A_181 = arith.muli %add3A_179, %mul3A_180 : i32
      %swap3A = arith.index_cast %mul3A_181 : i32 to index
      %swap3A_182 = tpu.vector_load %arg12[%swap3A] {strides = array<i32>} : memref<4096xf32, #tpu.memory_space<vmem>>, vector<16xf32>,
      tpu.vector_store %arg12[%swap3A], %gather3A {strides = array<i32>} : memref<4096xf32, #tpu.memory_space<vmem>>, vector<16xf32>,
      %mul3A_183 = arith.constant 8 : i32
      %mul3A_184 = arith.muli %scan3A_168, %mul3A_183 : i32
      %add3A_185 = arith.constant 1 : i32
      %add3A_186 = arith.addi %mul3A_184, %add3A_185 : i32
      %mul3A_187 = arith.constant 16 : i32
      %mul3A_188 = arith.muli %add3A_186, %mul3A_187 : i32
      %get3A_189 = arith.index_cast %mul3A_188 : i32 to index
      %get3A_190 = tpu.vector_load %arg13[%get3A_189] {strides = array<i32>} : memref<4096xi32, #tpu.memory_space<vmem>>, vector<16xi32>,
      %gather3A_191 = tpu.vector_load_idx %arg11[%get3A_190] : memref<100000xf32, #tpu.memory_space<vmem>>[vector<16xi32>], vector<16xf32>,
      %mul3A_192 = arith.constant 8 : i32
      %mul3A_193 = arith.muli %scan3A_168, %mul3A_192 : i32
      %add3A_194 = arith.constant 1 : i32
      %add3A_195 = arith.addi %mul3A_193, %add3A_194 : i32
      %mul3A_196 = arith.constant 16 : i32
      %mul3A_197 = arith.muli %add3A_195, %mul3A_196 : i32
      %swap3A_198 = arith.index_cast %mul3A_197 : i32 to index
      %swap3A_199 = tpu.vector_load %arg12[%swap3A_198] {strides = array<i32>} : memref<4096xf32, #tpu.memory_space<vmem>>, vector<16xf32>,
      tpu.vector_store %arg12[%swap3A_198], %gather3A_191 {strides = array<i32>} : memref<4096xf32, #tpu.memory_space<vmem>>, vector<16xf32>,
      %mul3A_200 = arith.constant 8 : i32
      %mul3A_201 = arith.muli %scan3A_168, %mul3A_200 : i32
      %add3A_202 = arith.constant 2 : i32
      %add3A_203 = arith.addi %mul3A_201, %add3A_202 : i32
      %mul3A_204 = arith.constant 16 : i32
      %mul3A_205 = arith.muli %add3A_203, %mul3A_204 : i32
      %get3A_206 = arith.index_cast %mul3A_205 : i32 to index
      %get3A_207 = tpu.vector_load %arg13[%get3A_206] {strides = array<i32>} : memref<4096xi32, #tpu.memory_space<vmem>>, vector<16xi32>,
      %gather3A_208 = tpu.vector_load_idx %arg11[%get3A_207] : memref<100000xf32, #tpu.memory_space<vmem>>[vector<16xi32>], vector<16xf32>,
      %mul3A_209 = arith.constant 8 : i32
      %mul3A_210 = arith.muli %scan3A_168, %mul3A_209 : i32
      %add3A_211 = arith.constant 2 : i32
      %add3A_212 = arith.addi %mul3A_210, %add3A_211 : i32
      %mul3A_213 = arith.constant 16 : i32
      %mul3A_214 = arith.muli %add3A_212, %mul3A_213 : i32
      %swap3A_215 = arith.index_cast %mul3A_214 : i32 to index
      %swap3A_216 = tpu.vector_load %arg12[%swap3A_215] {strides = array<i32>} : memref<4096xf32, #tpu.memory_space<vmem>>, vector<16xf32>,
      tpu.vector_store %arg12[%swap3A_215], %gather3A_208 {strides = array<i32>} : memref<4096xf32, #tpu.memory_space<vmem>>, vector<16xf32>,
      %mul3A_217 = arith.constant 8 : i32
      %mul3A_218 = arith.muli %scan3A_168, %mul3A_217 : i32
      %add3A_219 = arith.constant 3 : i32
      %add3A_220 = arith.addi %mul3A_218, %add3A_219 : i32
      %mul3A_221 = arith.constant 16 : i32
      %mul3A_222 = arith.muli %add3A_220, %mul3A_221 : i32
      %get3A_223 = arith.index_cast %mul3A_222 : i32 to index
      %get3A_224 = tpu.vector_load %arg13[%get3A_223] {strides = array<i32>} : memref<4096xi32, #tpu.memory_space<vmem>>, vector<16xi32>,
      %gather3A_225 = tpu.vector_load_idx %arg11[%get3A_224] : memref<100000xf32, #tpu.memory_space<vmem>>[vector<16xi32>], vector<16xf32>,
      %mul3A_226 = arith.constant 8 : i32
      %mul3A_227 = arith.muli %scan3A_168, %mul3A_226 : i32
      %add3A_228 = arith.constant 3 : i32
      %add3A_229 = arith.addi %mul3A_227, %add3A_228 : i32
      %mul3A_230 = arith.constant 16 : i32
      %mul3A_231 = arith.muli %add3A_229, %mul3A_230 : i32
      %swap3A_232 = arith.index_cast %mul3A_231 : i32 to index
      %swap3A_233 = tpu.vector_load %arg12[%swap3A_232] {strides = array<i32>} : memref<4096xf32, #tpu.memory_space<vmem>>, vector<16xf32>,
      tpu.vector_store %arg12[%swap3A_232], %gather3A_225 {strides = array<i32>} : memref<4096xf32, #tpu.memory_space<vmem>>, vector<16xf32>,
      %mul3A_234 = arith.constant 8 : i32
      %mul3A_235 = arith.muli %scan3A_168, %mul3A_234 : i32
      %add3A_236 = arith.constant 4 : i32
      %add3A_237 = arith.addi %mul3A_235, %add3A_236 : i32
      %mul3A_238 = arith.constant 16 : i32
      %mul3A_239 = arith.muli %add3A_237, %mul3A_238 : i32
      %get3A_240 = arith.index_cast %mul3A_239 : i32 to index
      %get3A_241 = tpu.vector_load %arg13[%get3A_240] {strides = array<i32>} : memref<4096xi32, #tpu.memory_space<vmem>>, vector<16xi32>,
      %gather3A_242 = tpu.vector_load_idx %arg11[%get3A_241] : memref<100000xf32, #tpu.memory_space<vmem>>[vector<16xi32>], vector<16xf32>,
      %mul3A_243 = arith.constant 8 : i32
      %mul3A_244 = arith.muli %scan3A_168, %mul3A_243 : i32
      %add3A_245 = arith.constant 4 : i32
      %add3A_246 = arith.addi %mul3A_244, %add3A_245 : i32
      %mul3A_247 = arith.constant 16 : i32
      %mul3A_248 = arith.muli %add3A_246, %mul3A_247 : i32
      %swap3A_249 = arith.index_cast %mul3A_248 : i32 to index
      %swap3A_250 = tpu.vector_load %arg12[%swap3A_249] {strides = array<i32>} : memref<4096xf32, #tpu.memory_space<vmem>>, vector<16xf32>,
      tpu.vector_store %arg12[%swap3A_249], %gather3A_242 {strides = array<i32>} : memref<4096xf32, #tpu.memory_space<vmem>>, vector<16xf32>,
      %mul3A_251 = arith.constant 8 : i32
      %mul3A_252 = arith.muli %scan3A_168, %mul3A_251 : i32
      %add3A_253 = arith.constant 5 : i32
      %add3A_254 = arith.addi %mul3A_252, %add3A_253 : i32
      %mul3A_255 = arith.constant 16 : i32
      %mul3A_256 = arith.muli %add3A_254, %mul3A_255 : i32
      %get3A_257 = arith.index_cast %mul3A_256 : i32 to index
      %get3A_258 = tpu.vector_load %arg13[%get3A_257] {strides = array<i32>} : memref<4096xi32, #tpu.memory_space<vmem>>, vector<16xi32>,
      %gather3A_259 = tpu.vector_load_idx %arg11[%get3A_258] : memref<100000xf32, #tpu.memory_space<vmem>>[vector<16xi32>], vector<16xf32>,
      %mul3A_260 = arith.constant 8 : i32
      %mul3A_261 = arith.muli %scan3A_168, %mul3A_260 : i32
      %add3A_262 = arith.constant 5 : i32
      %add3A_263 = arith.addi %mul3A_261, %add3A_262 : i32
      %mul3A_264 = arith.constant 16 : i32
      %mul3A_265 = arith.muli %add3A_263, %mul3A_264 : i32
      %swap3A_266 = arith.index_cast %mul3A_265 : i32 to index
      %swap3A_267 = tpu.vector_load %arg12[%swap3A_266] {strides = array<i32>} : memref<4096xf32, #tpu.memory_space<vmem>>, vector<16xf32>,
      tpu.vector_store %arg12[%swap3A_266], %gather3A_259 {strides = array<i32>} : memref<4096xf32, #tpu.memory_space<vmem>>, vector<16xf32>,
      %mul3A_268 = arith.constant 8 : i32
      %mul3A_269 = arith.muli %scan3A_168, %mul3A_268 : i32
      %add3A_270 = arith.constant 6 : i32
      %add3A_271 = arith.addi %mul3A_269, %add3A_270 : i32
      %mul3A_272 = arith.constant 16 : i32
      %mul3A_273 = arith.muli %add3A_271, %mul3A_272 : i32
      %get3A_274 = arith.index_cast %mul3A_273 : i32 to index
      %get3A_275 = tpu.vector_load %arg13[%get3A_274] {strides = array<i32>} : memref<4096xi32, #tpu.memory_space<vmem>>, vector<16xi32>,
      %gather3A_276 = tpu.vector_load_idx %arg11[%get3A_275] : memref<100000xf32, #tpu.memory_space<vmem>>[vector<16xi32>], vector<16xf32>,
      %mul3A_277 = arith.constant 8 : i32
      %mul3A_278 = arith.muli %scan3A_168, %mul3A_277 : i32
      %add3A_279 = arith.constant 6 : i32
      %add3A_280 = arith.addi %mul3A_278, %add3A_279 : i32
      %mul3A_281 = arith.constant 16 : i32
      %mul3A_282 = arith.muli %add3A_280, %mul3A_281 : i32
      %swap3A_283 = arith.index_cast %mul3A_282 : i32 to index
      %swap3A_284 = tpu.vector_load %arg12[%swap3A_283] {strides = array<i32>} : memref<4096xf32, #tpu.memory_space<vmem>>, vector<16xf32>,
      tpu.vector_store %arg12[%swap3A_283], %gather3A_276 {strides = array<i32>} : memref<4096xf32, #tpu.memory_space<vmem>>, vector<16xf32>,
      %mul3A_285 = arith.constant 8 : i32
      %mul3A_286 = arith.muli %scan3A_168, %mul3A_285 : i32
      %add3A_287 = arith.constant 7 : i32
      %add3A_288 = arith.addi %mul3A_286, %add3A_287 : i32
      %mul3A_289 = arith.constant 16 : i32
      %mul3A_290 = arith.muli %add3A_288, %mul3A_289 : i32
      %get3A_291 = arith.index_cast %mul3A_290 : i32 to index
      %get3A_292 = tpu.vector_load %arg13[%get3A_291] {strides = array<i32>} : memref<4096xi32, #tpu.memory_space<vmem>>, vector<16xi32>,
      %gather3A_293 = tpu.vector_load_idx %arg11[%get3A_292] : memref<100000xf32, #tpu.memory_space<vmem>>[vector<16xi32>], vector<16xf32>,
      %mul3A_294 = arith.constant 8 : i32
      %mul3A_295 = arith.muli %scan3A_168, %mul3A_294 : i32
      %add3A_296 = arith.constant 7 : i32
      %add3A_297 = arith.addi %mul3A_295, %add3A_296 : i32
      %mul3A_298 = arith.constant 16 : i32
      %mul3A_299 = arith.muli %add3A_297, %mul3A_298 : i32
      %swap3A_300 = arith.index_cast %mul3A_299 : i32 to index
      %swap3A_301 = tpu.vector_load %arg12[%swap3A_300] {strides = array<i32>} : memref<4096xf32, #tpu.memory_space<vmem>>, vector<16xf32>,
      tpu.vector_store %arg12[%swap3A_300], %gather3A_293 {strides = array<i32>} : memref<4096xf32, #tpu.memory_space<vmem>>, vector<16xf32>,
    }
    %scan3A_40 = arith.constant 32 : i32
    "tpu.region"() ({
      %run_scoped3A = tpu.sem_alloc : memref<!tpu.dma_semaphore, #tpu.memory_space<semaphore_mem>>
      %dma_start3A_168 = arith.constant 4096 : i32
      %dma_start3A_169 = tpu.memref_slice %arg8[%add3A, %dma_start3A_168] : memref<32x16384xf32, #tpu.memory_space<hbm>> -> memref<1x4096xf32, #tpu.memory_space<hbm>>
      %dma_start3A_170 = tpu.memref_squeeze %dma_start3A_169 : memref<1x4096xf32, #tpu.memory_space<hbm>> -> memref<4096xf32, #tpu.memory_space<hbm>>
      %dma_start3A_171 = arith.constant 4096 : i32
      %dma_start3A_172 = tpu.memref_slice %arg8[%add3A, %dma_start3A_171] : memref<32x16384xf32, #tpu.memory_space<hbm>> -> memref<1x4096xf32, #tpu.memory_space<hbm>>
      %dma_start3A_173 = tpu.memref_squeeze %dma_start3A_172 : memref<1x4096xf32, #tpu.memory_space<hbm>> -> memref<4096xf32, #tpu.memory_space<hbm>>
      tpu.enqueue_dma source(%arg12 : memref<4096xf32, #tpu.memory_space<vmem>>) target(%dma_start3A_173 : memref<4096xf32, #tpu.memory_space<hbm>>) target_semaphore(%run_scoped3A : memref<!tpu.dma_semaphore, #tpu.memory_space<semaphore_mem>>)
      %dma_wait3A_174 = arith.constant 4096 : i32
      %dma_wait3A_175 = tpu.memref_slice %arg8[%add3A, %dma_wait3A_174] : memref<32x16384xf32, #tpu.memory_space<hbm>> -> memref<1x4096xf32, #tpu.memory_space<hbm>>
      %dma_wait3A_176 = tpu.memref_squeeze %dma_wait3A_175 : memref<1x4096xf32, #tpu.memory_space<hbm>> -> memref<4096xf32, #tpu.memory_space<hbm>>
      %dma_wait3A_177 = arith.constant 4096 : i32
      %dma_wait3A_178 = tpu.memref_slice %arg8[%add3A, %dma_wait3A_177] : memref<32x16384xf32, #tpu.memory_space<hbm>> -> memref<1x4096xf32, #tpu.memory_space<hbm>>
      %dma_wait3A_179 = tpu.memref_squeeze %dma_wait3A_178 : memref<1x4096xf32, #tpu.memory_space<hbm>> -> memref<4096xf32, #tpu.memory_space<hbm>>
      tpu.wait_dma2 semaphore(%run_scoped3A : memref<!tpu.dma_semaphore, #tpu.memory_space<semaphore_mem>>) src(%arg12 : memref<4096xf32, #tpu.memory_space<vmem>>) dst(%dma_wait3A_179 : memref<4096xf32, #tpu.memory_space<hbm>>)
      tpu.yield
    }) : () -> ()
    %dma_wait3A_41 = arith.constant 128 : i32
    %dma_wait3A_42 = tpu.memref_slice %arg15[%dma_wait3A_41] : memref<512xi32, #tpu.memory_space<vmem>> -> memref<128xi32, #tpu.memory_space<vmem>>
    %dma_wait3A_43 = arith.constant 0 : i32
    %dma_wait3A_44 = arith.constant 0 : i32
    %dma_wait3A_45 = tpu.memref_slice %arg6[%dma_wait3A_43, %dma_wait3A_44] : memref<100000x128xf32, #tpu.memory_space<hbm>> -> memref<100000x128xf32, #tpu.memory_space<hbm>>
    tpu.wait_indirect_dma semaphore(%arg17 : memref<!tpu.dma_semaphore, #tpu.memory_space<semaphore_mem>>) src(%dma_wait3A_45 : memref<100000x128xf32, #tpu.memory_space<hbm>>) dst(%arg14 : memref<128x128xf32, #tpu.memory_space<vmem>>)
    %add3A_46 = arith.constant 128 : i32
    %add3A_47 = arith.addi %mul3A_2, %add3A_46 : i32
    "tpu.region"() ({
      %run_scoped3A = tpu.sem_alloc : memref<!tpu.dma_semaphore, #tpu.memory_space<semaphore_mem>>
      %dma_start3A_168 = arith.constant 0 : i32
      %dma_start3A_169 = tpu.memref_slice %arg9[%add3A_47, %dma_start3A_168] : memref<16384x128xf32, #tpu.memory_space<hbm>> -> memref<128x128xf32, #tpu.memory_space<hbm>>
      %dma_start3A_170 = arith.constant 0 : i32
      %dma_start3A_171 = tpu.memref_slice %arg9[%add3A_47, %dma_start3A_170] : memref<16384x128xf32, #tpu.memory_space<hbm>> -> memref<128x128xf32, #tpu.memory_space<hbm>>
      tpu.enqueue_dma source(%arg14 : memref<128x128xf32, #tpu.memory_space<vmem>>) target(%dma_start3A_171 : memref<128x128xf32, #tpu.memory_space<hbm>>) target_semaphore(%run_scoped3A : memref<!tpu.dma_semaphore, #tpu.memory_space<semaphore_mem>>)
      %dma_wait3A_172 = arith.constant 0 : i32
      %dma_wait3A_173 = tpu.memref_slice %arg9[%add3A_47, %dma_wait3A_172] : memref<16384x128xf32, #tpu.memory_space<hbm>> -> memref<128x128xf32, #tpu.memory_space<hbm>>
      %dma_wait3A_174 = arith.constant 0 : i32
      %dma_wait3A_175 = tpu.memref_slice %arg9[%add3A_47, %dma_wait3A_174] : memref<16384x128xf32, #tpu.memory_space<hbm>> -> memref<128x128xf32, #tpu.memory_space<hbm>>
      tpu.wait_dma2 semaphore(%run_scoped3A : memref<!tpu.dma_semaphore, #tpu.memory_space<semaphore_mem>>) src(%arg14 : memref<128x128xf32, #tpu.memory_space<vmem>>) dst(%dma_wait3A_175 : memref<128x128xf32, #tpu.memory_space<hbm>>)
      tpu.yield
    }) : () -> ()
    %dma_start3A_48 = arith.constant 256 : i32
    %dma_start3A_49 = tpu.memref_slice %arg15[%dma_start3A_48] : memref<512xi32, #tpu.memory_space<vmem>> -> memref<128xi32, #tpu.memory_space<vmem>>
    %dma_start3A_50 = arith.constant 0 : i32
    %dma_start3A_51 = arith.constant 0 : i32
    %dma_start3A_52 = tpu.memref_slice %arg6[%dma_start3A_50, %dma_start3A_51] : memref<100000x128xf32, #tpu.memory_space<hbm>> -> memref<100000x128xf32, #tpu.memory_space<hbm>>
    tpu.enqueue_indirect_dma source(%dma_start3A_52 : memref<100000x128xf32, #tpu.memory_space<hbm>>) target(%arg14 : memref<128x128xf32, #tpu.memory_space<vmem>>) offsets(%dma_start3A_49 : memref<128xi32, #tpu.memory_space<vmem>>) semaphore(%arg17 : memref<!tpu.dma_semaphore, #tpu.memory_space<semaphore_mem>>)
    "tpu.region"() ({
      %run_scoped3A = tpu.sem_alloc : memref<!tpu.dma_semaphore, #tpu.memory_space<semaphore_mem>>
      %dma_start3A_168 = arith.constant 8192 : i32
      %dma_start3A_169 = tpu.memref_slice %arg2[%dma_start3A_168] : memref<16384xi32, #tpu.memory_space<hbm>> -> memref<4096xi32, #tpu.memory_space<hbm>>
      %dma_start3A_170 = arith.constant 8192 : i32
      %dma_start3A_171 = tpu.memref_slice %arg2[%dma_start3A_170] : memref<16384xi32, #tpu.memory_space<hbm>> -> memref<4096xi32, #tpu.memory_space<hbm>>
      tpu.enqueue_dma source(%dma_start3A_171 : memref<4096xi32, #tpu.memory_space<hbm>>) target(%arg13 : memref<4096xi32, #tpu.memory_space<vmem>>) target_semaphore(%run_scoped3A : memref<!tpu.dma_semaphore, #tpu.memory_space<semaphore_mem>>)
      %dma_wait3A_172 = arith.constant 8192 : i32
      %dma_wait3A_173 = tpu.memref_slice %arg2[%dma_wait3A_172] : memref<16384xi32, #tpu.memory_space<hbm>> -> memref<4096xi32, #tpu.memory_space<hbm>>
      %dma_wait3A_174 = arith.constant 8192 : i32
      %dma_wait3A_175 = tpu.memref_slice %arg2[%dma_wait3A_174] : memref<16384xi32, #tpu.memory_space<hbm>> -> memref<4096xi32, #tpu.memory_space<hbm>>
      tpu.wait_dma2 semaphore(%run_scoped3A : memref<!tpu.dma_semaphore, #tpu.memory_space<semaphore_mem>>) src(%dma_wait3A_175 : memref<4096xi32, #tpu.memory_space<hbm>>) dst(%arg13 : memref<4096xi32, #tpu.memory_space<vmem>>)
      tpu.yield
    }) : () -> ()
    %scan3A_53 = arith.constant 0 : i32
    %scan3A_54 = arith.constant 0 : i32
    %scan3A_55 = arith.constant 32 : i32
    %scan3A_56 = arith.addi %scan3A_54, %scan3A_55 : i32
    %scan3A_57 = arith.constant 1 : i32
    scf.for %scan3A_168 = %scan3A_54 to %scan3A_56 step %scan3A_57  : i32 {
      %mul3A_169 = arith.constant 8 : i32
      %mul3A_170 = arith.muli %scan3A_168, %mul3A_169 : i32
      %add3A_171 = arith.constant 0 : i32
      %add3A_172 = arith.addi %mul3A_170, %add3A_171 : i32
      %mul3A_173 = arith.constant 16 : i32
      %mul3A_174 = arith.muli %add3A_172, %mul3A_173 : i32
      %get3A = arith.index_cast %mul3A_174 : i32 to index
      %get3A_175 = tpu.vector_load %arg13[%get3A] {strides = array<i32>} : memref<4096xi32, #tpu.memory_space<vmem>>, vector<16xi32>,
      %gather3A = tpu.vector_load_idx %arg11[%get3A_175] : memref<100000xf32, #tpu.memory_space<vmem>>[vector<16xi32>], vector<16xf32>,
      %mul3A_176 = arith.constant 8 : i32
      %mul3A_177 = arith.muli %scan3A_168, %mul3A_176 : i32
      %add3A_178 = arith.constant 0 : i32
      %add3A_179 = arith.addi %mul3A_177, %add3A_178 : i32
      %mul3A_180 = arith.constant 16 : i32
      %mul3A_181 = arith.muli %add3A_179, %mul3A_180 : i32
      %swap3A = arith.index_cast %mul3A_181 : i32 to index
      %swap3A_182 = tpu.vector_load %arg12[%swap3A] {strides = array<i32>} : memref<4096xf32, #tpu.memory_space<vmem>>, vector<16xf32>,
      tpu.vector_store %arg12[%swap3A], %gather3A {strides = array<i32>} : memref<4096xf32, #tpu.memory_space<vmem>>, vector<16xf32>,
      %mul3A_183 = arith.constant 8 : i32
      %mul3A_184 = arith.muli %scan3A_168, %mul3A_183 : i32
      %add3A_185 = arith.constant 1 : i32
      %add3A_186 = arith.addi %mul3A_184, %add3A_185 : i32
      %mul3A_187 = arith.constant 16 : i32
      %mul3A_188 = arith.muli %add3A_186, %mul3A_187 : i32
      %get3A_189 = arith.index_cast %mul3A_188 : i32 to index
      %get3A_190 = tpu.vector_load %arg13[%get3A_189] {strides = array<i32>} : memref<4096xi32, #tpu.memory_space<vmem>>, vector<16xi32>,
      %gather3A_191 = tpu.vector_load_idx %arg11[%get3A_190] : memref<100000xf32, #tpu.memory_space<vmem>>[vector<16xi32>], vector<16xf32>,
      %mul3A_192 = arith.constant 8 : i32
      %mul3A_193 = arith.muli %scan3A_168, %mul3A_192 : i32
      %add3A_194 = arith.constant 1 : i32
      %add3A_195 = arith.addi %mul3A_193, %add3A_194 : i32
      %mul3A_196 = arith.constant 16 : i32
      %mul3A_197 = arith.muli %add3A_195, %mul3A_196 : i32
      %swap3A_198 = arith.index_cast %mul3A_197 : i32 to index
      %swap3A_199 = tpu.vector_load %arg12[%swap3A_198] {strides = array<i32>} : memref<4096xf32, #tpu.memory_space<vmem>>, vector<16xf32>,
      tpu.vector_store %arg12[%swap3A_198], %gather3A_191 {strides = array<i32>} : memref<4096xf32, #tpu.memory_space<vmem>>, vector<16xf32>,
      %mul3A_200 = arith.constant 8 : i32
      %mul3A_201 = arith.muli %scan3A_168, %mul3A_200 : i32
      %add3A_202 = arith.constant 2 : i32
      %add3A_203 = arith.addi %mul3A_201, %add3A_202 : i32
      %mul3A_204 = arith.constant 16 : i32
      %mul3A_205 = arith.muli %add3A_203, %mul3A_204 : i32
      %get3A_206 = arith.index_cast %mul3A_205 : i32 to index
      %get3A_207 = tpu.vector_load %arg13[%get3A_206] {strides = array<i32>} : memref<4096xi32, #tpu.memory_space<vmem>>, vector<16xi32>,
      %gather3A_208 = tpu.vector_load_idx %arg11[%get3A_207] : memref<100000xf32, #tpu.memory_space<vmem>>[vector<16xi32>], vector<16xf32>,
      %mul3A_209 = arith.constant 8 : i32
      %mul3A_210 = arith.muli %scan3A_168, %mul3A_209 : i32
      %add3A_211 = arith.constant 2 : i32
      %add3A_212 = arith.addi %mul3A_210, %add3A_211 : i32
      %mul3A_213 = arith.constant 16 : i32
      %mul3A_214 = arith.muli %add3A_212, %mul3A_213 : i32
      %swap3A_215 = arith.index_cast %mul3A_214 : i32 to index
      %swap3A_216 = tpu.vector_load %arg12[%swap3A_215] {strides = array<i32>} : memref<4096xf32, #tpu.memory_space<vmem>>, vector<16xf32>,
      tpu.vector_store %arg12[%swap3A_215], %gather3A_208 {strides = array<i32>} : memref<4096xf32, #tpu.memory_space<vmem>>, vector<16xf32>,
      %mul3A_217 = arith.constant 8 : i32
      %mul3A_218 = arith.muli %scan3A_168, %mul3A_217 : i32
      %add3A_219 = arith.constant 3 : i32
      %add3A_220 = arith.addi %mul3A_218, %add3A_219 : i32
      %mul3A_221 = arith.constant 16 : i32
      %mul3A_222 = arith.muli %add3A_220, %mul3A_221 : i32
      %get3A_223 = arith.index_cast %mul3A_222 : i32 to index
      %get3A_224 = tpu.vector_load %arg13[%get3A_223] {strides = array<i32>} : memref<4096xi32, #tpu.memory_space<vmem>>, vector<16xi32>,
      %gather3A_225 = tpu.vector_load_idx %arg11[%get3A_224] : memref<100000xf32, #tpu.memory_space<vmem>>[vector<16xi32>], vector<16xf32>,
      %mul3A_226 = arith.constant 8 : i32
      %mul3A_227 = arith.muli %scan3A_168, %mul3A_226 : i32
      %add3A_228 = arith.constant 3 : i32
      %add3A_229 = arith.addi %mul3A_227, %add3A_228 : i32
      %mul3A_230 = arith.constant 16 : i32
      %mul3A_231 = arith.muli %add3A_229, %mul3A_230 : i32
      %swap3A_232 = arith.index_cast %mul3A_231 : i32 to index
      %swap3A_233 = tpu.vector_load %arg12[%swap3A_232] {strides = array<i32>} : memref<4096xf32, #tpu.memory_space<vmem>>, vector<16xf32>,
      tpu.vector_store %arg12[%swap3A_232], %gather3A_225 {strides = array<i32>} : memref<4096xf32, #tpu.memory_space<vmem>>, vector<16xf32>,
      %mul3A_234 = arith.constant 8 : i32
      %mul3A_235 = arith.muli %scan3A_168, %mul3A_234 : i32
      %add3A_236 = arith.constant 4 : i32
      %add3A_237 = arith.addi %mul3A_235, %add3A_236 : i32
      %mul3A_238 = arith.constant 16 : i32
      %mul3A_239 = arith.muli %add3A_237, %mul3A_238 : i32
      %get3A_240 = arith.index_cast %mul3A_239 : i32 to index
      %get3A_241 = tpu.vector_load %arg13[%get3A_240] {strides = array<i32>} : memref<4096xi32, #tpu.memory_space<vmem>>, vector<16xi32>,
      %gather3A_242 = tpu.vector_load_idx %arg11[%get3A_241] : memref<100000xf32, #tpu.memory_space<vmem>>[vector<16xi32>], vector<16xf32>,
      %mul3A_243 = arith.constant 8 : i32
      %mul3A_244 = arith.muli %scan3A_168, %mul3A_243 : i32
      %add3A_245 = arith.constant 4 : i32
      %add3A_246 = arith.addi %mul3A_244, %add3A_245 : i32
      %mul3A_247 = arith.constant 16 : i32
      %mul3A_248 = arith.muli %add3A_246, %mul3A_247 : i32
      %swap3A_249 = arith.index_cast %mul3A_248 : i32 to index
      %swap3A_250 = tpu.vector_load %arg12[%swap3A_249] {strides = array<i32>} : memref<4096xf32, #tpu.memory_space<vmem>>, vector<16xf32>,
      tpu.vector_store %arg12[%swap3A_249], %gather3A_242 {strides = array<i32>} : memref<4096xf32, #tpu.memory_space<vmem>>, vector<16xf32>,
      %mul3A_251 = arith.constant 8 : i32
      %mul3A_252 = arith.muli %scan3A_168, %mul3A_251 : i32
      %add3A_253 = arith.constant 5 : i32
      %add3A_254 = arith.addi %mul3A_252, %add3A_253 : i32
      %mul3A_255 = arith.constant 16 : i32
      %mul3A_256 = arith.muli %add3A_254, %mul3A_255 : i32
      %get3A_257 = arith.index_cast %mul3A_256 : i32 to index
      %get3A_258 = tpu.vector_load %arg13[%get3A_257] {strides = array<i32>} : memref<4096xi32, #tpu.memory_space<vmem>>, vector<16xi32>,
      %gather3A_259 = tpu.vector_load_idx %arg11[%get3A_258] : memref<100000xf32, #tpu.memory_space<vmem>>[vector<16xi32>], vector<16xf32>,
      %mul3A_260 = arith.constant 8 : i32
      %mul3A_261 = arith.muli %scan3A_168, %mul3A_260 : i32
      %add3A_262 = arith.constant 5 : i32
      %add3A_263 = arith.addi %mul3A_261, %add3A_262 : i32
      %mul3A_264 = arith.constant 16 : i32
      %mul3A_265 = arith.muli %add3A_263, %mul3A_264 : i32
      %swap3A_266 = arith.index_cast %mul3A_265 : i32 to index
      %swap3A_267 = tpu.vector_load %arg12[%swap3A_266] {strides = array<i32>} : memref<4096xf32, #tpu.memory_space<vmem>>, vector<16xf32>,
      tpu.vector_store %arg12[%swap3A_266], %gather3A_259 {strides = array<i32>} : memref<4096xf32, #tpu.memory_space<vmem>>, vector<16xf32>,
      %mul3A_268 = arith.constant 8 : i32
      %mul3A_269 = arith.muli %scan3A_168, %mul3A_268 : i32
      %add3A_270 = arith.constant 6 : i32
      %add3A_271 = arith.addi %mul3A_269, %add3A_270 : i32
      %mul3A_272 = arith.constant 16 : i32
      %mul3A_273 = arith.muli %add3A_271, %mul3A_272 : i32
      %get3A_274 = arith.index_cast %mul3A_273 : i32 to index
      %get3A_275 = tpu.vector_load %arg13[%get3A_274] {strides = array<i32>} : memref<4096xi32, #tpu.memory_space<vmem>>, vector<16xi32>,
      %gather3A_276 = tpu.vector_load_idx %arg11[%get3A_275] : memref<100000xf32, #tpu.memory_space<vmem>>[vector<16xi32>], vector<16xf32>,
      %mul3A_277 = arith.constant 8 : i32
      %mul3A_278 = arith.muli %scan3A_168, %mul3A_277 : i32
      %add3A_279 = arith.constant 6 : i32
      %add3A_280 = arith.addi %mul3A_278, %add3A_279 : i32
      %mul3A_281 = arith.constant 16 : i32
      %mul3A_282 = arith.muli %add3A_280, %mul3A_281 : i32
      %swap3A_283 = arith.index_cast %mul3A_282 : i32 to index
      %swap3A_284 = tpu.vector_load %arg12[%swap3A_283] {strides = array<i32>} : memref<4096xf32, #tpu.memory_space<vmem>>, vector<16xf32>,
      tpu.vector_store %arg12[%swap3A_283], %gather3A_276 {strides = array<i32>} : memref<4096xf32, #tpu.memory_space<vmem>>, vector<16xf32>,
      %mul3A_285 = arith.constant 8 : i32
      %mul3A_286 = arith.muli %scan3A_168, %mul3A_285 : i32
      %add3A_287 = arith.constant 7 : i32
      %add3A_288 = arith.addi %mul3A_286, %add3A_287 : i32
      %mul3A_289 = arith.constant 16 : i32
      %mul3A_290 = arith.muli %add3A_288, %mul3A_289 : i32
      %get3A_291 = arith.index_cast %mul3A_290 : i32 to index
      %get3A_292 = tpu.vector_load %arg13[%get3A_291] {strides = array<i32>} : memref<4096xi32, #tpu.memory_space<vmem>>, vector<16xi32>,
      %gather3A_293 = tpu.vector_load_idx %arg11[%get3A_292] : memref<100000xf32, #tpu.memory_space<vmem>>[vector<16xi32>], vector<16xf32>,
      %mul3A_294 = arith.constant 8 : i32
      %mul3A_295 = arith.muli %scan3A_168, %mul3A_294 : i32
      %add3A_296 = arith.constant 7 : i32
      %add3A_297 = arith.addi %mul3A_295, %add3A_296 : i32
      %mul3A_298 = arith.constant 16 : i32
      %mul3A_299 = arith.muli %add3A_297, %mul3A_298 : i32
      %swap3A_300 = arith.index_cast %mul3A_299 : i32 to index
      %swap3A_301 = tpu.vector_load %arg12[%swap3A_300] {strides = array<i32>} : memref<4096xf32, #tpu.memory_space<vmem>>, vector<16xf32>,
      tpu.vector_store %arg12[%swap3A_300], %gather3A_293 {strides = array<i32>} : memref<4096xf32, #tpu.memory_space<vmem>>, vector<16xf32>,
    }
    %scan3A_58 = arith.constant 32 : i32
    "tpu.region"() ({
      %run_scoped3A = tpu.sem_alloc : memref<!tpu.dma_semaphore, #tpu.memory_space<semaphore_mem>>
      %dma_start3A_168 = arith.constant 8192 : i32
      %dma_start3A_169 = tpu.memref_slice %arg8[%add3A, %dma_start3A_168] : memref<32x16384xf32, #tpu.memory_space<hbm>> -> memref<1x4096xf32, #tpu.memory_space<hbm>>
      %dma_start3A_170 = tpu.memref_squeeze %dma_start3A_169 : memref<1x4096xf32, #tpu.memory_space<hbm>> -> memref<4096xf32, #tpu.memory_space<hbm>>
      %dma_start3A_171 = arith.constant 8192 : i32
      %dma_start3A_172 = tpu.memref_slice %arg8[%add3A, %dma_start3A_171] : memref<32x16384xf32, #tpu.memory_space<hbm>> -> memref<1x4096xf32, #tpu.memory_space<hbm>>
      %dma_start3A_173 = tpu.memref_squeeze %dma_start3A_172 : memref<1x4096xf32, #tpu.memory_space<hbm>> -> memref<4096xf32, #tpu.memory_space<hbm>>
      tpu.enqueue_dma source(%arg12 : memref<4096xf32, #tpu.memory_space<vmem>>) target(%dma_start3A_173 : memref<4096xf32, #tpu.memory_space<hbm>>) target_semaphore(%run_scoped3A : memref<!tpu.dma_semaphore, #tpu.memory_space<semaphore_mem>>)
      %dma_wait3A_174 = arith.constant 8192 : i32
      %dma_wait3A_175 = tpu.memref_slice %arg8[%add3A, %dma_wait3A_174] : memref<32x16384xf32, #tpu.memory_space<hbm>> -> memref<1x4096xf32, #tpu.memory_space<hbm>>
      %dma_wait3A_176 = tpu.memref_squeeze %dma_wait3A_175 : memref<1x4096xf32, #tpu.memory_space<hbm>> -> memref<4096xf32, #tpu.memory_space<hbm>>
      %dma_wait3A_177 = arith.constant 8192 : i32
      %dma_wait3A_178 = tpu.memref_slice %arg8[%add3A, %dma_wait3A_177] : memref<32x16384xf32, #tpu.memory_space<hbm>> -> memref<1x4096xf32, #tpu.memory_space<hbm>>
      %dma_wait3A_179 = tpu.memref_squeeze %dma_wait3A_178 : memref<1x4096xf32, #tpu.memory_space<hbm>> -> memref<4096xf32, #tpu.memory_space<hbm>>
      tpu.wait_dma2 semaphore(%run_scoped3A : memref<!tpu.dma_semaphore, #tpu.memory_space<semaphore_mem>>) src(%arg12 : memref<4096xf32, #tpu.memory_space<vmem>>) dst(%dma_wait3A_179 : memref<4096xf32, #tpu.memory_space<hbm>>)
      tpu.yield
    }) : () -> ()
    %dma_wait3A_59 = arith.constant 256 : i32
    %dma_wait3A_60 = tpu.memref_slice %arg15[%dma_wait3A_59] : memref<512xi32, #tpu.memory_space<vmem>> -> memref<128xi32, #tpu.memory_space<vmem>>
    %dma_wait3A_61 = arith.constant 0 : i32
    %dma_wait3A_62 = arith.constant 0 : i32
    %dma_wait3A_63 = tpu.memref_slice %arg6[%dma_wait3A_61, %dma_wait3A_62] : memref<100000x128xf32, #tpu.memory_space<hbm>> -> memref<100000x128xf32, #tpu.memory_space<hbm>>
    tpu.wait_indirect_dma semaphore(%arg17 : memref<!tpu.dma_semaphore, #tpu.memory_space<semaphore_mem>>) src(%dma_wait3A_63 : memref<100000x128xf32, #tpu.memory_space<hbm>>) dst(%arg14 : memref<128x128xf32, #tpu.memory_space<vmem>>)
    %add3A_64 = arith.constant 256 : i32
    %add3A_65 = arith.addi %mul3A_2, %add3A_64 : i32
    "tpu.region"() ({
      %run_scoped3A = tpu.sem_alloc : memref<!tpu.dma_semaphore, #tpu.memory_space<semaphore_mem>>
      %dma_start3A_168 = arith.constant 0 : i32
      %dma_start3A_169 = tpu.memref_slice %arg9[%add3A_65, %dma_start3A_168] : memref<16384x128xf32, #tpu.memory_space<hbm>> -> memref<128x128xf32, #tpu.memory_space<hbm>>
      %dma_start3A_170 = arith.constant 0 : i32
      %dma_start3A_171 = tpu.memref_slice %arg9[%add3A_65, %dma_start3A_170] : memref<16384x128xf32, #tpu.memory_space<hbm>> -> memref<128x128xf32, #tpu.memory_space<hbm>>
      tpu.enqueue_dma source(%arg14 : memref<128x128xf32, #tpu.memory_space<vmem>>) target(%dma_start3A_171 : memref<128x128xf32, #tpu.memory_space<hbm>>) target_semaphore(%run_scoped3A : memref<!tpu.dma_semaphore, #tpu.memory_space<semaphore_mem>>)
      %dma_wait3A_172 = arith.constant 0 : i32
      %dma_wait3A_173 = tpu.memref_slice %arg9[%add3A_65, %dma_wait3A_172] : memref<16384x128xf32, #tpu.memory_space<hbm>> -> memref<128x128xf32, #tpu.memory_space<hbm>>
      %dma_wait3A_174 = arith.constant 0 : i32
      %dma_wait3A_175 = tpu.memref_slice %arg9[%add3A_65, %dma_wait3A_174] : memref<16384x128xf32, #tpu.memory_space<hbm>> -> memref<128x128xf32, #tpu.memory_space<hbm>>
      tpu.wait_dma2 semaphore(%run_scoped3A : memref<!tpu.dma_semaphore, #tpu.memory_space<semaphore_mem>>) src(%arg14 : memref<128x128xf32, #tpu.memory_space<vmem>>) dst(%dma_wait3A_175 : memref<128x128xf32, #tpu.memory_space<hbm>>)
      tpu.yield
    }) : () -> ()
    %dma_start3A_66 = arith.constant 384 : i32
    %dma_start3A_67 = tpu.memref_slice %arg15[%dma_start3A_66] : memref<512xi32, #tpu.memory_space<vmem>> -> memref<128xi32, #tpu.memory_space<vmem>>
    %dma_start3A_68 = arith.constant 0 : i32
    %dma_start3A_69 = arith.constant 0 : i32
    %dma_start3A_70 = tpu.memref_slice %arg6[%dma_start3A_68, %dma_start3A_69] : memref<100000x128xf32, #tpu.memory_space<hbm>> -> memref<100000x128xf32, #tpu.memory_space<hbm>>
    tpu.enqueue_indirect_dma source(%dma_start3A_70 : memref<100000x128xf32, #tpu.memory_space<hbm>>) target(%arg14 : memref<128x128xf32, #tpu.memory_space<vmem>>) offsets(%dma_start3A_67 : memref<128xi32, #tpu.memory_space<vmem>>) semaphore(%arg17 : memref<!tpu.dma_semaphore, #tpu.memory_space<semaphore_mem>>)
    "tpu.region"() ({
      %run_scoped3A = tpu.sem_alloc : memref<!tpu.dma_semaphore, #tpu.memory_space<semaphore_mem>>
      %dma_start3A_168 = arith.constant 12288 : i32
      %dma_start3A_169 = tpu.memref_slice %arg2[%dma_start3A_168] : memref<16384xi32, #tpu.memory_space<hbm>> -> memref<4096xi32, #tpu.memory_space<hbm>>
      %dma_start3A_170 = arith.constant 12288 : i32
      %dma_start3A_171 = tpu.memref_slice %arg2[%dma_start3A_170] : memref<16384xi32, #tpu.memory_space<hbm>> -> memref<4096xi32, #tpu.memory_space<hbm>>
      tpu.enqueue_dma source(%dma_start3A_171 : memref<4096xi32, #tpu.memory_space<hbm>>) target(%arg13 : memref<4096xi32, #tpu.memory_space<vmem>>) target_semaphore(%run_scoped3A : memref<!tpu.dma_semaphore, #tpu.memory_space<semaphore_mem>>)
      %dma_wait3A_172 = arith.constant 12288 : i32
      %dma_wait3A_173 = tpu.memref_slice %arg2[%dma_wait3A_172] : memref<16384xi32, #tpu.memory_space<hbm>> -> memref<4096xi32, #tpu.memory_space<hbm>>
      %dma_wait3A_174 = arith.constant 12288 : i32
      %dma_wait3A_175 = tpu.memref_slice %arg2[%dma_wait3A_174] : memref<16384xi32, #tpu.memory_space<hbm>> -> memref<4096xi32, #tpu.memory_space<hbm>>
      tpu.wait_dma2 semaphore(%run_scoped3A : memref<!tpu.dma_semaphore, #tpu.memory_space<semaphore_mem>>) src(%dma_wait3A_175 : memref<4096xi32, #tpu.memory_space<hbm>>) dst(%arg13 : memref<4096xi32, #tpu.memory_space<vmem>>)
      tpu.yield
    }) : () -> ()
    %scan3A_71 = arith.constant 0 : i32
    %scan3A_72 = arith.constant 0 : i32
    %scan3A_73 = arith.constant 32 : i32
    %scan3A_74 = arith.addi %scan3A_72, %scan3A_73 : i32
    %scan3A_75 = arith.constant 1 : i32
    scf.for %scan3A_168 = %scan3A_72 to %scan3A_74 step %scan3A_75  : i32 {
      %mul3A_169 = arith.constant 8 : i32
      %mul3A_170 = arith.muli %scan3A_168, %mul3A_169 : i32
      %add3A_171 = arith.constant 0 : i32
      %add3A_172 = arith.addi %mul3A_170, %add3A_171 : i32
      %mul3A_173 = arith.constant 16 : i32
      %mul3A_174 = arith.muli %add3A_172, %mul3A_173 : i32
      %get3A = arith.index_cast %mul3A_174 : i32 to index
      %get3A_175 = tpu.vector_load %arg13[%get3A] {strides = array<i32>} : memref<4096xi32, #tpu.memory_space<vmem>>, vector<16xi32>,
      %gather3A = tpu.vector_load_idx %arg11[%get3A_175] : memref<100000xf32, #tpu.memory_space<vmem>>[vector<16xi32>], vector<16xf32>,
      %mul3A_176 = arith.constant 8 : i32
      %mul3A_177 = arith.muli %scan3A_168, %mul3A_176 : i32
      %add3A_178 = arith.constant 0 : i32
      %add3A_179 = arith.addi %mul3A_177, %add3A_178 : i32
      %mul3A_180 = arith.constant 16 : i32
      %mul3A_181 = arith.muli %add3A_179, %mul3A_180 : i32
      %swap3A = arith.index_cast %mul3A_181 : i32 to index
      %swap3A_182 = tpu.vector_load %arg12[%swap3A] {strides = array<i32>} : memref<4096xf32, #tpu.memory_space<vmem>>, vector<16xf32>,
      tpu.vector_store %arg12[%swap3A], %gather3A {strides = array<i32>} : memref<4096xf32, #tpu.memory_space<vmem>>, vector<16xf32>,
      %mul3A_183 = arith.constant 8 : i32
      %mul3A_184 = arith.muli %scan3A_168, %mul3A_183 : i32
      %add3A_185 = arith.constant 1 : i32
      %add3A_186 = arith.addi %mul3A_184, %add3A_185 : i32
      %mul3A_187 = arith.constant 16 : i32
      %mul3A_188 = arith.muli %add3A_186, %mul3A_187 : i32
      %get3A_189 = arith.index_cast %mul3A_188 : i32 to index
      %get3A_190 = tpu.vector_load %arg13[%get3A_189] {strides = array<i32>} : memref<4096xi32, #tpu.memory_space<vmem>>, vector<16xi32>,
      %gather3A_191 = tpu.vector_load_idx %arg11[%get3A_190] : memref<100000xf32, #tpu.memory_space<vmem>>[vector<16xi32>], vector<16xf32>,
      %mul3A_192 = arith.constant 8 : i32
      %mul3A_193 = arith.muli %scan3A_168, %mul3A_192 : i32
      %add3A_194 = arith.constant 1 : i32
      %add3A_195 = arith.addi %mul3A_193, %add3A_194 : i32
      %mul3A_196 = arith.constant 16 : i32
      %mul3A_197 = arith.muli %add3A_195, %mul3A_196 : i32
      %swap3A_198 = arith.index_cast %mul3A_197 : i32 to index
      %swap3A_199 = tpu.vector_load %arg12[%swap3A_198] {strides = array<i32>} : memref<4096xf32, #tpu.memory_space<vmem>>, vector<16xf32>,
      tpu.vector_store %arg12[%swap3A_198], %gather3A_191 {strides = array<i32>} : memref<4096xf32, #tpu.memory_space<vmem>>, vector<16xf32>,
      %mul3A_200 = arith.constant 8 : i32
      %mul3A_201 = arith.muli %scan3A_168, %mul3A_200 : i32
      %add3A_202 = arith.constant 2 : i32
      %add3A_203 = arith.addi %mul3A_201, %add3A_202 : i32
      %mul3A_204 = arith.constant 16 : i32
      %mul3A_205 = arith.muli %add3A_203, %mul3A_204 : i32
      %get3A_206 = arith.index_cast %mul3A_205 : i32 to index
      %get3A_207 = tpu.vector_load %arg13[%get3A_206] {strides = array<i32>} : memref<4096xi32, #tpu.memory_space<vmem>>, vector<16xi32>,
      %gather3A_208 = tpu.vector_load_idx %arg11[%get3A_207] : memref<100000xf32, #tpu.memory_space<vmem>>[vector<16xi32>], vector<16xf32>,
      %mul3A_209 = arith.constant 8 : i32
      %mul3A_210 = arith.muli %scan3A_168, %mul3A_209 : i32
      %add3A_211 = arith.constant 2 : i32
      %add3A_212 = arith.addi %mul3A_210, %add3A_211 : i32
      %mul3A_213 = arith.constant 16 : i32
      %mul3A_214 = arith.muli %add3A_212, %mul3A_213 : i32
      %swap3A_215 = arith.index_cast %mul3A_214 : i32 to index
      %swap3A_216 = tpu.vector_load %arg12[%swap3A_215] {strides = array<i32>} : memref<4096xf32, #tpu.memory_space<vmem>>, vector<16xf32>,
      tpu.vector_store %arg12[%swap3A_215], %gather3A_208 {strides = array<i32>} : memref<4096xf32, #tpu.memory_space<vmem>>, vector<16xf32>,
      %mul3A_217 = arith.constant 8 : i32
      %mul3A_218 = arith.muli %scan3A_168, %mul3A_217 : i32
      %add3A_219 = arith.constant 3 : i32
      %add3A_220 = arith.addi %mul3A_218, %add3A_219 : i32
      %mul3A_221 = arith.constant 16 : i32
      %mul3A_222 = arith.muli %add3A_220, %mul3A_221 : i32
      %get3A_223 = arith.index_cast %mul3A_222 : i32 to index
      %get3A_224 = tpu.vector_load %arg13[%get3A_223] {strides = array<i32>} : memref<4096xi32, #tpu.memory_space<vmem>>, vector<16xi32>,
      %gather3A_225 = tpu.vector_load_idx %arg11[%get3A_224] : memref<100000xf32, #tpu.memory_space<vmem>>[vector<16xi32>], vector<16xf32>,
      %mul3A_226 = arith.constant 8 : i32
      %mul3A_227 = arith.muli %scan3A_168, %mul3A_226 : i32
      %add3A_228 = arith.constant 3 : i32
      %add3A_229 = arith.addi %mul3A_227, %add3A_228 : i32
      %mul3A_230 = arith.constant 16 : i32
      %mul3A_231 = arith.muli %add3A_229, %mul3A_230 : i32
      %swap3A_232 = arith.index_cast %mul3A_231 : i32 to index
      %swap3A_233 = tpu.vector_load %arg12[%swap3A_232] {strides = array<i32>} : memref<4096xf32, #tpu.memory_space<vmem>>, vector<16xf32>,
      tpu.vector_store %arg12[%swap3A_232], %gather3A_225 {strides = array<i32>} : memref<4096xf32, #tpu.memory_space<vmem>>, vector<16xf32>,
      %mul3A_234 = arith.constant 8 : i32
      %mul3A_235 = arith.muli %scan3A_168, %mul3A_234 : i32
      %add3A_236 = arith.constant 4 : i32
      %add3A_237 = arith.addi %mul3A_235, %add3A_236 : i32
      %mul3A_238 = arith.constant 16 : i32
      %mul3A_239 = arith.muli %add3A_237, %mul3A_238 : i32
      %get3A_240 = arith.index_cast %mul3A_239 : i32 to index
      %get3A_241 = tpu.vector_load %arg13[%get3A_240] {strides = array<i32>} : memref<4096xi32, #tpu.memory_space<vmem>>, vector<16xi32>,
      %gather3A_242 = tpu.vector_load_idx %arg11[%get3A_241] : memref<100000xf32, #tpu.memory_space<vmem>>[vector<16xi32>], vector<16xf32>,
      %mul3A_243 = arith.constant 8 : i32
      %mul3A_244 = arith.muli %scan3A_168, %mul3A_243 : i32
      %add3A_245 = arith.constant 4 : i32
      %add3A_246 = arith.addi %mul3A_244, %add3A_245 : i32
      %mul3A_247 = arith.constant 16 : i32
      %mul3A_248 = arith.muli %add3A_246, %mul3A_247 : i32
      %swap3A_249 = arith.index_cast %mul3A_248 : i32 to index
      %swap3A_250 = tpu.vector_load %arg12[%swap3A_249] {strides = array<i32>} : memref<4096xf32, #tpu.memory_space<vmem>>, vector<16xf32>,
      tpu.vector_store %arg12[%swap3A_249], %gather3A_242 {strides = array<i32>} : memref<4096xf32, #tpu.memory_space<vmem>>, vector<16xf32>,
      %mul3A_251 = arith.constant 8 : i32
      %mul3A_252 = arith.muli %scan3A_168, %mul3A_251 : i32
      %add3A_253 = arith.constant 5 : i32
      %add3A_254 = arith.addi %mul3A_252, %add3A_253 : i32
      %mul3A_255 = arith.constant 16 : i32
      %mul3A_256 = arith.muli %add3A_254, %mul3A_255 : i32
      %get3A_257 = arith.index_cast %mul3A_256 : i32 to index
      %get3A_258 = tpu.vector_load %arg13[%get3A_257] {strides = array<i32>} : memref<4096xi32, #tpu.memory_space<vmem>>, vector<16xi32>,
      %gather3A_259 = tpu.vector_load_idx %arg11[%get3A_258] : memref<100000xf32, #tpu.memory_space<vmem>>[vector<16xi32>], vector<16xf32>,
      %mul3A_260 = arith.constant 8 : i32
      %mul3A_261 = arith.muli %scan3A_168, %mul3A_260 : i32
      %add3A_262 = arith.constant 5 : i32
      %add3A_263 = arith.addi %mul3A_261, %add3A_262 : i32
      %mul3A_264 = arith.constant 16 : i32
      %mul3A_265 = arith.muli %add3A_263, %mul3A_264 : i32
      %swap3A_266 = arith.index_cast %mul3A_265 : i32 to index
      %swap3A_267 = tpu.vector_load %arg12[%swap3A_266] {strides = array<i32>} : memref<4096xf32, #tpu.memory_space<vmem>>, vector<16xf32>,
      tpu.vector_store %arg12[%swap3A_266], %gather3A_259 {strides = array<i32>} : memref<4096xf32, #tpu.memory_space<vmem>>, vector<16xf32>,
      %mul3A_268 = arith.constant 8 : i32
      %mul3A_269 = arith.muli %scan3A_168, %mul3A_268 : i32
      %add3A_270 = arith.constant 6 : i32
      %add3A_271 = arith.addi %mul3A_269, %add3A_270 : i32
      %mul3A_272 = arith.constant 16 : i32
      %mul3A_273 = arith.muli %add3A_271, %mul3A_272 : i32
      %get3A_274 = arith.index_cast %mul3A_273 : i32 to index
      %get3A_275 = tpu.vector_load %arg13[%get3A_274] {strides = array<i32>} : memref<4096xi32, #tpu.memory_space<vmem>>, vector<16xi32>,
      %gather3A_276 = tpu.vector_load_idx %arg11[%get3A_275] : memref<100000xf32, #tpu.memory_space<vmem>>[vector<16xi32>], vector<16xf32>,
      %mul3A_277 = arith.constant 8 : i32
      %mul3A_278 = arith.muli %scan3A_168, %mul3A_277 : i32
      %add3A_279 = arith.constant 6 : i32
      %add3A_280 = arith.addi %mul3A_278, %add3A_279 : i32
      %mul3A_281 = arith.constant 16 : i32
      %mul3A_282 = arith.muli %add3A_280, %mul3A_281 : i32
      %swap3A_283 = arith.index_cast %mul3A_282 : i32 to index
      %swap3A_284 = tpu.vector_load %arg12[%swap3A_283] {strides = array<i32>} : memref<4096xf32, #tpu.memory_space<vmem>>, vector<16xf32>,
      tpu.vector_store %arg12[%swap3A_283], %gather3A_276 {strides = array<i32>} : memref<4096xf32, #tpu.memory_space<vmem>>, vector<16xf32>,
      %mul3A_285 = arith.constant 8 : i32
      %mul3A_286 = arith.muli %scan3A_168, %mul3A_285 : i32
      %add3A_287 = arith.constant 7 : i32
      %add3A_288 = arith.addi %mul3A_286, %add3A_287 : i32
      %mul3A_289 = arith.constant 16 : i32
      %mul3A_290 = arith.muli %add3A_288, %mul3A_289 : i32
      %get3A_291 = arith.index_cast %mul3A_290 : i32 to index
      %get3A_292 = tpu.vector_load %arg13[%get3A_291] {strides = array<i32>} : memref<4096xi32, #tpu.memory_space<vmem>>, vector<16xi32>,
      %gather3A_293 = tpu.vector_load_idx %arg11[%get3A_292] : memref<100000xf32, #tpu.memory_space<vmem>>[vector<16xi32>], vector<16xf32>,
      %mul3A_294 = arith.constant 8 : i32
      %mul3A_295 = arith.muli %scan3A_168, %mul3A_294 : i32
      %add3A_296 = arith.constant 7 : i32
      %add3A_297 = arith.addi %mul3A_295, %add3A_296 : i32
      %mul3A_298 = arith.constant 16 : i32
      %mul3A_299 = arith.muli %add3A_297, %mul3A_298 : i32
      %swap3A_300 = arith.index_cast %mul3A_299 : i32 to index
      %swap3A_301 = tpu.vector_load %arg12[%swap3A_300] {strides = array<i32>} : memref<4096xf32, #tpu.memory_space<vmem>>, vector<16xf32>,
      tpu.vector_store %arg12[%swap3A_300], %gather3A_293 {strides = array<i32>} : memref<4096xf32, #tpu.memory_space<vmem>>, vector<16xf32>,
    }
    %scan3A_76 = arith.constant 32 : i32
    %dma_start3A_77 = arith.constant 0 : i32
    %dma_start3A_78 = tpu.memref_slice %arg5[%add3A, %dma_start3A_77] : memref<32x100000xf32, #tpu.memory_space<hbm>> -> memref<1x100000xf32, #tpu.memory_space<hbm>>
    %dma_start3A_79 = tpu.memref_squeeze %dma_start3A_78 : memref<1x100000xf32, #tpu.memory_space<hbm>> -> memref<100000xf32, #tpu.memory_space<hbm>>
    %dma_start3A_80 = arith.constant 0 : i32
    %dma_start3A_81 = tpu.memref_slice %arg5[%add3A, %dma_start3A_80] : memref<32x100000xf32, #tpu.memory_space<hbm>> -> memref<1x100000xf32, #tpu.memory_space<hbm>>
    %dma_start3A_82 = tpu.memref_squeeze %dma_start3A_81 : memref<1x100000xf32, #tpu.memory_space<hbm>> -> memref<100000xf32, #tpu.memory_space<hbm>>
    tpu.enqueue_dma source(%dma_start3A_82 : memref<100000xf32, #tpu.memory_space<hbm>>) target(%arg11 : memref<100000xf32, #tpu.memory_space<vmem>>) target_semaphore(%arg18 : memref<!tpu.dma_semaphore, #tpu.memory_space<semaphore_mem>>)
    "tpu.region"() ({
      %run_scoped3A = tpu.sem_alloc : memref<!tpu.dma_semaphore, #tpu.memory_space<semaphore_mem>>
      %dma_start3A_168 = arith.constant 12288 : i32
      %dma_start3A_169 = tpu.memref_slice %arg8[%add3A, %dma_start3A_168] : memref<32x16384xf32, #tpu.memory_space<hbm>> -> memref<1x4096xf32, #tpu.memory_space<hbm>>
      %dma_start3A_170 = tpu.memref_squeeze %dma_start3A_169 : memref<1x4096xf32, #tpu.memory_space<hbm>> -> memref<4096xf32, #tpu.memory_space<hbm>>
      %dma_start3A_171 = arith.constant 12288 : i32
      %dma_start3A_172 = tpu.memref_slice %arg8[%add3A, %dma_start3A_171] : memref<32x16384xf32, #tpu.memory_space<hbm>> -> memref<1x4096xf32, #tpu.memory_space<hbm>>
      %dma_start3A_173 = tpu.memref_squeeze %dma_start3A_172 : memref<1x4096xf32, #tpu.memory_space<hbm>> -> memref<4096xf32, #tpu.memory_space<hbm>>
      tpu.enqueue_dma source(%arg12 : memref<4096xf32, #tpu.memory_space<vmem>>) target(%dma_start3A_173 : memref<4096xf32, #tpu.memory_space<hbm>>) target_semaphore(%run_scoped3A : memref<!tpu.dma_semaphore, #tpu.memory_space<semaphore_mem>>)
      %dma_wait3A_174 = arith.constant 12288 : i32
      %dma_wait3A_175 = tpu.memref_slice %arg8[%add3A, %dma_wait3A_174] : memref<32x16384xf32, #tpu.memory_space<hbm>> -> memref<1x4096xf32, #tpu.memory_space<hbm>>
      %dma_wait3A_176 = tpu.memref_squeeze %dma_wait3A_175 : memref<1x4096xf32, #tpu.memory_space<hbm>> -> memref<4096xf32, #tpu.memory_space<hbm>>
      %dma_wait3A_177 = arith.constant 12288 : i32
      %dma_wait3A_178 = tpu.memref_slice %arg8[%add3A, %dma_wait3A_177] : memref<32x16384xf32, #tpu.memory_space<hbm>> -> memref<1x4096xf32, #tpu.memory_space<hbm>>
      %dma_wait3A_179 = tpu.memref_squeeze %dma_wait3A_178 : memref<1x4096xf32, #tpu.memory_space<hbm>> -> memref<4096xf32, #tpu.memory_space<hbm>>
      tpu.wait_dma2 semaphore(%run_scoped3A : memref<!tpu.dma_semaphore, #tpu.memory_space<semaphore_mem>>) src(%arg12 : memref<4096xf32, #tpu.memory_space<vmem>>) dst(%dma_wait3A_179 : memref<4096xf32, #tpu.memory_space<hbm>>)
      tpu.yield
    }) : () -> ()
    %dma_wait3A_83 = arith.constant 384 : i32
    %dma_wait3A_84 = tpu.memref_slice %arg15[%dma_wait3A_83] : memref<512xi32, #tpu.memory_space<vmem>> -> memref<128xi32, #tpu.memory_space<vmem>>
    %dma_wait3A_85 = arith.constant 0 : i32
    %dma_wait3A_86 = arith.constant 0 : i32
    %dma_wait3A_87 = tpu.memref_slice %arg6[%dma_wait3A_85, %dma_wait3A_86] : memref<100000x128xf32, #tpu.memory_space<hbm>> -> memref<100000x128xf32, #tpu.memory_space<hbm>>
    tpu.wait_indirect_dma semaphore(%arg17 : memref<!tpu.dma_semaphore, #tpu.memory_space<semaphore_mem>>) src(%dma_wait3A_87 : memref<100000x128xf32, #tpu.memory_space<hbm>>) dst(%arg14 : memref<128x128xf32, #tpu.memory_space<vmem>>)
    %add3A_88 = arith.constant 384 : i32
    %add3A_89 = arith.addi %mul3A_2, %add3A_88 : i32
    "tpu.region"() ({
      %run_scoped3A = tpu.sem_alloc : memref<!tpu.dma_semaphore, #tpu.memory_space<semaphore_mem>>
      %dma_start3A_168 = arith.constant 0 : i32
      %dma_start3A_169 = tpu.memref_slice %arg9[%add3A_89, %dma_start3A_168] : memref<16384x128xf32, #tpu.memory_space<hbm>> -> memref<128x128xf32, #tpu.memory_space<hbm>>
      %dma_start3A_170 = arith.constant 0 : i32
      %dma_start3A_171 = tpu.memref_slice %arg9[%add3A_89, %dma_start3A_170] : memref<16384x128xf32, #tpu.memory_space<hbm>> -> memref<128x128xf32, #tpu.memory_space<hbm>>
      tpu.enqueue_dma source(%arg14 : memref<128x128xf32, #tpu.memory_space<vmem>>) target(%dma_start3A_171 : memref<128x128xf32, #tpu.memory_space<hbm>>) target_semaphore(%run_scoped3A : memref<!tpu.dma_semaphore, #tpu.memory_space<semaphore_mem>>)
      %dma_wait3A_172 = arith.constant 0 : i32
      %dma_wait3A_173 = tpu.memref_slice %arg9[%add3A_89, %dma_wait3A_172] : memref<16384x128xf32, #tpu.memory_space<hbm>> -> memref<128x128xf32, #tpu.memory_space<hbm>>
      %dma_wait3A_174 = arith.constant 0 : i32
      %dma_wait3A_175 = tpu.memref_slice %arg9[%add3A_89, %dma_wait3A_174] : memref<16384x128xf32, #tpu.memory_space<hbm>> -> memref<128x128xf32, #tpu.memory_space<hbm>>
      tpu.wait_dma2 semaphore(%run_scoped3A : memref<!tpu.dma_semaphore, #tpu.memory_space<semaphore_mem>>) src(%arg14 : memref<128x128xf32, #tpu.memory_space<vmem>>) dst(%dma_wait3A_175 : memref<128x128xf32, #tpu.memory_space<hbm>>)
      tpu.yield
    }) : () -> ()
    %dma_start3A_90 = arith.constant 0 : i32
    %dma_start3A_91 = tpu.memref_slice %arg16[%dma_start3A_90] : memref<512xi32, #tpu.memory_space<vmem>> -> memref<128xi32, #tpu.memory_space<vmem>>
    %dma_start3A_92 = arith.constant 0 : i32
    %dma_start3A_93 = arith.constant 0 : i32
    %dma_start3A_94 = tpu.memref_slice %arg7[%dma_start3A_92, %dma_start3A_93] : memref<100000x128xf32, #tpu.memory_space<hbm>> -> memref<100000x128xf32, #tpu.memory_space<hbm>>
    tpu.enqueue_indirect_dma source(%dma_start3A_94 : memref<100000x128xf32, #tpu.memory_space<hbm>>) target(%arg14 : memref<128x128xf32, #tpu.memory_space<vmem>>) offsets(%dma_start3A_91 : memref<128xi32, #tpu.memory_space<vmem>>) semaphore(%arg17 : memref<!tpu.dma_semaphore, #tpu.memory_space<semaphore_mem>>)
    "tpu.region"() ({
      %run_scoped3A = tpu.sem_alloc : memref<!tpu.dma_semaphore, #tpu.memory_space<semaphore_mem>>
      %dma_start3A_168 = arith.constant 0 : i32
      %dma_start3A_169 = tpu.memref_slice %arg3[%dma_start3A_168] : memref<16384xi32, #tpu.memory_space<hbm>> -> memref<4096xi32, #tpu.memory_space<hbm>>
      %dma_start3A_170 = arith.constant 0 : i32
      %dma_start3A_171 = tpu.memref_slice %arg3[%dma_start3A_170] : memref<16384xi32, #tpu.memory_space<hbm>> -> memref<4096xi32, #tpu.memory_space<hbm>>
      tpu.enqueue_dma source(%dma_start3A_171 : memref<4096xi32, #tpu.memory_space<hbm>>) target(%arg13 : memref<4096xi32, #tpu.memory_space<vmem>>) target_semaphore(%run_scoped3A : memref<!tpu.dma_semaphore, #tpu.memory_space<semaphore_mem>>)
      %dma_wait3A_172 = arith.constant 0 : i32
      %dma_wait3A_173 = tpu.memref_slice %arg3[%dma_wait3A_172] : memref<16384xi32, #tpu.memory_space<hbm>> -> memref<4096xi32, #tpu.memory_space<hbm>>
      %dma_wait3A_174 = arith.constant 0 : i32
      %dma_wait3A_175 = tpu.memref_slice %arg3[%dma_wait3A_174] : memref<16384xi32, #tpu.memory_space<hbm>> -> memref<4096xi32, #tpu.memory_space<hbm>>
      tpu.wait_dma2 semaphore(%run_scoped3A : memref<!tpu.dma_semaphore, #tpu.memory_space<semaphore_mem>>) src(%dma_wait3A_175 : memref<4096xi32, #tpu.memory_space<hbm>>) dst(%arg13 : memref<4096xi32, #tpu.memory_space<vmem>>)
      tpu.yield
    }) : () -> ()
    "tpu.region"() ({
      %run_scoped3A = tpu.sem_alloc : memref<!tpu.dma_semaphore, #tpu.memory_space<semaphore_mem>>
      %dma_start3A_168 = arith.constant 0 : i32
      %dma_start3A_169 = tpu.memref_slice %arg8[%add3A, %dma_start3A_168] : memref<32x16384xf32, #tpu.memory_space<hbm>> -> memref<1x4096xf32, #tpu.memory_space<hbm>>
      %dma_start3A_170 = tpu.memref_squeeze %dma_start3A_169 : memref<1x4096xf32, #tpu.memory_space<hbm>> -> memref<4096xf32, #tpu.memory_space<hbm>>
      %dma_start3A_171 = arith.constant 0 : i32
      %dma_start3A_172 = tpu.memref_slice %arg8[%add3A, %dma_start3A_171] : memref<32x16384xf32, #tpu.memory_space<hbm>> -> memref<1x4096xf32, #tpu.memory_space<hbm>>
      %dma_start3A_173 = tpu.memref_squeeze %dma_start3A_172 : memref<1x4096xf32, #tpu.memory_space<hbm>> -> memref<4096xf32, #tpu.memory_space<hbm>>
      tpu.enqueue_dma source(%dma_start3A_173 : memref<4096xf32, #tpu.memory_space<hbm>>) target(%arg12 : memref<4096xf32, #tpu.memory_space<vmem>>) target_semaphore(%run_scoped3A : memref<!tpu.dma_semaphore, #tpu.memory_space<semaphore_mem>>)
      %dma_wait3A_174 = arith.constant 0 : i32
      %dma_wait3A_175 = tpu.memref_slice %arg8[%add3A, %dma_wait3A_174] : memref<32x16384xf32, #tpu.memory_space<hbm>> -> memref<1x4096xf32, #tpu.memory_space<hbm>>
      %dma_wait3A_176 = tpu.memref_squeeze %dma_wait3A_175 : memref<1x4096xf32, #tpu.memory_space<hbm>> -> memref<4096xf32, #tpu.memory_space<hbm>>
      %dma_wait3A_177 = arith.constant 0 : i32
      %dma_wait3A_178 = tpu.memref_slice %arg8[%add3A, %dma_wait3A_177] : memref<32x16384xf32, #tpu.memory_space<hbm>> -> memref<1x4096xf32, #tpu.memory_space<hbm>>
      %dma_wait3A_179 = tpu.memref_squeeze %dma_wait3A_178 : memref<1x4096xf32, #tpu.memory_space<hbm>> -> memref<4096xf32, #tpu.memory_space<hbm>>
      tpu.wait_dma2 semaphore(%run_scoped3A : memref<!tpu.dma_semaphore, #tpu.memory_space<semaphore_mem>>) src(%dma_wait3A_179 : memref<4096xf32, #tpu.memory_space<hbm>>) dst(%arg12 : memref<4096xf32, #tpu.memory_space<vmem>>)
      tpu.yield
    }) : () -> ()
    %dma_wait3A_95 = arith.constant 0 : i32
    %dma_wait3A_96 = tpu.memref_slice %arg5[%add3A, %dma_wait3A_95] : memref<32x100000xf32, #tpu.memory_space<hbm>> -> memref<1x100000xf32, #tpu.memory_space<hbm>>
    %dma_wait3A_97 = tpu.memref_squeeze %dma_wait3A_96 : memref<1x100000xf32, #tpu.memory_space<hbm>> -> memref<100000xf32, #tpu.memory_space<hbm>>
    %dma_wait3A_98 = arith.constant 0 : i32
    %dma_wait3A_99 = tpu.memref_slice %arg5[%add3A, %dma_wait3A_98] : memref<32x100000xf32, #tpu.memory_space<hbm>> -> memref<1x100000xf32, #tpu.memory_space<hbm>>
    %dma_wait3A_100 = tpu.memref_squeeze %dma_wait3A_99 : memref<1x100000xf32, #tpu.memory_space<hbm>> -> memref<100000xf32, #tpu.memory_space<hbm>>
    tpu.wait_dma2 semaphore(%arg18 : memref<!tpu.dma_semaphore, #tpu.memory_space<semaphore_mem>>) src(%dma_wait3A_100 : memref<100000xf32, #tpu.memory_space<hbm>>) dst(%arg11 : memref<100000xf32, #tpu.memory_space<vmem>>)
    %scan3A_101 = arith.constant 0 : i32
    %scan3A_102 = arith.constant 0 : i32
    %scan3A_103 = arith.constant 32 : i32
    %scan3A_104 = arith.addi %scan3A_102, %scan3A_103 : i32
    %scan3A_105 = arith.constant 1 : i32
    scf.for %scan3A_168 = %scan3A_102 to %scan3A_104 step %scan3A_105  : i32 {
      %mul3A_169 = arith.constant 8 : i32
      %mul3A_170 = arith.muli %scan3A_168, %mul3A_169 : i32
      %add3A_171 = arith.constant 0 : i32
      %add3A_172 = arith.addi %mul3A_170, %add3A_171 : i32
      %mul3A_173 = arith.constant 16 : i32
      %mul3A_174 = arith.muli %add3A_172, %mul3A_173 : i32
      %get3A = arith.index_cast %mul3A_174 : i32 to index
      %get3A_175 = tpu.vector_load %arg12[%get3A] {strides = array<i32>} : memref<4096xf32, #tpu.memory_space<vmem>>, vector<16xf32>,
      %get3A_176 = arith.index_cast %mul3A_174 : i32 to index
      %get3A_177 = tpu.vector_load %arg13[%get3A_176] {strides = array<i32>} : memref<4096xi32, #tpu.memory_space<vmem>>, vector<16xi32>,
      %gather3A = tpu.vector_load_idx %arg11[%get3A_177] : memref<100000xf32, #tpu.memory_space<vmem>>[vector<16xi32>], vector<16xf32>,
      %mul3A_178 = arith.mulf %get3A_175, %gather3A : vector<16xf32>
      %swap3A = arith.index_cast %mul3A_174 : i32 to index
      %swap3A_179 = tpu.vector_load %arg12[%swap3A] {strides = array<i32>} : memref<4096xf32, #tpu.memory_space<vmem>>, vector<16xf32>,
      tpu.vector_store %arg12[%swap3A], %mul3A_178 {strides = array<i32>} : memref<4096xf32, #tpu.memory_space<vmem>>, vector<16xf32>,
      %mul3A_180 = arith.constant 8 : i32
      %mul3A_181 = arith.muli %scan3A_168, %mul3A_180 : i32
      %add3A_182 = arith.constant 1 : i32
      %add3A_183 = arith.addi %mul3A_181, %add3A_182 : i32
      %mul3A_184 = arith.constant 16 : i32
      %mul3A_185 = arith.muli %add3A_183, %mul3A_184 : i32
      %get3A_186 = arith.index_cast %mul3A_185 : i32 to index
      %get3A_187 = tpu.vector_load %arg12[%get3A_186] {strides = array<i32>} : memref<4096xf32, #tpu.memory_space<vmem>>, vector<16xf32>,
      %get3A_188 = arith.index_cast %mul3A_185 : i32 to index
      %get3A_189 = tpu.vector_load %arg13[%get3A_188] {strides = array<i32>} : memref<4096xi32, #tpu.memory_space<vmem>>, vector<16xi32>,
      %gather3A_190 = tpu.vector_load_idx %arg11[%get3A_189] : memref<100000xf32, #tpu.memory_space<vmem>>[vector<16xi32>], vector<16xf32>,
      %mul3A_191 = arith.mulf %get3A_187, %gather3A_190 : vector<16xf32>
      %swap3A_192 = arith.index_cast %mul3A_185 : i32 to index
      %swap3A_193 = tpu.vector_load %arg12[%swap3A_192] {strides = array<i32>} : memref<4096xf32, #tpu.memory_space<vmem>>, vector<16xf32>,
      tpu.vector_store %arg12[%swap3A_192], %mul3A_191 {strides = array<i32>} : memref<4096xf32, #tpu.memory_space<vmem>>, vector<16xf32>,
      %mul3A_194 = arith.constant 8 : i32
      %mul3A_195 = arith.muli %scan3A_168, %mul3A_194 : i32
      %add3A_196 = arith.constant 2 : i32
      %add3A_197 = arith.addi %mul3A_195, %add3A_196 : i32
      %mul3A_198 = arith.constant 16 : i32
      %mul3A_199 = arith.muli %add3A_197, %mul3A_198 : i32
      %get3A_200 = arith.index_cast %mul3A_199 : i32 to index
      %get3A_201 = tpu.vector_load %arg12[%get3A_200] {strides = array<i32>} : memref<4096xf32, #tpu.memory_space<vmem>>, vector<16xf32>,
      %get3A_202 = arith.index_cast %mul3A_199 : i32 to index
      %get3A_203 = tpu.vector_load %arg13[%get3A_202] {strides = array<i32>} : memref<4096xi32, #tpu.memory_space<vmem>>, vector<16xi32>,
      %gather3A_204 = tpu.vector_load_idx %arg11[%get3A_203] : memref<100000xf32, #tpu.memory_space<vmem>>[vector<16xi32>], vector<16xf32>,
      %mul3A_205 = arith.mulf %get3A_201, %gather3A_204 : vector<16xf32>
      %swap3A_206 = arith.index_cast %mul3A_199 : i32 to index
      %swap3A_207 = tpu.vector_load %arg12[%swap3A_206] {strides = array<i32>} : memref<4096xf32, #tpu.memory_space<vmem>>, vector<16xf32>,
      tpu.vector_store %arg12[%swap3A_206], %mul3A_205 {strides = array<i32>} : memref<4096xf32, #tpu.memory_space<vmem>>, vector<16xf32>,
      %mul3A_208 = arith.constant 8 : i32
      %mul3A_209 = arith.muli %scan3A_168, %mul3A_208 : i32
      %add3A_210 = arith.constant 3 : i32
      %add3A_211 = arith.addi %mul3A_209, %add3A_210 : i32
      %mul3A_212 = arith.constant 16 : i32
      %mul3A_213 = arith.muli %add3A_211, %mul3A_212 : i32
      %get3A_214 = arith.index_cast %mul3A_213 : i32 to index
      %get3A_215 = tpu.vector_load %arg12[%get3A_214] {strides = array<i32>} : memref<4096xf32, #tpu.memory_space<vmem>>, vector<16xf32>,
      %get3A_216 = arith.index_cast %mul3A_213 : i32 to index
      %get3A_217 = tpu.vector_load %arg13[%get3A_216] {strides = array<i32>} : memref<4096xi32, #tpu.memory_space<vmem>>, vector<16xi32>,
      %gather3A_218 = tpu.vector_load_idx %arg11[%get3A_217] : memref<100000xf32, #tpu.memory_space<vmem>>[vector<16xi32>], vector<16xf32>,
      %mul3A_219 = arith.mulf %get3A_215, %gather3A_218 : vector<16xf32>
      %swap3A_220 = arith.index_cast %mul3A_213 : i32 to index
      %swap3A_221 = tpu.vector_load %arg12[%swap3A_220] {strides = array<i32>} : memref<4096xf32, #tpu.memory_space<vmem>>, vector<16xf32>,
      tpu.vector_store %arg12[%swap3A_220], %mul3A_219 {strides = array<i32>} : memref<4096xf32, #tpu.memory_space<vmem>>, vector<16xf32>,
      %mul3A_222 = arith.constant 8 : i32
      %mul3A_223 = arith.muli %scan3A_168, %mul3A_222 : i32
      %add3A_224 = arith.constant 4 : i32
      %add3A_225 = arith.addi %mul3A_223, %add3A_224 : i32
      %mul3A_226 = arith.constant 16 : i32
      %mul3A_227 = arith.muli %add3A_225, %mul3A_226 : i32
      %get3A_228 = arith.index_cast %mul3A_227 : i32 to index
      %get3A_229 = tpu.vector_load %arg12[%get3A_228] {strides = array<i32>} : memref<4096xf32, #tpu.memory_space<vmem>>, vector<16xf32>,
      %get3A_230 = arith.index_cast %mul3A_227 : i32 to index
      %get3A_231 = tpu.vector_load %arg13[%get3A_230] {strides = array<i32>} : memref<4096xi32, #tpu.memory_space<vmem>>, vector<16xi32>,
      %gather3A_232 = tpu.vector_load_idx %arg11[%get3A_231] : memref<100000xf32, #tpu.memory_space<vmem>>[vector<16xi32>], vector<16xf32>,
      %mul3A_233 = arith.mulf %get3A_229, %gather3A_232 : vector<16xf32>
      %swap3A_234 = arith.index_cast %mul3A_227 : i32 to index
      %swap3A_235 = tpu.vector_load %arg12[%swap3A_234] {strides = array<i32>} : memref<4096xf32, #tpu.memory_space<vmem>>, vector<16xf32>,
      tpu.vector_store %arg12[%swap3A_234], %mul3A_233 {strides = array<i32>} : memref<4096xf32, #tpu.memory_space<vmem>>, vector<16xf32>,
      %mul3A_236 = arith.constant 8 : i32
      %mul3A_237 = arith.muli %scan3A_168, %mul3A_236 : i32
      %add3A_238 = arith.constant 5 : i32
      %add3A_239 = arith.addi %mul3A_237, %add3A_238 : i32
      %mul3A_240 = arith.constant 16 : i32
      %mul3A_241 = arith.muli %add3A_239, %mul3A_240 : i32
      %get3A_242 = arith.index_cast %mul3A_241 : i32 to index
      %get3A_243 = tpu.vector_load %arg12[%get3A_242] {strides = array<i32>} : memref<4096xf32, #tpu.memory_space<vmem>>, vector<16xf32>,
      %get3A_244 = arith.index_cast %mul3A_241 : i32 to index
      %get3A_245 = tpu.vector_load %arg13[%get3A_244] {strides = array<i32>} : memref<4096xi32, #tpu.memory_space<vmem>>, vector<16xi32>,
      %gather3A_246 = tpu.vector_load_idx %arg11[%get3A_245] : memref<100000xf32, #tpu.memory_space<vmem>>[vector<16xi32>], vector<16xf32>,
      %mul3A_247 = arith.mulf %get3A_243, %gather3A_246 : vector<16xf32>
      %swap3A_248 = arith.index_cast %mul3A_241 : i32 to index
      %swap3A_249 = tpu.vector_load %arg12[%swap3A_248] {strides = array<i32>} : memref<4096xf32, #tpu.memory_space<vmem>>, vector<16xf32>,
      tpu.vector_store %arg12[%swap3A_248], %mul3A_247 {strides = array<i32>} : memref<4096xf32, #tpu.memory_space<vmem>>, vector<16xf32>,
      %mul3A_250 = arith.constant 8 : i32
      %mul3A_251 = arith.muli %scan3A_168, %mul3A_250 : i32
      %add3A_252 = arith.constant 6 : i32
      %add3A_253 = arith.addi %mul3A_251, %add3A_252 : i32
      %mul3A_254 = arith.constant 16 : i32
      %mul3A_255 = arith.muli %add3A_253, %mul3A_254 : i32
      %get3A_256 = arith.index_cast %mul3A_255 : i32 to index
      %get3A_257 = tpu.vector_load %arg12[%get3A_256] {strides = array<i32>} : memref<4096xf32, #tpu.memory_space<vmem>>, vector<16xf32>,
      %get3A_258 = arith.index_cast %mul3A_255 : i32 to index
      %get3A_259 = tpu.vector_load %arg13[%get3A_258] {strides = array<i32>} : memref<4096xi32, #tpu.memory_space<vmem>>, vector<16xi32>,
      %gather3A_260 = tpu.vector_load_idx %arg11[%get3A_259] : memref<100000xf32, #tpu.memory_space<vmem>>[vector<16xi32>], vector<16xf32>,
      %mul3A_261 = arith.mulf %get3A_257, %gather3A_260 : vector<16xf32>
      %swap3A_262 = arith.index_cast %mul3A_255 : i32 to index
      %swap3A_263 = tpu.vector_load %arg12[%swap3A_262] {strides = array<i32>} : memref<4096xf32, #tpu.memory_space<vmem>>, vector<16xf32>,
      tpu.vector_store %arg12[%swap3A_262], %mul3A_261 {strides = array<i32>} : memref<4096xf32, #tpu.memory_space<vmem>>, vector<16xf32>,
      %mul3A_264 = arith.constant 8 : i32
      %mul3A_265 = arith.muli %scan3A_168, %mul3A_264 : i32
      %add3A_266 = arith.constant 7 : i32
      %add3A_267 = arith.addi %mul3A_265, %add3A_266 : i32
      %mul3A_268 = arith.constant 16 : i32
      %mul3A_269 = arith.muli %add3A_267, %mul3A_268 : i32
      %get3A_270 = arith.index_cast %mul3A_269 : i32 to index
      %get3A_271 = tpu.vector_load %arg12[%get3A_270] {strides = array<i32>} : memref<4096xf32, #tpu.memory_space<vmem>>, vector<16xf32>,
      %get3A_272 = arith.index_cast %mul3A_269 : i32 to index
      %get3A_273 = tpu.vector_load %arg13[%get3A_272] {strides = array<i32>} : memref<4096xi32, #tpu.memory_space<vmem>>, vector<16xi32>,
      %gather3A_274 = tpu.vector_load_idx %arg11[%get3A_273] : memref<100000xf32, #tpu.memory_space<vmem>>[vector<16xi32>], vector<16xf32>,
      %mul3A_275 = arith.mulf %get3A_271, %gather3A_274 : vector<16xf32>
      %swap3A_276 = arith.index_cast %mul3A_269 : i32 to index
      %swap3A_277 = tpu.vector_load %arg12[%swap3A_276] {strides = array<i32>} : memref<4096xf32, #tpu.memory_space<vmem>>, vector<16xf32>,
      tpu.vector_store %arg12[%swap3A_276], %mul3A_275 {strides = array<i32>} : memref<4096xf32, #tpu.memory_space<vmem>>, vector<16xf32>,
    }
    %scan3A_106 = arith.constant 32 : i32
    "tpu.region"() ({
      %run_scoped3A = tpu.sem_alloc : memref<!tpu.dma_semaphore, #tpu.memory_space<semaphore_mem>>
      %dma_start3A_168 = arith.constant 0 : i32
      %dma_start3A_169 = tpu.memref_slice %arg8[%add3A, %dma_start3A_168] : memref<32x16384xf32, #tpu.memory_space<hbm>> -> memref<1x4096xf32, #tpu.memory_space<hbm>>
      %dma_start3A_170 = tpu.memref_squeeze %dma_start3A_169 : memref<1x4096xf32, #tpu.memory_space<hbm>> -> memref<4096xf32, #tpu.memory_space<hbm>>
      %dma_start3A_171 = arith.constant 0 : i32
      %dma_start3A_172 = tpu.memref_slice %arg8[%add3A, %dma_start3A_171] : memref<32x16384xf32, #tpu.memory_space<hbm>> -> memref<1x4096xf32, #tpu.memory_space<hbm>>
      %dma_start3A_173 = tpu.memref_squeeze %dma_start3A_172 : memref<1x4096xf32, #tpu.memory_space<hbm>> -> memref<4096xf32, #tpu.memory_space<hbm>>
      tpu.enqueue_dma source(%arg12 : memref<4096xf32, #tpu.memory_space<vmem>>) target(%dma_start3A_173 : memref<4096xf32, #tpu.memory_space<hbm>>) target_semaphore(%run_scoped3A : memref<!tpu.dma_semaphore, #tpu.memory_space<semaphore_mem>>)
      %dma_wait3A_174 = arith.constant 0 : i32
      %dma_wait3A_175 = tpu.memref_slice %arg8[%add3A, %dma_wait3A_174] : memref<32x16384xf32, #tpu.memory_space<hbm>> -> memref<1x4096xf32, #tpu.memory_space<hbm>>
      %dma_wait3A_176 = tpu.memref_squeeze %dma_wait3A_175 : memref<1x4096xf32, #tpu.memory_space<hbm>> -> memref<4096xf32, #tpu.memory_space<hbm>>
      %dma_wait3A_177 = arith.constant 0 : i32
      %dma_wait3A_178 = tpu.memref_slice %arg8[%add3A, %dma_wait3A_177] : memref<32x16384xf32, #tpu.memory_space<hbm>> -> memref<1x4096xf32, #tpu.memory_space<hbm>>
      %dma_wait3A_179 = tpu.memref_squeeze %dma_wait3A_178 : memref<1x4096xf32, #tpu.memory_space<hbm>> -> memref<4096xf32, #tpu.memory_space<hbm>>
      tpu.wait_dma2 semaphore(%run_scoped3A : memref<!tpu.dma_semaphore, #tpu.memory_space<semaphore_mem>>) src(%arg12 : memref<4096xf32, #tpu.memory_space<vmem>>) dst(%dma_wait3A_179 : memref<4096xf32, #tpu.memory_space<hbm>>)
      tpu.yield
    }) : () -> ()
    %dma_wait3A_107 = arith.constant 0 : i32
    %dma_wait3A_108 = tpu.memref_slice %arg16[%dma_wait3A_107] : memref<512xi32, #tpu.memory_space<vmem>> -> memref<128xi32, #tpu.memory_space<vmem>>
    %dma_wait3A_109 = arith.constant 0 : i32
    %dma_wait3A_110 = arith.constant 0 : i32
    %dma_wait3A_111 = tpu.memref_slice %arg7[%dma_wait3A_109, %dma_wait3A_110] : memref<100000x128xf32, #tpu.memory_space<hbm>> -> memref<100000x128xf32, #tpu.memory_space<hbm>>
    tpu.wait_indirect_dma semaphore(%arg17 : memref<!tpu.dma_semaphore, #tpu.memory_space<semaphore_mem>>) src(%dma_wait3A_111 : memref<100000x128xf32, #tpu.memory_space<hbm>>) dst(%arg14 : memref<128x128xf32, #tpu.memory_space<vmem>>)
    %add3A_112 = arith.constant 0 : i32
    %add3A_113 = arith.addi %mul3A_2, %add3A_112 : i32
    "tpu.region"() ({
      %run_scoped3A = tpu.sem_alloc : memref<!tpu.dma_semaphore, #tpu.memory_space<semaphore_mem>>
      %dma_start3A_168 = arith.constant 0 : i32
      %dma_start3A_169 = tpu.memref_slice %arg10[%add3A_113, %dma_start3A_168] : memref<16384x128xf32, #tpu.memory_space<hbm>> -> memref<128x128xf32, #tpu.memory_space<hbm>>
      %dma_start3A_170 = arith.constant 0 : i32
      %dma_start3A_171 = tpu.memref_slice %arg10[%add3A_113, %dma_start3A_170] : memref<16384x128xf32, #tpu.memory_space<hbm>> -> memref<128x128xf32, #tpu.memory_space<hbm>>
      tpu.enqueue_dma source(%arg14 : memref<128x128xf32, #tpu.memory_space<vmem>>) target(%dma_start3A_171 : memref<128x128xf32, #tpu.memory_space<hbm>>) target_semaphore(%run_scoped3A : memref<!tpu.dma_semaphore, #tpu.memory_space<semaphore_mem>>)
      %dma_wait3A_172 = arith.constant 0 : i32
      %dma_wait3A_173 = tpu.memref_slice %arg10[%add3A_113, %dma_wait3A_172] : memref<16384x128xf32, #tpu.memory_space<hbm>> -> memref<128x128xf32, #tpu.memory_space<hbm>>
      %dma_wait3A_174 = arith.constant 0 : i32
      %dma_wait3A_175 = tpu.memref_slice %arg10[%add3A_113, %dma_wait3A_174] : memref<16384x128xf32, #tpu.memory_space<hbm>> -> memref<128x128xf32, #tpu.memory_space<hbm>>
      tpu.wait_dma2 semaphore(%run_scoped3A : memref<!tpu.dma_semaphore, #tpu.memory_space<semaphore_mem>>) src(%arg14 : memref<128x128xf32, #tpu.memory_space<vmem>>) dst(%dma_wait3A_175 : memref<128x128xf32, #tpu.memory_space<hbm>>)
      tpu.yield
    }) : () -> ()
    %dma_start3A_114 = arith.constant 128 : i32
    %dma_start3A_115 = tpu.memref_slice %arg16[%dma_start3A_114] : memref<512xi32, #tpu.memory_space<vmem>> -> memref<128xi32, #tpu.memory_space<vmem>>
    %dma_start3A_116 = arith.constant 0 : i32
    %dma_start3A_117 = arith.constant 0 : i32
    %dma_start3A_118 = tpu.memref_slice %arg7[%dma_start3A_116, %dma_start3A_117] : memref<100000x128xf32, #tpu.memory_space<hbm>> -> memref<100000x128xf32, #tpu.memory_space<hbm>>
    tpu.enqueue_indirect_dma source(%dma_start3A_118 : memref<100000x128xf32, #tpu.memory_space<hbm>>) target(%arg14 : memref<128x128xf32, #tpu.memory_space<vmem>>) offsets(%dma_start3A_115 : memref<128xi32, #tpu.memory_space<vmem>>) semaphore(%arg17 : memref<!tpu.dma_semaphore, #tpu.memory_space<semaphore_mem>>)
    "tpu.region"() ({
      %run_scoped3A = tpu.sem_alloc : memref<!tpu.dma_semaphore, #tpu.memory_space<semaphore_mem>>
      %dma_start3A_168 = arith.constant 4096 : i32
      %dma_start3A_169 = tpu.memref_slice %arg3[%dma_start3A_168] : memref<16384xi32, #tpu.memory_space<hbm>> -> memref<4096xi32, #tpu.memory_space<hbm>>
      %dma_start3A_170 = arith.constant 4096 : i32
      %dma_start3A_171 = tpu.memref_slice %arg3[%dma_start3A_170] : memref<16384xi32, #tpu.memory_space<hbm>> -> memref<4096xi32, #tpu.memory_space<hbm>>
      tpu.enqueue_dma source(%dma_start3A_171 : memref<4096xi32, #tpu.memory_space<hbm>>) target(%arg13 : memref<4096xi32, #tpu.memory_space<vmem>>) target_semaphore(%run_scoped3A : memref<!tpu.dma_semaphore, #tpu.memory_space<semaphore_mem>>)
      %dma_wait3A_172 = arith.constant 4096 : i32
      %dma_wait3A_173 = tpu.memref_slice %arg3[%dma_wait3A_172] : memref<16384xi32, #tpu.memory_space<hbm>> -> memref<4096xi32, #tpu.memory_space<hbm>>
      %dma_wait3A_174 = arith.constant 4096 : i32
      %dma_wait3A_175 = tpu.memref_slice %arg3[%dma_wait3A_174] : memref<16384xi32, #tpu.memory_space<hbm>> -> memref<4096xi32, #tpu.memory_space<hbm>>
      tpu.wait_dma2 semaphore(%run_scoped3A : memref<!tpu.dma_semaphore, #tpu.memory_space<semaphore_mem>>) src(%dma_wait3A_175 : memref<4096xi32, #tpu.memory_space<hbm>>) dst(%arg13 : memref<4096xi32, #tpu.memory_space<vmem>>)
      tpu.yield
    }) : () -> ()
    "tpu.region"() ({
      %run_scoped3A = tpu.sem_alloc : memref<!tpu.dma_semaphore, #tpu.memory_space<semaphore_mem>>
      %dma_start3A_168 = arith.constant 4096 : i32
      %dma_start3A_169 = tpu.memref_slice %arg8[%add3A, %dma_start3A_168] : memref<32x16384xf32, #tpu.memory_space<hbm>> -> memref<1x4096xf32, #tpu.memory_space<hbm>>
      %dma_start3A_170 = tpu.memref_squeeze %dma_start3A_169 : memref<1x4096xf32, #tpu.memory_space<hbm>> -> memref<4096xf32, #tpu.memory_space<hbm>>
      %dma_start3A_171 = arith.constant 4096 : i32
      %dma_start3A_172 = tpu.memref_slice %arg8[%add3A, %dma_start3A_171] : memref<32x16384xf32, #tpu.memory_space<hbm>> -> memref<1x4096xf32, #tpu.memory_space<hbm>>
      %dma_start3A_173 = tpu.memref_squeeze %dma_start3A_172 : memref<1x4096xf32, #tpu.memory_space<hbm>> -> memref<4096xf32, #tpu.memory_space<hbm>>
      tpu.enqueue_dma source(%dma_start3A_173 : memref<4096xf32, #tpu.memory_space<hbm>>) target(%arg12 : memref<4096xf32, #tpu.memory_space<vmem>>) target_semaphore(%run_scoped3A : memref<!tpu.dma_semaphore, #tpu.memory_space<semaphore_mem>>)
      %dma_wait3A_174 = arith.constant 4096 : i32
      %dma_wait3A_175 = tpu.memref_slice %arg8[%add3A, %dma_wait3A_174] : memref<32x16384xf32, #tpu.memory_space<hbm>> -> memref<1x4096xf32, #tpu.memory_space<hbm>>
      %dma_wait3A_176 = tpu.memref_squeeze %dma_wait3A_175 : memref<1x4096xf32, #tpu.memory_space<hbm>> -> memref<4096xf32, #tpu.memory_space<hbm>>
      %dma_wait3A_177 = arith.constant 4096 : i32
      %dma_wait3A_178 = tpu.memref_slice %arg8[%add3A, %dma_wait3A_177] : memref<32x16384xf32, #tpu.memory_space<hbm>> -> memref<1x4096xf32, #tpu.memory_space<hbm>>
      %dma_wait3A_179 = tpu.memref_squeeze %dma_wait3A_178 : memref<1x4096xf32, #tpu.memory_space<hbm>> -> memref<4096xf32, #tpu.memory_space<hbm>>
      tpu.wait_dma2 semaphore(%run_scoped3A : memref<!tpu.dma_semaphore, #tpu.memory_space<semaphore_mem>>) src(%dma_wait3A_179 : memref<4096xf32, #tpu.memory_space<hbm>>) dst(%arg12 : memref<4096xf32, #tpu.memory_space<vmem>>)
      tpu.yield
    }) : () -> ()
    %scan3A_119 = arith.constant 0 : i32
    %scan3A_120 = arith.constant 0 : i32
    %scan3A_121 = arith.constant 32 : i32
    %scan3A_122 = arith.addi %scan3A_120, %scan3A_121 : i32
    %scan3A_123 = arith.constant 1 : i32
    scf.for %scan3A_168 = %scan3A_120 to %scan3A_122 step %scan3A_123  : i32 {
      %mul3A_169 = arith.constant 8 : i32
      %mul3A_170 = arith.muli %scan3A_168, %mul3A_169 : i32
      %add3A_171 = arith.constant 0 : i32
      %add3A_172 = arith.addi %mul3A_170, %add3A_171 : i32
      %mul3A_173 = arith.constant 16 : i32
      %mul3A_174 = arith.muli %add3A_172, %mul3A_173 : i32
      %get3A = arith.index_cast %mul3A_174 : i32 to index
      %get3A_175 = tpu.vector_load %arg12[%get3A] {strides = array<i32>} : memref<4096xf32, #tpu.memory_space<vmem>>, vector<16xf32>,
      %get3A_176 = arith.index_cast %mul3A_174 : i32 to index
      %get3A_177 = tpu.vector_load %arg13[%get3A_176] {strides = array<i32>} : memref<4096xi32, #tpu.memory_space<vmem>>, vector<16xi32>,
      %gather3A = tpu.vector_load_idx %arg11[%get3A_177] : memref<100000xf32, #tpu.memory_space<vmem>>[vector<16xi32>], vector<16xf32>,
      %mul3A_178 = arith.mulf %get3A_175, %gather3A : vector<16xf32>
      %swap3A = arith.index_cast %mul3A_174 : i32 to index
      %swap3A_179 = tpu.vector_load %arg12[%swap3A] {strides = array<i32>} : memref<4096xf32, #tpu.memory_space<vmem>>, vector<16xf32>,
      tpu.vector_store %arg12[%swap3A], %mul3A_178 {strides = array<i32>} : memref<4096xf32, #tpu.memory_space<vmem>>, vector<16xf32>,
      %mul3A_180 = arith.constant 8 : i32
      %mul3A_181 = arith.muli %scan3A_168, %mul3A_180 : i32
      %add3A_182 = arith.constant 1 : i32
      %add3A_183 = arith.addi %mul3A_181, %add3A_182 : i32
      %mul3A_184 = arith.constant 16 : i32
      %mul3A_185 = arith.muli %add3A_183, %mul3A_184 : i32
      %get3A_186 = arith.index_cast %mul3A_185 : i32 to index
      %get3A_187 = tpu.vector_load %arg12[%get3A_186] {strides = array<i32>} : memref<4096xf32, #tpu.memory_space<vmem>>, vector<16xf32>,
      %get3A_188 = arith.index_cast %mul3A_185 : i32 to index
      %get3A_189 = tpu.vector_load %arg13[%get3A_188] {strides = array<i32>} : memref<4096xi32, #tpu.memory_space<vmem>>, vector<16xi32>,
      %gather3A_190 = tpu.vector_load_idx %arg11[%get3A_189] : memref<100000xf32, #tpu.memory_space<vmem>>[vector<16xi32>], vector<16xf32>,
      %mul3A_191 = arith.mulf %get3A_187, %gather3A_190 : vector<16xf32>
      %swap3A_192 = arith.index_cast %mul3A_185 : i32 to index
      %swap3A_193 = tpu.vector_load %arg12[%swap3A_192] {strides = array<i32>} : memref<4096xf32, #tpu.memory_space<vmem>>, vector<16xf32>,
      tpu.vector_store %arg12[%swap3A_192], %mul3A_191 {strides = array<i32>} : memref<4096xf32, #tpu.memory_space<vmem>>, vector<16xf32>,
      %mul3A_194 = arith.constant 8 : i32
      %mul3A_195 = arith.muli %scan3A_168, %mul3A_194 : i32
      %add3A_196 = arith.constant 2 : i32
      %add3A_197 = arith.addi %mul3A_195, %add3A_196 : i32
      %mul3A_198 = arith.constant 16 : i32
      %mul3A_199 = arith.muli %add3A_197, %mul3A_198 : i32
      %get3A_200 = arith.index_cast %mul3A_199 : i32 to index
      %get3A_201 = tpu.vector_load %arg12[%get3A_200] {strides = array<i32>} : memref<4096xf32, #tpu.memory_space<vmem>>, vector<16xf32>,
      %get3A_202 = arith.index_cast %mul3A_199 : i32 to index
      %get3A_203 = tpu.vector_load %arg13[%get3A_202] {strides = array<i32>} : memref<4096xi32, #tpu.memory_space<vmem>>, vector<16xi32>,
      %gather3A_204 = tpu.vector_load_idx %arg11[%get3A_203] : memref<100000xf32, #tpu.memory_space<vmem>>[vector<16xi32>], vector<16xf32>,
      %mul3A_205 = arith.mulf %get3A_201, %gather3A_204 : vector<16xf32>
      %swap3A_206 = arith.index_cast %mul3A_199 : i32 to index
      %swap3A_207 = tpu.vector_load %arg12[%swap3A_206] {strides = array<i32>} : memref<4096xf32, #tpu.memory_space<vmem>>, vector<16xf32>,
      tpu.vector_store %arg12[%swap3A_206], %mul3A_205 {strides = array<i32>} : memref<4096xf32, #tpu.memory_space<vmem>>, vector<16xf32>,
      %mul3A_208 = arith.constant 8 : i32
      %mul3A_209 = arith.muli %scan3A_168, %mul3A_208 : i32
      %add3A_210 = arith.constant 3 : i32
      %add3A_211 = arith.addi %mul3A_209, %add3A_210 : i32
      %mul3A_212 = arith.constant 16 : i32
      %mul3A_213 = arith.muli %add3A_211, %mul3A_212 : i32
      %get3A_214 = arith.index_cast %mul3A_213 : i32 to index
      %get3A_215 = tpu.vector_load %arg12[%get3A_214] {strides = array<i32>} : memref<4096xf32, #tpu.memory_space<vmem>>, vector<16xf32>,
      %get3A_216 = arith.index_cast %mul3A_213 : i32 to index
      %get3A_217 = tpu.vector_load %arg13[%get3A_216] {strides = array<i32>} : memref<4096xi32, #tpu.memory_space<vmem>>, vector<16xi32>,
      %gather3A_218 = tpu.vector_load_idx %arg11[%get3A_217] : memref<100000xf32, #tpu.memory_space<vmem>>[vector<16xi32>], vector<16xf32>,
      %mul3A_219 = arith.mulf %get3A_215, %gather3A_218 : vector<16xf32>
      %swap3A_220 = arith.index_cast %mul3A_213 : i32 to index
      %swap3A_221 = tpu.vector_load %arg12[%swap3A_220] {strides = array<i32>} : memref<4096xf32, #tpu.memory_space<vmem>>, vector<16xf32>,
      tpu.vector_store %arg12[%swap3A_220], %mul3A_219 {strides = array<i32>} : memref<4096xf32, #tpu.memory_space<vmem>>, vector<16xf32>,
      %mul3A_222 = arith.constant 8 : i32
      %mul3A_223 = arith.muli %scan3A_168, %mul3A_222 : i32
      %add3A_224 = arith.constant 4 : i32
      %add3A_225 = arith.addi %mul3A_223, %add3A_224 : i32
      %mul3A_226 = arith.constant 16 : i32
      %mul3A_227 = arith.muli %add3A_225, %mul3A_226 : i32
      %get3A_228 = arith.index_cast %mul3A_227 : i32 to index
      %get3A_229 = tpu.vector_load %arg12[%get3A_228] {strides = array<i32>} : memref<4096xf32, #tpu.memory_space<vmem>>, vector<16xf32>,
      %get3A_230 = arith.index_cast %mul3A_227 : i32 to index
      %get3A_231 = tpu.vector_load %arg13[%get3A_230] {strides = array<i32>} : memref<4096xi32, #tpu.memory_space<vmem>>, vector<16xi32>,
      %gather3A_232 = tpu.vector_load_idx %arg11[%get3A_231] : memref<100000xf32, #tpu.memory_space<vmem>>[vector<16xi32>], vector<16xf32>,
      %mul3A_233 = arith.mulf %get3A_229, %gather3A_232 : vector<16xf32>
      %swap3A_234 = arith.index_cast %mul3A_227 : i32 to index
      %swap3A_235 = tpu.vector_load %arg12[%swap3A_234] {strides = array<i32>} : memref<4096xf32, #tpu.memory_space<vmem>>, vector<16xf32>,
      tpu.vector_store %arg12[%swap3A_234], %mul3A_233 {strides = array<i32>} : memref<4096xf32, #tpu.memory_space<vmem>>, vector<16xf32>,
      %mul3A_236 = arith.constant 8 : i32
      %mul3A_237 = arith.muli %scan3A_168, %mul3A_236 : i32
      %add3A_238 = arith.constant 5 : i32
      %add3A_239 = arith.addi %mul3A_237, %add3A_238 : i32
      %mul3A_240 = arith.constant 16 : i32
      %mul3A_241 = arith.muli %add3A_239, %mul3A_240 : i32
      %get3A_242 = arith.index_cast %mul3A_241 : i32 to index
      %get3A_243 = tpu.vector_load %arg12[%get3A_242] {strides = array<i32>} : memref<4096xf32, #tpu.memory_space<vmem>>, vector<16xf32>,
      %get3A_244 = arith.index_cast %mul3A_241 : i32 to index
      %get3A_245 = tpu.vector_load %arg13[%get3A_244] {strides = array<i32>} : memref<4096xi32, #tpu.memory_space<vmem>>, vector<16xi32>,
      %gather3A_246 = tpu.vector_load_idx %arg11[%get3A_245] : memref<100000xf32, #tpu.memory_space<vmem>>[vector<16xi32>], vector<16xf32>,
      %mul3A_247 = arith.mulf %get3A_243, %gather3A_246 : vector<16xf32>
      %swap3A_248 = arith.index_cast %mul3A_241 : i32 to index
      %swap3A_249 = tpu.vector_load %arg12[%swap3A_248] {strides = array<i32>} : memref<4096xf32, #tpu.memory_space<vmem>>, vector<16xf32>,
      tpu.vector_store %arg12[%swap3A_248], %mul3A_247 {strides = array<i32>} : memref<4096xf32, #tpu.memory_space<vmem>>, vector<16xf32>,
      %mul3A_250 = arith.constant 8 : i32
      %mul3A_251 = arith.muli %scan3A_168, %mul3A_250 : i32
      %add3A_252 = arith.constant 6 : i32
      %add3A_253 = arith.addi %mul3A_251, %add3A_252 : i32
      %mul3A_254 = arith.constant 16 : i32
      %mul3A_255 = arith.muli %add3A_253, %mul3A_254 : i32
      %get3A_256 = arith.index_cast %mul3A_255 : i32 to index
      %get3A_257 = tpu.vector_load %arg12[%get3A_256] {strides = array<i32>} : memref<4096xf32, #tpu.memory_space<vmem>>, vector<16xf32>,
      %get3A_258 = arith.index_cast %mul3A_255 : i32 to index
      %get3A_259 = tpu.vector_load %arg13[%get3A_258] {strides = array<i32>} : memref<4096xi32, #tpu.memory_space<vmem>>, vector<16xi32>,
      %gather3A_260 = tpu.vector_load_idx %arg11[%get3A_259] : memref<100000xf32, #tpu.memory_space<vmem>>[vector<16xi32>], vector<16xf32>,
      %mul3A_261 = arith.mulf %get3A_257, %gather3A_260 : vector<16xf32>
      %swap3A_262 = arith.index_cast %mul3A_255 : i32 to index
      %swap3A_263 = tpu.vector_load %arg12[%swap3A_262] {strides = array<i32>} : memref<4096xf32, #tpu.memory_space<vmem>>, vector<16xf32>,
      tpu.vector_store %arg12[%swap3A_262], %mul3A_261 {strides = array<i32>} : memref<4096xf32, #tpu.memory_space<vmem>>, vector<16xf32>,
      %mul3A_264 = arith.constant 8 : i32
      %mul3A_265 = arith.muli %scan3A_168, %mul3A_264 : i32
      %add3A_266 = arith.constant 7 : i32
      %add3A_267 = arith.addi %mul3A_265, %add3A_266 : i32
      %mul3A_268 = arith.constant 16 : i32
      %mul3A_269 = arith.muli %add3A_267, %mul3A_268 : i32
      %get3A_270 = arith.index_cast %mul3A_269 : i32 to index
      %get3A_271 = tpu.vector_load %arg12[%get3A_270] {strides = array<i32>} : memref<4096xf32, #tpu.memory_space<vmem>>, vector<16xf32>,
      %get3A_272 = arith.index_cast %mul3A_269 : i32 to index
      %get3A_273 = tpu.vector_load %arg13[%get3A_272] {strides = array<i32>} : memref<4096xi32, #tpu.memory_space<vmem>>, vector<16xi32>,
      %gather3A_274 = tpu.vector_load_idx %arg11[%get3A_273] : memref<100000xf32, #tpu.memory_space<vmem>>[vector<16xi32>], vector<16xf32>,
      %mul3A_275 = arith.mulf %get3A_271, %gather3A_274 : vector<16xf32>
      %swap3A_276 = arith.index_cast %mul3A_269 : i32 to index
      %swap3A_277 = tpu.vector_load %arg12[%swap3A_276] {strides = array<i32>} : memref<4096xf32, #tpu.memory_space<vmem>>, vector<16xf32>,
      tpu.vector_store %arg12[%swap3A_276], %mul3A_275 {strides = array<i32>} : memref<4096xf32, #tpu.memory_space<vmem>>, vector<16xf32>,
    }
    %scan3A_124 = arith.constant 32 : i32
    "tpu.region"() ({
      %run_scoped3A = tpu.sem_alloc : memref<!tpu.dma_semaphore, #tpu.memory_space<semaphore_mem>>
      %dma_start3A_168 = arith.constant 4096 : i32
      %dma_start3A_169 = tpu.memref_slice %arg8[%add3A, %dma_start3A_168] : memref<32x16384xf32, #tpu.memory_space<hbm>> -> memref<1x4096xf32, #tpu.memory_space<hbm>>
      %dma_start3A_170 = tpu.memref_squeeze %dma_start3A_169 : memref<1x4096xf32, #tpu.memory_space<hbm>> -> memref<4096xf32, #tpu.memory_space<hbm>>
      %dma_start3A_171 = arith.constant 4096 : i32
      %dma_start3A_172 = tpu.memref_slice %arg8[%add3A, %dma_start3A_171] : memref<32x16384xf32, #tpu.memory_space<hbm>> -> memref<1x4096xf32, #tpu.memory_space<hbm>>
      %dma_start3A_173 = tpu.memref_squeeze %dma_start3A_172 : memref<1x4096xf32, #tpu.memory_space<hbm>> -> memref<4096xf32, #tpu.memory_space<hbm>>
      tpu.enqueue_dma source(%arg12 : memref<4096xf32, #tpu.memory_space<vmem>>) target(%dma_start3A_173 : memref<4096xf32, #tpu.memory_space<hbm>>) target_semaphore(%run_scoped3A : memref<!tpu.dma_semaphore, #tpu.memory_space<semaphore_mem>>)
      %dma_wait3A_174 = arith.constant 4096 : i32
      %dma_wait3A_175 = tpu.memref_slice %arg8[%add3A, %dma_wait3A_174] : memref<32x16384xf32, #tpu.memory_space<hbm>> -> memref<1x4096xf32, #tpu.memory_space<hbm>>
      %dma_wait3A_176 = tpu.memref_squeeze %dma_wait3A_175 : memref<1x4096xf32, #tpu.memory_space<hbm>> -> memref<4096xf32, #tpu.memory_space<hbm>>
      %dma_wait3A_177 = arith.constant 4096 : i32
      %dma_wait3A_178 = tpu.memref_slice %arg8[%add3A, %dma_wait3A_177] : memref<32x16384xf32, #tpu.memory_space<hbm>> -> memref<1x4096xf32, #tpu.memory_space<hbm>>
      %dma_wait3A_179 = tpu.memref_squeeze %dma_wait3A_178 : memref<1x4096xf32, #tpu.memory_space<hbm>> -> memref<4096xf32, #tpu.memory_space<hbm>>
      tpu.wait_dma2 semaphore(%run_scoped3A : memref<!tpu.dma_semaphore, #tpu.memory_space<semaphore_mem>>) src(%arg12 : memref<4096xf32, #tpu.memory_space<vmem>>) dst(%dma_wait3A_179 : memref<4096xf32, #tpu.memory_space<hbm>>)
      tpu.yield
    }) : () -> ()
    %dma_wait3A_125 = arith.constant 128 : i32
    %dma_wait3A_126 = tpu.memref_slice %arg16[%dma_wait3A_125] : memref<512xi32, #tpu.memory_space<vmem>> -> memref<128xi32, #tpu.memory_space<vmem>>
    %dma_wait3A_127 = arith.constant 0 : i32
    %dma_wait3A_128 = arith.constant 0 : i32
    %dma_wait3A_129 = tpu.memref_slice %arg7[%dma_wait3A_127, %dma_wait3A_128] : memref<100000x128xf32, #tpu.memory_space<hbm>> -> memref<100000x128xf32, #tpu.memory_space<hbm>>
    tpu.wait_indirect_dma semaphore(%arg17 : memref<!tpu.dma_semaphore, #tpu.memory_space<semaphore_mem>>) src(%dma_wait3A_129 : memref<100000x128xf32, #tpu.memory_space<hbm>>) dst(%arg14 : memref<128x128xf32, #tpu.memory_space<vmem>>)
    %add3A_130 = arith.constant 128 : i32
    %add3A_131 = arith.addi %mul3A_2, %add3A_130 : i32
    "tpu.region"() ({
      %run_scoped3A = tpu.sem_alloc : memref<!tpu.dma_semaphore, #tpu.memory_space<semaphore_mem>>
      %dma_start3A_168 = arith.constant 0 : i32
      %dma_start3A_169 = tpu.memref_slice %arg10[%add3A_131, %dma_start3A_168] : memref<16384x128xf32, #tpu.memory_space<hbm>> -> memref<128x128xf32, #tpu.memory_space<hbm>>
      %dma_start3A_170 = arith.constant 0 : i32
      %dma_start3A_171 = tpu.memref_slice %arg10[%add3A_131, %dma_start3A_170] : memref<16384x128xf32, #tpu.memory_space<hbm>> -> memref<128x128xf32, #tpu.memory_space<hbm>>
      tpu.enqueue_dma source(%arg14 : memref<128x128xf32, #tpu.memory_space<vmem>>) target(%dma_start3A_171 : memref<128x128xf32, #tpu.memory_space<hbm>>) target_semaphore(%run_scoped3A : memref<!tpu.dma_semaphore, #tpu.memory_space<semaphore_mem>>)
      %dma_wait3A_172 = arith.constant 0 : i32
      %dma_wait3A_173 = tpu.memref_slice %arg10[%add3A_131, %dma_wait3A_172] : memref<16384x128xf32, #tpu.memory_space<hbm>> -> memref<128x128xf32, #tpu.memory_space<hbm>>
      %dma_wait3A_174 = arith.constant 0 : i32
      %dma_wait3A_175 = tpu.memref_slice %arg10[%add3A_131, %dma_wait3A_174] : memref<16384x128xf32, #tpu.memory_space<hbm>> -> memref<128x128xf32, #tpu.memory_space<hbm>>
      tpu.wait_dma2 semaphore(%run_scoped3A : memref<!tpu.dma_semaphore, #tpu.memory_space<semaphore_mem>>) src(%arg14 : memref<128x128xf32, #tpu.memory_space<vmem>>) dst(%dma_wait3A_175 : memref<128x128xf32, #tpu.memory_space<hbm>>)
      tpu.yield
    }) : () -> ()
    %dma_start3A_132 = arith.constant 256 : i32
    %dma_start3A_133 = tpu.memref_slice %arg16[%dma_start3A_132] : memref<512xi32, #tpu.memory_space<vmem>> -> memref<128xi32, #tpu.memory_space<vmem>>
    %dma_start3A_134 = arith.constant 0 : i32
    %dma_start3A_135 = arith.constant 0 : i32
    %dma_start3A_136 = tpu.memref_slice %arg7[%dma_start3A_134, %dma_start3A_135] : memref<100000x128xf32, #tpu.memory_space<hbm>> -> memref<100000x128xf32, #tpu.memory_space<hbm>>
    tpu.enqueue_indirect_dma source(%dma_start3A_136 : memref<100000x128xf32, #tpu.memory_space<hbm>>) target(%arg14 : memref<128x128xf32, #tpu.memory_space<vmem>>) offsets(%dma_start3A_133 : memref<128xi32, #tpu.memory_space<vmem>>) semaphore(%arg17 : memref<!tpu.dma_semaphore, #tpu.memory_space<semaphore_mem>>)
    "tpu.region"() ({
      %run_scoped3A = tpu.sem_alloc : memref<!tpu.dma_semaphore, #tpu.memory_space<semaphore_mem>>
      %dma_start3A_168 = arith.constant 8192 : i32
      %dma_start3A_169 = tpu.memref_slice %arg3[%dma_start3A_168] : memref<16384xi32, #tpu.memory_space<hbm>> -> memref<4096xi32, #tpu.memory_space<hbm>>
      %dma_start3A_170 = arith.constant 8192 : i32
      %dma_start3A_171 = tpu.memref_slice %arg3[%dma_start3A_170] : memref<16384xi32, #tpu.memory_space<hbm>> -> memref<4096xi32, #tpu.memory_space<hbm>>
      tpu.enqueue_dma source(%dma_start3A_171 : memref<4096xi32, #tpu.memory_space<hbm>>) target(%arg13 : memref<4096xi32, #tpu.memory_space<vmem>>) target_semaphore(%run_scoped3A : memref<!tpu.dma_semaphore, #tpu.memory_space<semaphore_mem>>)
      %dma_wait3A_172 = arith.constant 8192 : i32
      %dma_wait3A_173 = tpu.memref_slice %arg3[%dma_wait3A_172] : memref<16384xi32, #tpu.memory_space<hbm>> -> memref<4096xi32, #tpu.memory_space<hbm>>
      %dma_wait3A_174 = arith.constant 8192 : i32
      %dma_wait3A_175 = tpu.memref_slice %arg3[%dma_wait3A_174] : memref<16384xi32, #tpu.memory_space<hbm>> -> memref<4096xi32, #tpu.memory_space<hbm>>
      tpu.wait_dma2 semaphore(%run_scoped3A : memref<!tpu.dma_semaphore, #tpu.memory_space<semaphore_mem>>) src(%dma_wait3A_175 : memref<4096xi32, #tpu.memory_space<hbm>>) dst(%arg13 : memref<4096xi32, #tpu.memory_space<vmem>>)
      tpu.yield
    }) : () -> ()
    "tpu.region"() ({
      %run_scoped3A = tpu.sem_alloc : memref<!tpu.dma_semaphore, #tpu.memory_space<semaphore_mem>>
      %dma_start3A_168 = arith.constant 8192 : i32
      %dma_start3A_169 = tpu.memref_slice %arg8[%add3A, %dma_start3A_168] : memref<32x16384xf32, #tpu.memory_space<hbm>> -> memref<1x4096xf32, #tpu.memory_space<hbm>>
      %dma_start3A_170 = tpu.memref_squeeze %dma_start3A_169 : memref<1x4096xf32, #tpu.memory_space<hbm>> -> memref<4096xf32, #tpu.memory_space<hbm>>
      %dma_start3A_171 = arith.constant 8192 : i32
      %dma_start3A_172 = tpu.memref_slice %arg8[%add3A, %dma_start3A_171] : memref<32x16384xf32, #tpu.memory_space<hbm>> -> memref<1x4096xf32, #tpu.memory_space<hbm>>
      %dma_start3A_173 = tpu.memref_squeeze %dma_start3A_172 : memref<1x4096xf32, #tpu.memory_space<hbm>> -> memref<4096xf32, #tpu.memory_space<hbm>>
      tpu.enqueue_dma source(%dma_start3A_173 : memref<4096xf32, #tpu.memory_space<hbm>>) target(%arg12 : memref<4096xf32, #tpu.memory_space<vmem>>) target_semaphore(%run_scoped3A : memref<!tpu.dma_semaphore, #tpu.memory_space<semaphore_mem>>)
      %dma_wait3A_174 = arith.constant 8192 : i32
      %dma_wait3A_175 = tpu.memref_slice %arg8[%add3A, %dma_wait3A_174] : memref<32x16384xf32, #tpu.memory_space<hbm>> -> memref<1x4096xf32, #tpu.memory_space<hbm>>
      %dma_wait3A_176 = tpu.memref_squeeze %dma_wait3A_175 : memref<1x4096xf32, #tpu.memory_space<hbm>> -> memref<4096xf32, #tpu.memory_space<hbm>>
      %dma_wait3A_177 = arith.constant 8192 : i32
      %dma_wait3A_178 = tpu.memref_slice %arg8[%add3A, %dma_wait3A_177] : memref<32x16384xf32, #tpu.memory_space<hbm>> -> memref<1x4096xf32, #tpu.memory_space<hbm>>
      %dma_wait3A_179 = tpu.memref_squeeze %dma_wait3A_178 : memref<1x4096xf32, #tpu.memory_space<hbm>> -> memref<4096xf32, #tpu.memory_space<hbm>>
      tpu.wait_dma2 semaphore(%run_scoped3A : memref<!tpu.dma_semaphore, #tpu.memory_space<semaphore_mem>>) src(%dma_wait3A_179 : memref<4096xf32, #tpu.memory_space<hbm>>) dst(%arg12 : memref<4096xf32, #tpu.memory_space<vmem>>)
      tpu.yield
    }) : () -> ()
    %scan3A_137 = arith.constant 0 : i32
    %scan3A_138 = arith.constant 0 : i32
    %scan3A_139 = arith.constant 32 : i32
    %scan3A_140 = arith.addi %scan3A_138, %scan3A_139 : i32
    %scan3A_141 = arith.constant 1 : i32
    scf.for %scan3A_168 = %scan3A_138 to %scan3A_140 step %scan3A_141  : i32 {
      %mul3A_169 = arith.constant 8 : i32
      %mul3A_170 = arith.muli %scan3A_168, %mul3A_169 : i32
      %add3A_171 = arith.constant 0 : i32
      %add3A_172 = arith.addi %mul3A_170, %add3A_171 : i32
      %mul3A_173 = arith.constant 16 : i32
      %mul3A_174 = arith.muli %add3A_172, %mul3A_173 : i32
      %get3A = arith.index_cast %mul3A_174 : i32 to index
      %get3A_175 = tpu.vector_load %arg12[%get3A] {strides = array<i32>} : memref<4096xf32, #tpu.memory_space<vmem>>, vector<16xf32>,
      %get3A_176 = arith.index_cast %mul3A_174 : i32 to index
      %get3A_177 = tpu.vector_load %arg13[%get3A_176] {strides = array<i32>} : memref<4096xi32, #tpu.memory_space<vmem>>, vector<16xi32>,
      %gather3A = tpu.vector_load_idx %arg11[%get3A_177] : memref<100000xf32, #tpu.memory_space<vmem>>[vector<16xi32>], vector<16xf32>,
      %mul3A_178 = arith.mulf %get3A_175, %gather3A : vector<16xf32>
      %swap3A = arith.index_cast %mul3A_174 : i32 to index
      %swap3A_179 = tpu.vector_load %arg12[%swap3A] {strides = array<i32>} : memref<4096xf32, #tpu.memory_space<vmem>>, vector<16xf32>,
      tpu.vector_store %arg12[%swap3A], %mul3A_178 {strides = array<i32>} : memref<4096xf32, #tpu.memory_space<vmem>>, vector<16xf32>,
      %mul3A_180 = arith.constant 8 : i32
      %mul3A_181 = arith.muli %scan3A_168, %mul3A_180 : i32
      %add3A_182 = arith.constant 1 : i32
      %add3A_183 = arith.addi %mul3A_181, %add3A_182 : i32
      %mul3A_184 = arith.constant 16 : i32
      %mul3A_185 = arith.muli %add3A_183, %mul3A_184 : i32
      %get3A_186 = arith.index_cast %mul3A_185 : i32 to index
      %get3A_187 = tpu.vector_load %arg12[%get3A_186] {strides = array<i32>} : memref<4096xf32, #tpu.memory_space<vmem>>, vector<16xf32>,
      %get3A_188 = arith.index_cast %mul3A_185 : i32 to index
      %get3A_189 = tpu.vector_load %arg13[%get3A_188] {strides = array<i32>} : memref<4096xi32, #tpu.memory_space<vmem>>, vector<16xi32>,
      %gather3A_190 = tpu.vector_load_idx %arg11[%get3A_189] : memref<100000xf32, #tpu.memory_space<vmem>>[vector<16xi32>], vector<16xf32>,
      %mul3A_191 = arith.mulf %get3A_187, %gather3A_190 : vector<16xf32>
      %swap3A_192 = arith.index_cast %mul3A_185 : i32 to index
      %swap3A_193 = tpu.vector_load %arg12[%swap3A_192] {strides = array<i32>} : memref<4096xf32, #tpu.memory_space<vmem>>, vector<16xf32>,
      tpu.vector_store %arg12[%swap3A_192], %mul3A_191 {strides = array<i32>} : memref<4096xf32, #tpu.memory_space<vmem>>, vector<16xf32>,
      %mul3A_194 = arith.constant 8 : i32
      %mul3A_195 = arith.muli %scan3A_168, %mul3A_194 : i32
      %add3A_196 = arith.constant 2 : i32
      %add3A_197 = arith.addi %mul3A_195, %add3A_196 : i32
      %mul3A_198 = arith.constant 16 : i32
      %mul3A_199 = arith.muli %add3A_197, %mul3A_198 : i32
      %get3A_200 = arith.index_cast %mul3A_199 : i32 to index
      %get3A_201 = tpu.vector_load %arg12[%get3A_200] {strides = array<i32>} : memref<4096xf32, #tpu.memory_space<vmem>>, vector<16xf32>,
      %get3A_202 = arith.index_cast %mul3A_199 : i32 to index
      %get3A_203 = tpu.vector_load %arg13[%get3A_202] {strides = array<i32>} : memref<4096xi32, #tpu.memory_space<vmem>>, vector<16xi32>,
      %gather3A_204 = tpu.vector_load_idx %arg11[%get3A_203] : memref<100000xf32, #tpu.memory_space<vmem>>[vector<16xi32>], vector<16xf32>,
      %mul3A_205 = arith.mulf %get3A_201, %gather3A_204 : vector<16xf32>
      %swap3A_206 = arith.index_cast %mul3A_199 : i32 to index
      %swap3A_207 = tpu.vector_load %arg12[%swap3A_206] {strides = array<i32>} : memref<4096xf32, #tpu.memory_space<vmem>>, vector<16xf32>,
      tpu.vector_store %arg12[%swap3A_206], %mul3A_205 {strides = array<i32>} : memref<4096xf32, #tpu.memory_space<vmem>>, vector<16xf32>,
      %mul3A_208 = arith.constant 8 : i32
      %mul3A_209 = arith.muli %scan3A_168, %mul3A_208 : i32
      %add3A_210 = arith.constant 3 : i32
      %add3A_211 = arith.addi %mul3A_209, %add3A_210 : i32
      %mul3A_212 = arith.constant 16 : i32
      %mul3A_213 = arith.muli %add3A_211, %mul3A_212 : i32
      %get3A_214 = arith.index_cast %mul3A_213 : i32 to index
      %get3A_215 = tpu.vector_load %arg12[%get3A_214] {strides = array<i32>} : memref<4096xf32, #tpu.memory_space<vmem>>, vector<16xf32>,
      %get3A_216 = arith.index_cast %mul3A_213 : i32 to index
      %get3A_217 = tpu.vector_load %arg13[%get3A_216] {strides = array<i32>} : memref<4096xi32, #tpu.memory_space<vmem>>, vector<16xi32>,
      %gather3A_218 = tpu.vector_load_idx %arg11[%get3A_217] : memref<100000xf32, #tpu.memory_space<vmem>>[vector<16xi32>], vector<16xf32>,
      %mul3A_219 = arith.mulf %get3A_215, %gather3A_218 : vector<16xf32>
      %swap3A_220 = arith.index_cast %mul3A_213 : i32 to index
      %swap3A_221 = tpu.vector_load %arg12[%swap3A_220] {strides = array<i32>} : memref<4096xf32, #tpu.memory_space<vmem>>, vector<16xf32>,
      tpu.vector_store %arg12[%swap3A_220], %mul3A_219 {strides = array<i32>} : memref<4096xf32, #tpu.memory_space<vmem>>, vector<16xf32>,
      %mul3A_222 = arith.constant 8 : i32
      %mul3A_223 = arith.muli %scan3A_168, %mul3A_222 : i32
      %add3A_224 = arith.constant 4 : i32
      %add3A_225 = arith.addi %mul3A_223, %add3A_224 : i32
      %mul3A_226 = arith.constant 16 : i32
      %mul3A_227 = arith.muli %add3A_225, %mul3A_226 : i32
      %get3A_228 = arith.index_cast %mul3A_227 : i32 to index
      %get3A_229 = tpu.vector_load %arg12[%get3A_228] {strides = array<i32>} : memref<4096xf32, #tpu.memory_space<vmem>>, vector<16xf32>,
      %get3A_230 = arith.index_cast %mul3A_227 : i32 to index
      %get3A_231 = tpu.vector_load %arg13[%get3A_230] {strides = array<i32>} : memref<4096xi32, #tpu.memory_space<vmem>>, vector<16xi32>,
      %gather3A_232 = tpu.vector_load_idx %arg11[%get3A_231] : memref<100000xf32, #tpu.memory_space<vmem>>[vector<16xi32>], vector<16xf32>,
      %mul3A_233 = arith.mulf %get3A_229, %gather3A_232 : vector<16xf32>
      %swap3A_234 = arith.index_cast %mul3A_227 : i32 to index
      %swap3A_235 = tpu.vector_load %arg12[%swap3A_234] {strides = array<i32>} : memref<4096xf32, #tpu.memory_space<vmem>>, vector<16xf32>,
      tpu.vector_store %arg12[%swap3A_234], %mul3A_233 {strides = array<i32>} : memref<4096xf32, #tpu.memory_space<vmem>>, vector<16xf32>,
      %mul3A_236 = arith.constant 8 : i32
      %mul3A_237 = arith.muli %scan3A_168, %mul3A_236 : i32
      %add3A_238 = arith.constant 5 : i32
      %add3A_239 = arith.addi %mul3A_237, %add3A_238 : i32
      %mul3A_240 = arith.constant 16 : i32
      %mul3A_241 = arith.muli %add3A_239, %mul3A_240 : i32
      %get3A_242 = arith.index_cast %mul3A_241 : i32 to index
      %get3A_243 = tpu.vector_load %arg12[%get3A_242] {strides = array<i32>} : memref<4096xf32, #tpu.memory_space<vmem>>, vector<16xf32>,
      %get3A_244 = arith.index_cast %mul3A_241 : i32 to index
      %get3A_245 = tpu.vector_load %arg13[%get3A_244] {strides = array<i32>} : memref<4096xi32, #tpu.memory_space<vmem>>, vector<16xi32>,
      %gather3A_246 = tpu.vector_load_idx %arg11[%get3A_245] : memref<100000xf32, #tpu.memory_space<vmem>>[vector<16xi32>], vector<16xf32>,
      %mul3A_247 = arith.mulf %get3A_243, %gather3A_246 : vector<16xf32>
      %swap3A_248 = arith.index_cast %mul3A_241 : i32 to index
      %swap3A_249 = tpu.vector_load %arg12[%swap3A_248] {strides = array<i32>} : memref<4096xf32, #tpu.memory_space<vmem>>, vector<16xf32>,
      tpu.vector_store %arg12[%swap3A_248], %mul3A_247 {strides = array<i32>} : memref<4096xf32, #tpu.memory_space<vmem>>, vector<16xf32>,
      %mul3A_250 = arith.constant 8 : i32
      %mul3A_251 = arith.muli %scan3A_168, %mul3A_250 : i32
      %add3A_252 = arith.constant 6 : i32
      %add3A_253 = arith.addi %mul3A_251, %add3A_252 : i32
      %mul3A_254 = arith.constant 16 : i32
      %mul3A_255 = arith.muli %add3A_253, %mul3A_254 : i32
      %get3A_256 = arith.index_cast %mul3A_255 : i32 to index
      %get3A_257 = tpu.vector_load %arg12[%get3A_256] {strides = array<i32>} : memref<4096xf32, #tpu.memory_space<vmem>>, vector<16xf32>,
      %get3A_258 = arith.index_cast %mul3A_255 : i32 to index
      %get3A_259 = tpu.vector_load %arg13[%get3A_258] {strides = array<i32>} : memref<4096xi32, #tpu.memory_space<vmem>>, vector<16xi32>,
      %gather3A_260 = tpu.vector_load_idx %arg11[%get3A_259] : memref<100000xf32, #tpu.memory_space<vmem>>[vector<16xi32>], vector<16xf32>,
      %mul3A_261 = arith.mulf %get3A_257, %gather3A_260 : vector<16xf32>
      %swap3A_262 = arith.index_cast %mul3A_255 : i32 to index
      %swap3A_263 = tpu.vector_load %arg12[%swap3A_262] {strides = array<i32>} : memref<4096xf32, #tpu.memory_space<vmem>>, vector<16xf32>,
      tpu.vector_store %arg12[%swap3A_262], %mul3A_261 {strides = array<i32>} : memref<4096xf32, #tpu.memory_space<vmem>>, vector<16xf32>,
      %mul3A_264 = arith.constant 8 : i32
      %mul3A_265 = arith.muli %scan3A_168, %mul3A_264 : i32
      %add3A_266 = arith.constant 7 : i32
      %add3A_267 = arith.addi %mul3A_265, %add3A_266 : i32
      %mul3A_268 = arith.constant 16 : i32
      %mul3A_269 = arith.muli %add3A_267, %mul3A_268 : i32
      %get3A_270 = arith.index_cast %mul3A_269 : i32 to index
      %get3A_271 = tpu.vector_load %arg12[%get3A_270] {strides = array<i32>} : memref<4096xf32, #tpu.memory_space<vmem>>, vector<16xf32>,
      %get3A_272 = arith.index_cast %mul3A_269 : i32 to index
      %get3A_273 = tpu.vector_load %arg13[%get3A_272] {strides = array<i32>} : memref<4096xi32, #tpu.memory_space<vmem>>, vector<16xi32>,
      %gather3A_274 = tpu.vector_load_idx %arg11[%get3A_273] : memref<100000xf32, #tpu.memory_space<vmem>>[vector<16xi32>], vector<16xf32>,
      %mul3A_275 = arith.mulf %get3A_271, %gather3A_274 : vector<16xf32>
      %swap3A_276 = arith.index_cast %mul3A_269 : i32 to index
      %swap3A_277 = tpu.vector_load %arg12[%swap3A_276] {strides = array<i32>} : memref<4096xf32, #tpu.memory_space<vmem>>, vector<16xf32>,
      tpu.vector_store %arg12[%swap3A_276], %mul3A_275 {strides = array<i32>} : memref<4096xf32, #tpu.memory_space<vmem>>, vector<16xf32>,
    }
    %scan3A_142 = arith.constant 32 : i32
    "tpu.region"() ({
      %run_scoped3A = tpu.sem_alloc : memref<!tpu.dma_semaphore, #tpu.memory_space<semaphore_mem>>
      %dma_start3A_168 = arith.constant 8192 : i32
      %dma_start3A_169 = tpu.memref_slice %arg8[%add3A, %dma_start3A_168] : memref<32x16384xf32, #tpu.memory_space<hbm>> -> memref<1x4096xf32, #tpu.memory_space<hbm>>
      %dma_start3A_170 = tpu.memref_squeeze %dma_start3A_169 : memref<1x4096xf32, #tpu.memory_space<hbm>> -> memref<4096xf32, #tpu.memory_space<hbm>>
      %dma_start3A_171 = arith.constant 8192 : i32
      %dma_start3A_172 = tpu.memref_slice %arg8[%add3A, %dma_start3A_171] : memref<32x16384xf32, #tpu.memory_space<hbm>> -> memref<1x4096xf32, #tpu.memory_space<hbm>>
      %dma_start3A_173 = tpu.memref_squeeze %dma_start3A_172 : memref<1x4096xf32, #tpu.memory_space<hbm>> -> memref<4096xf32, #tpu.memory_space<hbm>>
      tpu.enqueue_dma source(%arg12 : memref<4096xf32, #tpu.memory_space<vmem>>) target(%dma_start3A_173 : memref<4096xf32, #tpu.memory_space<hbm>>) target_semaphore(%run_scoped3A : memref<!tpu.dma_semaphore, #tpu.memory_space<semaphore_mem>>)
      %dma_wait3A_174 = arith.constant 8192 : i32
      %dma_wait3A_175 = tpu.memref_slice %arg8[%add3A, %dma_wait3A_174] : memref<32x16384xf32, #tpu.memory_space<hbm>> -> memref<1x4096xf32, #tpu.memory_space<hbm>>
      %dma_wait3A_176 = tpu.memref_squeeze %dma_wait3A_175 : memref<1x4096xf32, #tpu.memory_space<hbm>> -> memref<4096xf32, #tpu.memory_space<hbm>>
      %dma_wait3A_177 = arith.constant 8192 : i32
      %dma_wait3A_178 = tpu.memref_slice %arg8[%add3A, %dma_wait3A_177] : memref<32x16384xf32, #tpu.memory_space<hbm>> -> memref<1x4096xf32, #tpu.memory_space<hbm>>
      %dma_wait3A_179 = tpu.memref_squeeze %dma_wait3A_178 : memref<1x4096xf32, #tpu.memory_space<hbm>> -> memref<4096xf32, #tpu.memory_space<hbm>>
      tpu.wait_dma2 semaphore(%run_scoped3A : memref<!tpu.dma_semaphore, #tpu.memory_space<semaphore_mem>>) src(%arg12 : memref<4096xf32, #tpu.memory_space<vmem>>) dst(%dma_wait3A_179 : memref<4096xf32, #tpu.memory_space<hbm>>)
      tpu.yield
    }) : () -> ()
    %dma_wait3A_143 = arith.constant 256 : i32
    %dma_wait3A_144 = tpu.memref_slice %arg16[%dma_wait3A_143] : memref<512xi32, #tpu.memory_space<vmem>> -> memref<128xi32, #tpu.memory_space<vmem>>
    %dma_wait3A_145 = arith.constant 0 : i32
    %dma_wait3A_146 = arith.constant 0 : i32
    %dma_wait3A_147 = tpu.memref_slice %arg7[%dma_wait3A_145, %dma_wait3A_146] : memref<100000x128xf32, #tpu.memory_space<hbm>> -> memref<100000x128xf32, #tpu.memory_space<hbm>>
    tpu.wait_indirect_dma semaphore(%arg17 : memref<!tpu.dma_semaphore, #tpu.memory_space<semaphore_mem>>) src(%dma_wait3A_147 : memref<100000x128xf32, #tpu.memory_space<hbm>>) dst(%arg14 : memref<128x128xf32, #tpu.memory_space<vmem>>)
    %add3A_148 = arith.constant 256 : i32
    %add3A_149 = arith.addi %mul3A_2, %add3A_148 : i32
    "tpu.region"() ({
      %run_scoped3A = tpu.sem_alloc : memref<!tpu.dma_semaphore, #tpu.memory_space<semaphore_mem>>
      %dma_start3A_168 = arith.constant 0 : i32
      %dma_start3A_169 = tpu.memref_slice %arg10[%add3A_149, %dma_start3A_168] : memref<16384x128xf32, #tpu.memory_space<hbm>> -> memref<128x128xf32, #tpu.memory_space<hbm>>
      %dma_start3A_170 = arith.constant 0 : i32
      %dma_start3A_171 = tpu.memref_slice %arg10[%add3A_149, %dma_start3A_170] : memref<16384x128xf32, #tpu.memory_space<hbm>> -> memref<128x128xf32, #tpu.memory_space<hbm>>
      tpu.enqueue_dma source(%arg14 : memref<128x128xf32, #tpu.memory_space<vmem>>) target(%dma_start3A_171 : memref<128x128xf32, #tpu.memory_space<hbm>>) target_semaphore(%run_scoped3A : memref<!tpu.dma_semaphore, #tpu.memory_space<semaphore_mem>>)
      %dma_wait3A_172 = arith.constant 0 : i32
      %dma_wait3A_173 = tpu.memref_slice %arg10[%add3A_149, %dma_wait3A_172] : memref<16384x128xf32, #tpu.memory_space<hbm>> -> memref<128x128xf32, #tpu.memory_space<hbm>>
      %dma_wait3A_174 = arith.constant 0 : i32
      %dma_wait3A_175 = tpu.memref_slice %arg10[%add3A_149, %dma_wait3A_174] : memref<16384x128xf32, #tpu.memory_space<hbm>> -> memref<128x128xf32, #tpu.memory_space<hbm>>
      tpu.wait_dma2 semaphore(%run_scoped3A : memref<!tpu.dma_semaphore, #tpu.memory_space<semaphore_mem>>) src(%arg14 : memref<128x128xf32, #tpu.memory_space<vmem>>) dst(%dma_wait3A_175 : memref<128x128xf32, #tpu.memory_space<hbm>>)
      tpu.yield
    }) : () -> ()
    %dma_start3A_150 = arith.constant 384 : i32
    %dma_start3A_151 = tpu.memref_slice %arg16[%dma_start3A_150] : memref<512xi32, #tpu.memory_space<vmem>> -> memref<128xi32, #tpu.memory_space<vmem>>
    %dma_start3A_152 = arith.constant 0 : i32
    %dma_start3A_153 = arith.constant 0 : i32
    %dma_start3A_154 = tpu.memref_slice %arg7[%dma_start3A_152, %dma_start3A_153] : memref<100000x128xf32, #tpu.memory_space<hbm>> -> memref<100000x128xf32, #tpu.memory_space<hbm>>
    tpu.enqueue_indirect_dma source(%dma_start3A_154 : memref<100000x128xf32, #tpu.memory_space<hbm>>) target(%arg14 : memref<128x128xf32, #tpu.memory_space<vmem>>) offsets(%dma_start3A_151 : memref<128xi32, #tpu.memory_space<vmem>>) semaphore(%arg17 : memref<!tpu.dma_semaphore, #tpu.memory_space<semaphore_mem>>)
    "tpu.region"() ({
      %run_scoped3A = tpu.sem_alloc : memref<!tpu.dma_semaphore, #tpu.memory_space<semaphore_mem>>
      %dma_start3A_168 = arith.constant 12288 : i32
      %dma_start3A_169 = tpu.memref_slice %arg3[%dma_start3A_168] : memref<16384xi32, #tpu.memory_space<hbm>> -> memref<4096xi32, #tpu.memory_space<hbm>>
      %dma_start3A_170 = arith.constant 12288 : i32
      %dma_start3A_171 = tpu.memref_slice %arg3[%dma_start3A_170] : memref<16384xi32, #tpu.memory_space<hbm>> -> memref<4096xi32, #tpu.memory_space<hbm>>
      tpu.enqueue_dma source(%dma_start3A_171 : memref<4096xi32, #tpu.memory_space<hbm>>) target(%arg13 : memref<4096xi32, #tpu.memory_space<vmem>>) target_semaphore(%run_scoped3A : memref<!tpu.dma_semaphore, #tpu.memory_space<semaphore_mem>>)
      %dma_wait3A_172 = arith.constant 12288 : i32
      %dma_wait3A_173 = tpu.memref_slice %arg3[%dma_wait3A_172] : memref<16384xi32, #tpu.memory_space<hbm>> -> memref<4096xi32, #tpu.memory_space<hbm>>
      %dma_wait3A_174 = arith.constant 12288 : i32
      %dma_wait3A_175 = tpu.memref_slice %arg3[%dma_wait3A_174] : memref<16384xi32, #tpu.memory_space<hbm>> -> memref<4096xi32, #tpu.memory_space<hbm>>
      tpu.wait_dma2 semaphore(%run_scoped3A : memref<!tpu.dma_semaphore, #tpu.memory_space<semaphore_mem>>) src(%dma_wait3A_175 : memref<4096xi32, #tpu.memory_space<hbm>>) dst(%arg13 : memref<4096xi32, #tpu.memory_space<vmem>>)
      tpu.yield
    }) : () -> ()
    "tpu.region"() ({
      %run_scoped3A = tpu.sem_alloc : memref<!tpu.dma_semaphore, #tpu.memory_space<semaphore_mem>>
      %dma_start3A_168 = arith.constant 12288 : i32
      %dma_start3A_169 = tpu.memref_slice %arg8[%add3A, %dma_start3A_168] : memref<32x16384xf32, #tpu.memory_space<hbm>> -> memref<1x4096xf32, #tpu.memory_space<hbm>>
      %dma_start3A_170 = tpu.memref_squeeze %dma_start3A_169 : memref<1x4096xf32, #tpu.memory_space<hbm>> -> memref<4096xf32, #tpu.memory_space<hbm>>
      %dma_start3A_171 = arith.constant 12288 : i32
      %dma_start3A_172 = tpu.memref_slice %arg8[%add3A, %dma_start3A_171] : memref<32x16384xf32, #tpu.memory_space<hbm>> -> memref<1x4096xf32, #tpu.memory_space<hbm>>
      %dma_start3A_173 = tpu.memref_squeeze %dma_start3A_172 : memref<1x4096xf32, #tpu.memory_space<hbm>> -> memref<4096xf32, #tpu.memory_space<hbm>>
      tpu.enqueue_dma source(%dma_start3A_173 : memref<4096xf32, #tpu.memory_space<hbm>>) target(%arg12 : memref<4096xf32, #tpu.memory_space<vmem>>) target_semaphore(%run_scoped3A : memref<!tpu.dma_semaphore, #tpu.memory_space<semaphore_mem>>)
      %dma_wait3A_174 = arith.constant 12288 : i32
      %dma_wait3A_175 = tpu.memref_slice %arg8[%add3A, %dma_wait3A_174] : memref<32x16384xf32, #tpu.memory_space<hbm>> -> memref<1x4096xf32, #tpu.memory_space<hbm>>
      %dma_wait3A_176 = tpu.memref_squeeze %dma_wait3A_175 : memref<1x4096xf32, #tpu.memory_space<hbm>> -> memref<4096xf32, #tpu.memory_space<hbm>>
      %dma_wait3A_177 = arith.constant 12288 : i32
      %dma_wait3A_178 = tpu.memref_slice %arg8[%add3A, %dma_wait3A_177] : memref<32x16384xf32, #tpu.memory_space<hbm>> -> memref<1x4096xf32, #tpu.memory_space<hbm>>
      %dma_wait3A_179 = tpu.memref_squeeze %dma_wait3A_178 : memref<1x4096xf32, #tpu.memory_space<hbm>> -> memref<4096xf32, #tpu.memory_space<hbm>>
      tpu.wait_dma2 semaphore(%run_scoped3A : memref<!tpu.dma_semaphore, #tpu.memory_space<semaphore_mem>>) src(%dma_wait3A_179 : memref<4096xf32, #tpu.memory_space<hbm>>) dst(%arg12 : memref<4096xf32, #tpu.memory_space<vmem>>)
      tpu.yield
    }) : () -> ()
    %scan3A_155 = arith.constant 0 : i32
    %scan3A_156 = arith.constant 0 : i32
    %scan3A_157 = arith.constant 32 : i32
    %scan3A_158 = arith.addi %scan3A_156, %scan3A_157 : i32
    %scan3A_159 = arith.constant 1 : i32
    scf.for %scan3A_168 = %scan3A_156 to %scan3A_158 step %scan3A_159  : i32 {
      %mul3A_169 = arith.constant 8 : i32
      %mul3A_170 = arith.muli %scan3A_168, %mul3A_169 : i32
      %add3A_171 = arith.constant 0 : i32
      %add3A_172 = arith.addi %mul3A_170, %add3A_171 : i32
      %mul3A_173 = arith.constant 16 : i32
      %mul3A_174 = arith.muli %add3A_172, %mul3A_173 : i32
      %get3A = arith.index_cast %mul3A_174 : i32 to index
      %get3A_175 = tpu.vector_load %arg12[%get3A] {strides = array<i32>} : memref<4096xf32, #tpu.memory_space<vmem>>, vector<16xf32>,
      %get3A_176 = arith.index_cast %mul3A_174 : i32 to index
      %get3A_177 = tpu.vector_load %arg13[%get3A_176] {strides = array<i32>} : memref<4096xi32, #tpu.memory_space<vmem>>, vector<16xi32>,
      %gather3A = tpu.vector_load_idx %arg11[%get3A_177] : memref<100000xf32, #tpu.memory_space<vmem>>[vector<16xi32>], vector<16xf32>,
      %mul3A_178 = arith.mulf %get3A_175, %gather3A : vector<16xf32>
      %swap3A = arith.index_cast %mul3A_174 : i32 to index
      %swap3A_179 = tpu.vector_load %arg12[%swap3A] {strides = array<i32>} : memref<4096xf32, #tpu.memory_space<vmem>>, vector<16xf32>,
      tpu.vector_store %arg12[%swap3A], %mul3A_178 {strides = array<i32>} : memref<4096xf32, #tpu.memory_space<vmem>>, vector<16xf32>,
      %mul3A_180 = arith.constant 8 : i32
      %mul3A_181 = arith.muli %scan3A_168, %mul3A_180 : i32
      %add3A_182 = arith.constant 1 : i32
      %add3A_183 = arith.addi %mul3A_181, %add3A_182 : i32
      %mul3A_184 = arith.constant 16 : i32
      %mul3A_185 = arith.muli %add3A_183, %mul3A_184 : i32
      %get3A_186 = arith.index_cast %mul3A_185 : i32 to index
      %get3A_187 = tpu.vector_load %arg12[%get3A_186] {strides = array<i32>} : memref<4096xf32, #tpu.memory_space<vmem>>, vector<16xf32>,
      %get3A_188 = arith.index_cast %mul3A_185 : i32 to index
      %get3A_189 = tpu.vector_load %arg13[%get3A_188] {strides = array<i32>} : memref<4096xi32, #tpu.memory_space<vmem>>, vector<16xi32>,
      %gather3A_190 = tpu.vector_load_idx %arg11[%get3A_189] : memref<100000xf32, #tpu.memory_space<vmem>>[vector<16xi32>], vector<16xf32>,
      %mul3A_191 = arith.mulf %get3A_187, %gather3A_190 : vector<16xf32>
      %swap3A_192 = arith.index_cast %mul3A_185 : i32 to index
      %swap3A_193 = tpu.vector_load %arg12[%swap3A_192] {strides = array<i32>} : memref<4096xf32, #tpu.memory_space<vmem>>, vector<16xf32>,
      tpu.vector_store %arg12[%swap3A_192], %mul3A_191 {strides = array<i32>} : memref<4096xf32, #tpu.memory_space<vmem>>, vector<16xf32>,
      %mul3A_194 = arith.constant 8 : i32
      %mul3A_195 = arith.muli %scan3A_168, %mul3A_194 : i32
      %add3A_196 = arith.constant 2 : i32
      %add3A_197 = arith.addi %mul3A_195, %add3A_196 : i32
      %mul3A_198 = arith.constant 16 : i32
      %mul3A_199 = arith.muli %add3A_197, %mul3A_198 : i32
      %get3A_200 = arith.index_cast %mul3A_199 : i32 to index
      %get3A_201 = tpu.vector_load %arg12[%get3A_200] {strides = array<i32>} : memref<4096xf32, #tpu.memory_space<vmem>>, vector<16xf32>,
      %get3A_202 = arith.index_cast %mul3A_199 : i32 to index
      %get3A_203 = tpu.vector_load %arg13[%get3A_202] {strides = array<i32>} : memref<4096xi32, #tpu.memory_space<vmem>>, vector<16xi32>,
      %gather3A_204 = tpu.vector_load_idx %arg11[%get3A_203] : memref<100000xf32, #tpu.memory_space<vmem>>[vector<16xi32>], vector<16xf32>,
      %mul3A_205 = arith.mulf %get3A_201, %gather3A_204 : vector<16xf32>
      %swap3A_206 = arith.index_cast %mul3A_199 : i32 to index
      %swap3A_207 = tpu.vector_load %arg12[%swap3A_206] {strides = array<i32>} : memref<4096xf32, #tpu.memory_space<vmem>>, vector<16xf32>,
      tpu.vector_store %arg12[%swap3A_206], %mul3A_205 {strides = array<i32>} : memref<4096xf32, #tpu.memory_space<vmem>>, vector<16xf32>,
      %mul3A_208 = arith.constant 8 : i32
      %mul3A_209 = arith.muli %scan3A_168, %mul3A_208 : i32
      %add3A_210 = arith.constant 3 : i32
      %add3A_211 = arith.addi %mul3A_209, %add3A_210 : i32
      %mul3A_212 = arith.constant 16 : i32
      %mul3A_213 = arith.muli %add3A_211, %mul3A_212 : i32
      %get3A_214 = arith.index_cast %mul3A_213 : i32 to index
      %get3A_215 = tpu.vector_load %arg12[%get3A_214] {strides = array<i32>} : memref<4096xf32, #tpu.memory_space<vmem>>, vector<16xf32>,
      %get3A_216 = arith.index_cast %mul3A_213 : i32 to index
      %get3A_217 = tpu.vector_load %arg13[%get3A_216] {strides = array<i32>} : memref<4096xi32, #tpu.memory_space<vmem>>, vector<16xi32>,
      %gather3A_218 = tpu.vector_load_idx %arg11[%get3A_217] : memref<100000xf32, #tpu.memory_space<vmem>>[vector<16xi32>], vector<16xf32>,
      %mul3A_219 = arith.mulf %get3A_215, %gather3A_218 : vector<16xf32>
      %swap3A_220 = arith.index_cast %mul3A_213 : i32 to index
      %swap3A_221 = tpu.vector_load %arg12[%swap3A_220] {strides = array<i32>} : memref<4096xf32, #tpu.memory_space<vmem>>, vector<16xf32>,
      tpu.vector_store %arg12[%swap3A_220], %mul3A_219 {strides = array<i32>} : memref<4096xf32, #tpu.memory_space<vmem>>, vector<16xf32>,
      %mul3A_222 = arith.constant 8 : i32
      %mul3A_223 = arith.muli %scan3A_168, %mul3A_222 : i32
      %add3A_224 = arith.constant 4 : i32
      %add3A_225 = arith.addi %mul3A_223, %add3A_224 : i32
      %mul3A_226 = arith.constant 16 : i32
      %mul3A_227 = arith.muli %add3A_225, %mul3A_226 : i32
      %get3A_228 = arith.index_cast %mul3A_227 : i32 to index
      %get3A_229 = tpu.vector_load %arg12[%get3A_228] {strides = array<i32>} : memref<4096xf32, #tpu.memory_space<vmem>>, vector<16xf32>,
      %get3A_230 = arith.index_cast %mul3A_227 : i32 to index
      %get3A_231 = tpu.vector_load %arg13[%get3A_230] {strides = array<i32>} : memref<4096xi32, #tpu.memory_space<vmem>>, vector<16xi32>,
      %gather3A_232 = tpu.vector_load_idx %arg11[%get3A_231] : memref<100000xf32, #tpu.memory_space<vmem>>[vector<16xi32>], vector<16xf32>,
      %mul3A_233 = arith.mulf %get3A_229, %gather3A_232 : vector<16xf32>
      %swap3A_234 = arith.index_cast %mul3A_227 : i32 to index
      %swap3A_235 = tpu.vector_load %arg12[%swap3A_234] {strides = array<i32>} : memref<4096xf32, #tpu.memory_space<vmem>>, vector<16xf32>,
      tpu.vector_store %arg12[%swap3A_234], %mul3A_233 {strides = array<i32>} : memref<4096xf32, #tpu.memory_space<vmem>>, vector<16xf32>,
      %mul3A_236 = arith.constant 8 : i32
      %mul3A_237 = arith.muli %scan3A_168, %mul3A_236 : i32
      %add3A_238 = arith.constant 5 : i32
      %add3A_239 = arith.addi %mul3A_237, %add3A_238 : i32
      %mul3A_240 = arith.constant 16 : i32
      %mul3A_241 = arith.muli %add3A_239, %mul3A_240 : i32
      %get3A_242 = arith.index_cast %mul3A_241 : i32 to index
      %get3A_243 = tpu.vector_load %arg12[%get3A_242] {strides = array<i32>} : memref<4096xf32, #tpu.memory_space<vmem>>, vector<16xf32>,
      %get3A_244 = arith.index_cast %mul3A_241 : i32 to index
      %get3A_245 = tpu.vector_load %arg13[%get3A_244] {strides = array<i32>} : memref<4096xi32, #tpu.memory_space<vmem>>, vector<16xi32>,
      %gather3A_246 = tpu.vector_load_idx %arg11[%get3A_245] : memref<100000xf32, #tpu.memory_space<vmem>>[vector<16xi32>], vector<16xf32>,
      %mul3A_247 = arith.mulf %get3A_243, %gather3A_246 : vector<16xf32>
      %swap3A_248 = arith.index_cast %mul3A_241 : i32 to index
      %swap3A_249 = tpu.vector_load %arg12[%swap3A_248] {strides = array<i32>} : memref<4096xf32, #tpu.memory_space<vmem>>, vector<16xf32>,
      tpu.vector_store %arg12[%swap3A_248], %mul3A_247 {strides = array<i32>} : memref<4096xf32, #tpu.memory_space<vmem>>, vector<16xf32>,
      %mul3A_250 = arith.constant 8 : i32
      %mul3A_251 = arith.muli %scan3A_168, %mul3A_250 : i32
      %add3A_252 = arith.constant 6 : i32
      %add3A_253 = arith.addi %mul3A_251, %add3A_252 : i32
      %mul3A_254 = arith.constant 16 : i32
      %mul3A_255 = arith.muli %add3A_253, %mul3A_254 : i32
      %get3A_256 = arith.index_cast %mul3A_255 : i32 to index
      %get3A_257 = tpu.vector_load %arg12[%get3A_256] {strides = array<i32>} : memref<4096xf32, #tpu.memory_space<vmem>>, vector<16xf32>,
      %get3A_258 = arith.index_cast %mul3A_255 : i32 to index
      %get3A_259 = tpu.vector_load %arg13[%get3A_258] {strides = array<i32>} : memref<4096xi32, #tpu.memory_space<vmem>>, vector<16xi32>,
      %gather3A_260 = tpu.vector_load_idx %arg11[%get3A_259] : memref<100000xf32, #tpu.memory_space<vmem>>[vector<16xi32>], vector<16xf32>,
      %mul3A_261 = arith.mulf %get3A_257, %gather3A_260 : vector<16xf32>
      %swap3A_262 = arith.index_cast %mul3A_255 : i32 to index
      %swap3A_263 = tpu.vector_load %arg12[%swap3A_262] {strides = array<i32>} : memref<4096xf32, #tpu.memory_space<vmem>>, vector<16xf32>,
      tpu.vector_store %arg12[%swap3A_262], %mul3A_261 {strides = array<i32>} : memref<4096xf32, #tpu.memory_space<vmem>>, vector<16xf32>,
      %mul3A_264 = arith.constant 8 : i32
      %mul3A_265 = arith.muli %scan3A_168, %mul3A_264 : i32
      %add3A_266 = arith.constant 7 : i32
      %add3A_267 = arith.addi %mul3A_265, %add3A_266 : i32
      %mul3A_268 = arith.constant 16 : i32
      %mul3A_269 = arith.muli %add3A_267, %mul3A_268 : i32
      %get3A_270 = arith.index_cast %mul3A_269 : i32 to index
      %get3A_271 = tpu.vector_load %arg12[%get3A_270] {strides = array<i32>} : memref<4096xf32, #tpu.memory_space<vmem>>, vector<16xf32>,
      %get3A_272 = arith.index_cast %mul3A_269 : i32 to index
      %get3A_273 = tpu.vector_load %arg13[%get3A_272] {strides = array<i32>} : memref<4096xi32, #tpu.memory_space<vmem>>, vector<16xi32>,
      %gather3A_274 = tpu.vector_load_idx %arg11[%get3A_273] : memref<100000xf32, #tpu.memory_space<vmem>>[vector<16xi32>], vector<16xf32>,
      %mul3A_275 = arith.mulf %get3A_271, %gather3A_274 : vector<16xf32>
      %swap3A_276 = arith.index_cast %mul3A_269 : i32 to index
      %swap3A_277 = tpu.vector_load %arg12[%swap3A_276] {strides = array<i32>} : memref<4096xf32, #tpu.memory_space<vmem>>, vector<16xf32>,
      tpu.vector_store %arg12[%swap3A_276], %mul3A_275 {strides = array<i32>} : memref<4096xf32, #tpu.memory_space<vmem>>, vector<16xf32>,
    }
    %scan3A_160 = arith.constant 32 : i32
    "tpu.region"() ({
      %run_scoped3A = tpu.sem_alloc : memref<!tpu.dma_semaphore, #tpu.memory_space<semaphore_mem>>
      %dma_start3A_168 = arith.constant 12288 : i32
      %dma_start3A_169 = tpu.memref_slice %arg8[%add3A, %dma_start3A_168] : memref<32x16384xf32, #tpu.memory_space<hbm>> -> memref<1x4096xf32, #tpu.memory_space<hbm>>
      %dma_start3A_170 = tpu.memref_squeeze %dma_start3A_169 : memref<1x4096xf32, #tpu.memory_space<hbm>> -> memref<4096xf32, #tpu.memory_space<hbm>>
      %dma_start3A_171 = arith.constant 12288 : i32
      %dma_start3A_172 = tpu.memref_slice %arg8[%add3A, %dma_start3A_171] : memref<32x16384xf32, #tpu.memory_space<hbm>> -> memref<1x4096xf32, #tpu.memory_space<hbm>>
      %dma_start3A_173 = tpu.memref_squeeze %dma_start3A_172 : memref<1x4096xf32, #tpu.memory_space<hbm>> -> memref<4096xf32, #tpu.memory_space<hbm>>
      tpu.enqueue_dma source(%arg12 : memref<4096xf32, #tpu.memory_space<vmem>>) target(%dma_start3A_173 : memref<4096xf32, #tpu.memory_space<hbm>>) target_semaphore(%run_scoped3A : memref<!tpu.dma_semaphore, #tpu.memory_space<semaphore_mem>>)
      %dma_wait3A_174 = arith.constant 12288 : i32
      %dma_wait3A_175 = tpu.memref_slice %arg8[%add3A, %dma_wait3A_174] : memref<32x16384xf32, #tpu.memory_space<hbm>> -> memref<1x4096xf32, #tpu.memory_space<hbm>>
      %dma_wait3A_176 = tpu.memref_squeeze %dma_wait3A_175 : memref<1x4096xf32, #tpu.memory_space<hbm>> -> memref<4096xf32, #tpu.memory_space<hbm>>
      %dma_wait3A_177 = arith.constant 12288 : i32
      %dma_wait3A_178 = tpu.memref_slice %arg8[%add3A, %dma_wait3A_177] : memref<32x16384xf32, #tpu.memory_space<hbm>> -> memref<1x4096xf32, #tpu.memory_space<hbm>>
      %dma_wait3A_179 = tpu.memref_squeeze %dma_wait3A_178 : memref<1x4096xf32, #tpu.memory_space<hbm>> -> memref<4096xf32, #tpu.memory_space<hbm>>
      tpu.wait_dma2 semaphore(%run_scoped3A : memref<!tpu.dma_semaphore, #tpu.memory_space<semaphore_mem>>) src(%arg12 : memref<4096xf32, #tpu.memory_space<vmem>>) dst(%dma_wait3A_179 : memref<4096xf32, #tpu.memory_space<hbm>>)
      tpu.yield
    }) : () -> ()
    %dma_wait3A_161 = arith.constant 384 : i32
    %dma_wait3A_162 = tpu.memref_slice %arg16[%dma_wait3A_161] : memref<512xi32, #tpu.memory_space<vmem>> -> memref<128xi32, #tpu.memory_space<vmem>>
    %dma_wait3A_163 = arith.constant 0 : i32
    %dma_wait3A_164 = arith.constant 0 : i32
    %dma_wait3A_165 = tpu.memref_slice %arg7[%dma_wait3A_163, %dma_wait3A_164] : memref<100000x128xf32, #tpu.memory_space<hbm>> -> memref<100000x128xf32, #tpu.memory_space<hbm>>
    tpu.wait_indirect_dma semaphore(%arg17 : memref<!tpu.dma_semaphore, #tpu.memory_space<semaphore_mem>>) src(%dma_wait3A_165 : memref<100000x128xf32, #tpu.memory_space<hbm>>) dst(%arg14 : memref<128x128xf32, #tpu.memory_space<vmem>>)
    %add3A_166 = arith.constant 384 : i32
    %add3A_167 = arith.addi %mul3A_2, %add3A_166 : i32
    "tpu.region"() ({
      %run_scoped3A = tpu.sem_alloc : memref<!tpu.dma_semaphore, #tpu.memory_space<semaphore_mem>>
      %dma_start3A_168 = arith.constant 0 : i32
      %dma_start3A_169 = tpu.memref_slice %arg10[%add3A_167, %dma_start3A_168] : memref<16384x128xf32, #tpu.memory_space<hbm>> -> memref<128x128xf32, #tpu.memory_space<hbm>>
      %dma_start3A_170 = arith.constant 0 : i32
      %dma_start3A_171 = tpu.memref_slice %arg10[%add3A_167, %dma_start3A_170] : memref<16384x128xf32, #tpu.memory_space<hbm>> -> memref<128x128xf32, #tpu.memory_space<hbm>>
      tpu.enqueue_dma source(%arg14 : memref<128x128xf32, #tpu.memory_space<vmem>>) target(%dma_start3A_171 : memref<128x128xf32, #tpu.memory_space<hbm>>) target_semaphore(%run_scoped3A : memref<!tpu.dma_semaphore, #tpu.memory_space<semaphore_mem>>)
      %dma_wait3A_172 = arith.constant 0 : i32
      %dma_wait3A_173 = tpu.memref_slice %arg10[%add3A_167, %dma_wait3A_172] : memref<16384x128xf32, #tpu.memory_space<hbm>> -> memref<128x128xf32, #tpu.memory_space<hbm>>
      %dma_wait3A_174 = arith.constant 0 : i32
      %dma_wait3A_175 = tpu.memref_slice %arg10[%add3A_167, %dma_wait3A_174] : memref<16384x128xf32, #tpu.memory_space<hbm>> -> memref<128x128xf32, #tpu.memory_space<hbm>>
      tpu.wait_dma2 semaphore(%run_scoped3A : memref<!tpu.dma_semaphore, #tpu.memory_space<semaphore_mem>>) src(%arg14 : memref<128x128xf32, #tpu.memory_space<vmem>>) dst(%dma_wait3A_175 : memref<128x128xf32, #tpu.memory_space<hbm>>)
      tpu.yield
    }) : () -> ()
    return
  }
}

module attributes {stable_mosaic.version = 14 : i64} {
  func.func @body(%arg0: i32, %arg1: memref<32x4096xf32, #tpu.memory_space<vmem>>, %arg2: memref<4096x128xf32, #tpu.memory_space<vmem>>, %arg3: memref<4096x128xf32, #tpu.memory_space<vmem>>, %arg4: memref<128x128xf32, #tpu.memory_space<vmem>>, %arg5: memref<128x128xf32, #tpu.memory_space<vmem>>, %arg6: memref<1x128xf32, #tpu.memory_space<vmem>>, %arg7: memref<128x64xf32, #tpu.memory_space<vmem>>, %arg8: memref<1x64xf32, #tpu.memory_space<vmem>>, %arg9: memref<64x32xf32, #tpu.memory_space<vmem>>, %arg10: memref<1x32xf32, #tpu.memory_space<vmem>>, %arg11: memref<32x1xf32, #tpu.memory_space<vmem>>, %arg12: memref<1x32xf32, #tpu.memory_space<vmem>>, %arg13: memref<1xf32, #tpu.memory_space<smem>>, %arg14: memref<4096xf32, #tpu.memory_space<vmem>>) attributes {dimension_semantics = [#tpu.dimension_semantics<arbitrary>], iteration_bounds = array<i64: 4>, scalar_prefetch = 0 : i64, scratch_operands = 0 : i64, tpu.core_type = #tpu.core_type<tc>, window_params = [{transform_indices = @transform_0, window_bounds = array<i64: 32, 4096>}, {transform_indices = @transform_1, window_bounds = array<i64: 4096, 128>}, {transform_indices = @transform_2, window_bounds = array<i64: 4096, 128>}, {pipeline_mode = #tpu.pipeline_mode<synchronous>, transform_indices = @transform_3, window_bounds = array<i64: 128, 128>}, {pipeline_mode = #tpu.pipeline_mode<synchronous>, transform_indices = @transform_4, window_bounds = array<i64: 128, 128>}, {pipeline_mode = #tpu.pipeline_mode<synchronous>, transform_indices = @transform_5, window_bounds = array<i64: 1, 128>}, {pipeline_mode = #tpu.pipeline_mode<synchronous>, transform_indices = @transform_6, window_bounds = array<i64: 128, 64>}, {pipeline_mode = #tpu.pipeline_mode<synchronous>, transform_indices = @transform_7, window_bounds = array<i64: 1, 64>}, {pipeline_mode = #tpu.pipeline_mode<synchronous>, transform_indices = @transform_8, window_bounds = array<i64: 64, 32>}, {pipeline_mode = #tpu.pipeline_mode<synchronous>, transform_indices = @transform_9, window_bounds = array<i64: 1, 32>}, {pipeline_mode = #tpu.pipeline_mode<synchronous>, transform_indices = @transform_10, window_bounds = array<i64: 32, 1>}, {pipeline_mode = #tpu.pipeline_mode<synchronous>, transform_indices = @transform_11, window_bounds = array<i64: 1, 32>}, {transform_indices = @transform_12, window_bounds = array<i64: 1>}, {transform_indices = @transform_13, window_bounds = array<i64: 4096>}]} {
    %get3A = arith.constant 0 : index
    %get3A_0 = arith.constant 0 : index
    %get3A_1 = vector.load %arg2[%get3A, %get3A_0] : memref<4096x128xf32, #tpu.memory_space<vmem>>, vector<4096x128xf32>
    %get3A_2 = arith.constant 0 : index
    %get3A_3 = arith.constant 0 : index
    %get3A_4 = vector.load %arg4[%get3A_2, %get3A_3] : memref<128x128xf32, #tpu.memory_space<vmem>>, vector<128x128xf32>
    %dot_general3A = arith.constant dense<0.000000e+00> : vector<4096x128xf32>
    %dot_general3A_5 = tpu.matmul %get3A_1, %get3A_4, %dot_general3A {dimension_numbers = #tpu.dot_dimension_numbers<[1], [0], [0], [1], [0, 0, 1, 1], [], []>, transpose_lhs_hint = false} : vector<4096x128xf32>, vector<128x128xf32>, vector<4096x128xf32> -> vector<4096x128xf32>
    %get3A_6 = arith.constant 0 : index
    %get3A_7 = arith.constant 0 : index
    %get3A_8 = vector.load %arg3[%get3A_6, %get3A_7] : memref<4096x128xf32, #tpu.memory_space<vmem>>, vector<4096x128xf32>
    %get3A_9 = arith.constant 0 : index
    %get3A_10 = arith.constant 0 : index
    %get3A_11 = vector.load %arg5[%get3A_9, %get3A_10] : memref<128x128xf32, #tpu.memory_space<vmem>>, vector<128x128xf32>
    %dot_general3A_12 = arith.constant dense<0.000000e+00> : vector<4096x128xf32>
    %dot_general3A_13 = tpu.matmul %get3A_8, %get3A_11, %dot_general3A_12 {dimension_numbers = #tpu.dot_dimension_numbers<[1], [0], [0], [1], [0, 0, 1, 1], [], []>, transpose_lhs_hint = false} : vector<4096x128xf32>, vector<128x128xf32>, vector<4096x128xf32> -> vector<4096x128xf32>
    %add3A = arith.addf %dot_general3A_5, %dot_general3A_13 : vector<4096x128xf32>
    %get3A_14 = arith.constant 0 : index
    %get3A_15 = arith.constant 0 : index
    %get3A_16 = vector.load %arg6[%get3A_14, %get3A_15] : memref<1x128xf32, #tpu.memory_space<vmem>>, vector<1x128xf32>
    %add3A_17 = vector.broadcast %get3A_16 : vector<1x128xf32> to vector<4096x128xf32>
    %add3A_18 = arith.addf %add3A, %add3A_17 : vector<4096x128xf32>
    %max3A = arith.constant 0.000000e+00 : f32
    %max3A_19 = vector.broadcast %max3A : f32 to vector<4096x128xf32>
    %max3A_20 = arith.maximumf %add3A_18, %max3A_19 : vector<4096x128xf32>
    %get3A_21 = arith.constant 0 : index
    %get3A_22 = arith.constant 0 : index
    %get3A_23 = vector.load %arg7[%get3A_21, %get3A_22] : memref<128x64xf32, #tpu.memory_space<vmem>>, vector<128x64xf32>
    %dot_general3A_24 = arith.constant dense<0.000000e+00> : vector<4096x64xf32>
    %dot_general3A_25 = tpu.matmul %max3A_20, %get3A_23, %dot_general3A_24 {dimension_numbers = #tpu.dot_dimension_numbers<[1], [0], [0], [1], [0, 0, 1, 1], [], []>, transpose_lhs_hint = false} : vector<4096x128xf32>, vector<128x64xf32>, vector<4096x64xf32> -> vector<4096x64xf32>
    %get3A_26 = arith.constant 0 : index
    %get3A_27 = arith.constant 0 : index
    %get3A_28 = vector.load %arg8[%get3A_26, %get3A_27] : memref<1x64xf32, #tpu.memory_space<vmem>>, vector<1x64xf32>
    %add3A_29 = vector.broadcast %get3A_28 : vector<1x64xf32> to vector<4096x64xf32>
    %add3A_30 = arith.addf %dot_general3A_25, %add3A_29 : vector<4096x64xf32>
    %max3A_31 = arith.constant 0.000000e+00 : f32
    %max3A_32 = vector.broadcast %max3A_31 : f32 to vector<4096x64xf32>
    %max3A_33 = arith.maximumf %add3A_30, %max3A_32 : vector<4096x64xf32>
    %get3A_34 = arith.constant 0 : index
    %get3A_35 = arith.constant 0 : index
    %get3A_36 = vector.load %arg9[%get3A_34, %get3A_35] : memref<64x32xf32, #tpu.memory_space<vmem>>, vector<64x32xf32>
    %dot_general3A_37 = arith.constant dense<0.000000e+00> : vector<4096x32xf32>
    %dot_general3A_38 = tpu.matmul %max3A_33, %get3A_36, %dot_general3A_37 {dimension_numbers = #tpu.dot_dimension_numbers<[1], [0], [0], [1], [0, 0, 1, 1], [], []>, transpose_lhs_hint = false} : vector<4096x64xf32>, vector<64x32xf32>, vector<4096x32xf32> -> vector<4096x32xf32>
    %get3A_39 = arith.constant 0 : index
    %get3A_40 = arith.constant 0 : index
    %get3A_41 = vector.load %arg10[%get3A_39, %get3A_40] : memref<1x32xf32, #tpu.memory_space<vmem>>, vector<1x32xf32>
    %add3A_42 = vector.broadcast %get3A_41 : vector<1x32xf32> to vector<4096x32xf32>
    %add3A_43 = arith.addf %dot_general3A_38, %add3A_42 : vector<4096x32xf32>
    %max3A_44 = arith.constant 0.000000e+00 : f32
    %max3A_45 = vector.broadcast %max3A_44 : f32 to vector<4096x32xf32>
    %max3A_46 = arith.maximumf %add3A_43, %max3A_45 : vector<4096x32xf32>
    %get3A_47 = arith.constant 0 : index
    %get3A_48 = arith.constant 0 : index
    %get3A_49 = vector.load %arg1[%get3A_47, %get3A_48] : memref<32x4096xf32, #tpu.memory_space<vmem>>, vector<32x4096xf32>
    %get3A_50 = arith.constant 0 : index
    %get3A_51 = arith.constant 0 : index
    %get3A_52 = vector.load %arg11[%get3A_50, %get3A_51] : memref<32x1xf32, #tpu.memory_space<vmem>>, vector<32x1xf32>
    %mul3A = vector.broadcast %get3A_52 : vector<32x1xf32> to vector<32x4096xf32>
    %mul3A_53 = arith.mulf %get3A_49, %mul3A : vector<32x4096xf32>
    %reduce_sum3A = arith.constant dense<0.000000e+00> : vector<4096xf32>
    %reduce_sum3A_54 = vector.multi_reduction <add>, %mul3A_53, %reduce_sum3A [0] : vector<32x4096xf32> to vector<4096xf32>
    %get3A_55 = arith.constant 0 : index
    %get3A_56 = arith.constant 0 : index
    %get3A_57 = vector.load %arg12[%get3A_55, %get3A_56] : memref<1x32xf32, #tpu.memory_space<vmem>>, vector<1x32xf32>
    %mul3A_58 = vector.broadcast %get3A_57 : vector<1x32xf32> to vector<4096x32xf32>
    %mul3A_59 = arith.mulf %max3A_46, %mul3A_58 : vector<4096x32xf32>
    %reduce_sum3A_60 = arith.constant dense<0.000000e+00> : vector<4096xf32>
    %reduce_sum3A_61 = vector.multi_reduction <add>, %mul3A_59, %reduce_sum3A_60 [1] : vector<4096x32xf32> to vector<4096xf32>
    %add3A_62 = arith.addf %reduce_sum3A_54, %reduce_sum3A_61 : vector<4096xf32>
    %get3A_63 = arith.constant 0 : index
    %get3A_64 = memref.load %arg13[%get3A_63] : memref<1xf32, #tpu.memory_space<smem>>
    %add3A_65 = vector.broadcast %get3A_64 : f32 to vector<4096xf32>
    %add3A_66 = arith.addf %add3A_62, %add3A_65 : vector<4096xf32>
    %swap3A = arith.constant 0 : index
    %swap3A_67 = vector.load %arg14[%swap3A] : memref<4096xf32, #tpu.memory_space<vmem>>, vector<4096xf32>
    tpu.vector_store %arg14[%swap3A], %add3A_66 {strides = array<i32>} : memref<4096xf32, #tpu.memory_space<vmem>>, vector<4096xf32>,
    return
  }
  func.func @transform_0(%arg0: i32) -> (i32, i32) {
    %c0_i32 = arith.constant 0 : i32
    %c0_i32_0 = arith.constant 0 : i32
    return %c0_i32, %arg0 : i32, i32
  }
  func.func @transform_1(%arg0: i32) -> (i32, i32) {
    %c0_i32 = arith.constant 0 : i32
    %c0_i32_0 = arith.constant 0 : i32
    return %arg0, %c0_i32 : i32, i32
  }
  func.func @transform_2(%arg0: i32) -> (i32, i32) {
    %c0_i32 = arith.constant 0 : i32
    %c0_i32_0 = arith.constant 0 : i32
    return %arg0, %c0_i32 : i32, i32
  }
  func.func @transform_3(%arg0: i32) -> (i32, i32) {
    %c0_i32 = arith.constant 0 : i32
    %c0_i32_0 = arith.constant 0 : i32
    %c0_i32_1 = arith.constant 0 : i32
    return %c0_i32, %c0_i32_0 : i32, i32
  }
  func.func @transform_4(%arg0: i32) -> (i32, i32) {
    %c0_i32 = arith.constant 0 : i32
    %c0_i32_0 = arith.constant 0 : i32
    %c0_i32_1 = arith.constant 0 : i32
    return %c0_i32, %c0_i32_0 : i32, i32
  }
  func.func @transform_5(%arg0: i32) -> (i32, i32) {
    %c0_i32 = arith.constant 0 : i32
    %c0_i32_0 = arith.constant 0 : i32
    %c0_i32_1 = arith.constant 0 : i32
    return %c0_i32, %c0_i32_0 : i32, i32
  }
  func.func @transform_6(%arg0: i32) -> (i32, i32) {
    %c0_i32 = arith.constant 0 : i32
    %c0_i32_0 = arith.constant 0 : i32
    %c0_i32_1 = arith.constant 0 : i32
    return %c0_i32, %c0_i32_0 : i32, i32
  }
  func.func @transform_7(%arg0: i32) -> (i32, i32) {
    %c0_i32 = arith.constant 0 : i32
    %c0_i32_0 = arith.constant 0 : i32
    %c0_i32_1 = arith.constant 0 : i32
    return %c0_i32, %c0_i32_0 : i32, i32
  }
  func.func @transform_8(%arg0: i32) -> (i32, i32) {
    %c0_i32 = arith.constant 0 : i32
    %c0_i32_0 = arith.constant 0 : i32
    %c0_i32_1 = arith.constant 0 : i32
    return %c0_i32, %c0_i32_0 : i32, i32
  }
  func.func @transform_9(%arg0: i32) -> (i32, i32) {
    %c0_i32 = arith.constant 0 : i32
    %c0_i32_0 = arith.constant 0 : i32
    %c0_i32_1 = arith.constant 0 : i32
    return %c0_i32, %c0_i32_0 : i32, i32
  }
  func.func @transform_10(%arg0: i32) -> (i32, i32) {
    %c0_i32 = arith.constant 0 : i32
    %c0_i32_0 = arith.constant 0 : i32
    %c0_i32_1 = arith.constant 0 : i32
    return %c0_i32, %c0_i32_0 : i32, i32
  }
  func.func @transform_11(%arg0: i32) -> (i32, i32) {
    %c0_i32 = arith.constant 0 : i32
    %c0_i32_0 = arith.constant 0 : i32
    %c0_i32_1 = arith.constant 0 : i32
    return %c0_i32, %c0_i32_0 : i32, i32
  }
  func.func @transform_12(%arg0: i32) -> i32 {
    %c0_i32 = arith.constant 0 : i32
    %c0_i32_0 = arith.constant 0 : i32
    return %c0_i32 : i32
  }
  func.func @transform_13(%arg0: i32) -> i32 {
    %c0_i32 = arith.constant 0 : i32
    return %arg0 : i32
  }
}

</mosaic_0001>

<sc_bundles>
// kernel: kernel.4.cloned.1.call-start
scs
__scs_entry_jumppad:
0x0: {  	(pc) =	sbr.rel $0x88, $3  }
0x1: {  	(tag) =	ssettag $0x0;
	lr =	simm.s32 $0x1  }
0x2: {  	[smem:$0x3F93] =	sst lr;
	_ =	strace $0xD0000000  }
0x3: {  	_ = 	snop  }
0x4: {  	_ = 	snop  }
0x5: {  	_ = 	snop  }
0x6: {  	_ = 	snop  }
0x7: {  	_ = 	snop  }
__scs_overlays_trampoline_lowered:
0x8: {  	[smem:$0x3FA2] =	sst s0  }
0x9: {  	[smem:$0x3FA3] =	sst s1  }
0xa: {  	[smem:$0x3FA4] =	sst s2  }
0xb: {  	[smem:$0x3FA5] =	sst s3  }
0xc: {  	[smem:$0x3FA6] =	sst s4  }
0xd: {  	[smem:$0x3FA7] =	sst s5  }
0xe: {  	[smem:$0x3FA8] =	sst s6  }
0xf: {  	[smem:$0x3FA9] =	sst s7  }
0x10: {  	[smem:$0x3FAA] =	sst s8  }
0x11: {  	[smem:$0x3FAB] =	sst s9;
	s0 =	simm.s32 @!p0 $0x0  }
0x12: {  	s1 =	sld [smem:$0x3F91];
	s0 =	simm.s32 @p0 $0x1  }
0x13: {  	[smem:$0x3FAC] =	sst s0;
	s0 =	simm.s32 @!p1 $0x0  }
0x14: {  	s2 =	sld [smem:$0x3F90];
	s0 =	simm.s32 @p1 $0x1  }
0x15: {  	[smem:$0x3FAD] =	sst s0;
	s0 =	simm.s32 @!p2 $0x0  }
0x16: {  	s3 =	sld [smem:$0x3FDB];
	s0 =	simm.s32 @p2 $0x1  }
0x17: {  	s4 =	simm.s32 $0x1BF5;
	[smem:$0x3FAF] =	sst s0  }
0x18: {  	s0 =	sld [smem:$0x3F92];
	_ =	swait.ge [sflag:s4], $0x0  }
0x19: {  	s7 =	sld [smem:$0x3F93]  }
0x1a: {  	s8 =	sadd.s32 $0xFFFFE003, lr  }
0x1b: {  	s9 =	sadd.s32 $0xFFFFFEF7, lr;
	s5 =	simm.s32 $0xFFFFFFFF;
	p2 =	slt.u32 s8, $0xFFFFF086  }
0x1c: {  	p1 =	slt.u32 s9, $0xF7A;
	s5 =	simm.s32 @!p2 $0x0  }
0x1d: {  	s5 =	simm.s32 @p1 $0x1;
	p0 =	seq.s32 s7, s2  }
0x1e: {  	s7 =	smul.u32 @!p0 $0xF7A, s2;
	p2 =	seq.s32 @!p0 s5, $0x0  }
0x1f: {  	s9 =	smul.u32 $0xF7A, s1;
	s8 =	simm.s32 @!p0 $0x1BF5;
	p2 =	por !p2, p0  }
0x20: {  	[sflag:s8] =	ssyncset.s32 @!p0 $0xFFFFF086;
	s6 =	sadd.s32 @!p0 s3, s7;
	s7 =	simm.s32 @!p0 $0x108  }
0x21: {  	s3 =	sadd.s32 s3, s9;
	s6 =	sadd.s32 @!p0 $0x88, s6;
	s7 =	simm.s32 @p2 $0x1082  }
0x22: {  	[simem:s7], [sflag:s8] =	dma.local @!p0 [hbm:s6], $0xF7A  }
0x23: {  	s9 =	sor.u32 $0xD0000000, s2;
	s6 =	simm.s32 $0x108;
	_ =	swait.ge @!p0 [sflag:s8], $0x0  }
0x24: {  	s3 =	sadd.s32 $0x88, s3;
	s6 =	simm.s32 @!p1 $0x1082;
	[sflag:s4] =	ssyncset.s32 $0xFFFFF086  }
0x25: {  	[simem:s6], [sflag:s4] =	dma.local [hbm:s3], $0xF7A  }
0x26: {  	[smem:$0x3F93] =	sst s1;
	(tag) =	ssettag s2;
	_ =	strace s9  }
0x27: {  	s1 =	sld [smem:$0x3FA3]  }
0x28: {  	s2 =	sld [smem:$0x3FA4]  }
0x29: {  	s4 =	sld [smem:$0x3FA6]  }
0x2a: {  	p0 =	seq.s32 s5, $0x0;
	s5 =	sld [smem:$0x3FA7]  }
0x2b: {  	s6 =	sld [smem:$0x3FA8]  }
0x2c: {  	s7 =	sld [smem:$0x3FA9]  }
0x2d: {  	s3 =	simm.s32 $0x108;
	s8 =	sld [smem:$0x3FAA]  }
0x2e: {  	s3 =	simm.s32 @!p0 $0x1082;
	s9 =	sld [smem:$0x3FAB]  }
0x2f: {  	lr =	sadd.s32 s0, s3;
	s0 =	sld [smem:$0x3FA2]  }
0x30: {  	s3 =	sld [smem:$0x3FA5]  }
0x31: {  	[smem:$0x3FAE] =	sst s10  }
0x32: {  	s10 =	sld [smem:$0x3FAC];
	_ =	sdelay $0x3  }
0x33: {  	p0 =	seq.s32 s10, $0x1;
	s10 =	sld [smem:$0x3FAE];
	_ =	sdelay $0x3  }
0x34: {  	[smem:$0x3FAE] =	sst s10  }
0x35: {  	s10 =	sld [smem:$0x3FAD];
	_ =	sdelay $0x3  }
0x36: {  	p1 =	seq.s32 s10, $0x1;
	s10 =	sld [smem:$0x3FAE];
	_ =	sdelay $0x3  }
0x37: {  	[smem:$0x3FAE] =	sst s10  }
0x38: {  	s10 =	sld [smem:$0x3FAF]  }
0x39: {  	_ = 	snop;
	(pc) =	sbr.ind lr, $3  }
0x3a: {  	_ = 	snop  }
0x3b: {  	_ = 	snop  }
0x3c: {  	p2 =	seq.s32 s10, $0x1;
	s10 =	sld [smem:$0x3FAE]  }
0x3d: {  	_ =	shalt  }
0x3e: {  	_ =	shalt  }
0x3f: {  	_ =	shalt  }
0x40: {  	_ =	shalt  }
0x41: {  	_ =	shalt  }
0x42: {  	_ =	shalt  }
0x43: {  	_ =	shalt  }
0x44: {  	_ =	shalt  }
0x45: {  	_ =	shalt  }
0x46: {  	_ =	shalt  }
0x47: {  	_ =	shalt  }
0x48: {  	_ =	shalt  }
0x49: {  	_ =	shalt  }
0x4a: {  	_ =	shalt  }
0x4b: {  	_ =	shalt  }
0x4c: {  	_ =	shalt  }
0x4d: {  	_ =	shalt  }
0x4e: {  	_ =	shalt  }
0x4f: {  	_ =	shalt  }
0x50: {  	_ =	shalt  }
0x51: {  	_ =	shalt  }
0x52: {  	_ =	shalt  }
0x53: {  	_ =	shalt  }
0x54: {  	_ =	shalt  }
0x55: {  	_ =	shalt  }
0x56: {  	_ =	shalt  }
0x57: {  	_ =	shalt  }
0x58: {  	_ =	shalt  }
0x59: {  	_ =	shalt  }
0x5a: {  	_ =	shalt  }
0x5b: {  	_ =	shalt  }
0x5c: {  	_ =	shalt  }
0x5d: {  	_ =	shalt  }
0x5e: {  	_ =	shalt  }
0x5f: {  	_ =	shalt  }
0x60: {  	_ =	shalt  }
0x61: {  	_ =	shalt  }
0x62: {  	_ =	shalt  }
0x63: {  	_ =	shalt  }
0x64: {  	_ =	shalt  }
0x65: {  	_ =	shalt  }
0x66: {  	_ =	shalt  }
0x67: {  	_ =	shalt  }
0x68: {  	_ =	shalt  }
0x69: {  	_ =	shalt  }
0x6a: {  	_ =	shalt  }
0x6b: {  	_ =	shalt  }
0x6c: {  	_ =	shalt  }
0x6d: {  	_ =	shalt  }
0x6e: {  	_ =	shalt  }
0x6f: {  	_ =	shalt  }
0x70: {  	_ =	shalt  }
0x71: {  	_ =	shalt  }
0x72: {  	_ =	shalt  }
0x73: {  	_ =	shalt  }
0x74: {  	_ =	shalt  }
0x75: {  	_ =	shalt  }
0x76: {  	_ =	shalt  }
0x77: {  	_ =	shalt  }
0x78: {  	_ =	shalt  }
0x79: {  	_ =	shalt  }
0x7a: {  	_ =	shalt  }
0x7b: {  	_ =	shalt  }
0x7c: {  	_ =	shalt  }
0x7d: {  	_ =	shalt  }
0x7e: {  	_ =	shalt  }
0x7f: {  	_ =	shalt  }
0x80: {  	_ =	shalt  }
0x81: {  	_ =	shalt  }
0x82: {  	_ =	shalt  }
0x83: {  	_ =	shalt  }
0x84: {  	_ =	shalt  }
0x85: {  	_ =	shalt  }
0x86: {  	_ =	shalt  }
0x87: {  	_ =	shalt  }
.Lfunc_end0:
.L_simem_size_0:
called_computation_lowered:
.L_overlay_start_0:
0x88: {  	s2 =	sld [smem:$0x3FD9]  }
0x89: {  	s3 =	sld [smem:$0x3FFE];
	_ =	sdelay $0x1  }
0x8a: {  	s1 =	srdreg.scid  }
0x8b: {  	s0 =	sand.u32 $0x1, s1  }
0x8c: {  	s17 =	sshll.u32 s0, $0xA;
	s2 =	sadd.s32 s3, s2  }
0x8d: {  	s2 =	sadd.s32 s2, s17  }
0x8e: {  	[smem:$0x3FBA] =	sst s2  }
0x8f: {  	_ = 	snop  }
0x90: {  	s2 =	sld [smem:$0x3FC9]  }
0x91: {  	s18 =	sld [smem:$0x3FC8]  }
0x92: {  	s4 =	sld [smem:$0x3FC7]  }
0x93: {  	s5 =	sld [smem:$0x3FC6]  }
0x94: {  	s6 =	sld [smem:$0x3FC5]  }
0x95: {  	s7 =	sld [smem:$0x3FC4];
	(tm) =	ssettm $0x1  }
0x96: {  	s8 =	sld [smem:$0x3FFB];
	_ =	sdelay $0x3  }
0x97: {  	_ =	strace s8  }
0x98: {  	s8 =	sld [smem:$0x3FFC];
	_ =	sdelay $0x3  }
0x99: {  	_ =	strace s8  }
0x9a: {  	s8 =	sld [smem:$0x3FFD];
	_ =	sdelay $0x3  }
0x9b: {  	_ =	strace s8  }
0x9c: {  	_ =	strace $0x8FFFFFFF  }
0x9d: {  	s19 =	sld [smem:$0x3FDB];
	_ =	sdelay $0x1  }
0x9e: {  	s9 =	simm.s32 $_scs_section_size  }
0x9f: {  	s10 =	simm.s32 $_size__tile_overlayer_lowered;
	s11 =	simm.s32 $_tile_overlayer_lowered  }
0xa0: {  	s22 =	simm.s32 $0x1BFF;
	s21 =	sshll.u32 s11, $0x1;
	s8 =	sadd.s32 s9, s19  }
0xa1: {  	s12 =	simm.s32 $0x0;
	s20 =	sshll.u32 s10, $0x1;
	s10 =	sadd.s32 s21, s8  }
0xa2: {  	[timem:s12], [sflag:s22] =	dma.local [hbm:s10], s20  }
0xa3: {  	_ =	swait.ge [sflag:s22], s20  }
0xa4: {  	s9 =	ssub.s32 $0x0, s20;
	[sflag:s22] =	ssyncset.done $0x0  }
0xa5: {  	[sflag:s22] =	ssyncadd.s32 s9;
	_ =	sdelay $0x1  }
0xa6: {  	s23 =	simm.s32 $0x1B8B  }
0xa7: {  	_ =	swait.ge [sflag:s23], $0x1  }
0xa8: {  	[sflag:s23] =	ssyncset.done $0x0  }
0xa9: {  	s25 =	simm.s32 $0x1B8E;
	s24 =	sld [smem:$0x3FFE];
	[sflag:s23] =	ssyncadd.s32 $0xFFFFFFFF  }
0xaa: {  	s26 =	simm.s32 $execute0_lowered;
	[smem:$0x3FD2] =	sst s25  }
0xab: {  	s10 =	sshll.u32 s26, $0x1;
	_ =	strace $0x80000046;
	[dreg:$0x1] =	wrdreg $0xFFFFFFFF  }
0xac: {  	s28 =	simm.s32 $_size_execute0_lowered;
	s8 =	sadd.s32 s8, s10;
	[dreg:$0x0] =	wrdreg $0x0  }
0xad: {  	s10 =	sshll.u32 s28, $0x1;
	[dreg:$0x2] =	wrdreg s8  }
0xae: {  	[dreg:$0x3] =	wrdreg s10  }
0xaf: {  	[dreg:$0x4] =	wrdreg $0xC0  }
0xb0: {  	_ =	task [dreg:s12], $0x5FFFF  }
0xb1: {  	[dreg:$0x1] =	wrdreg $0xFFFFFFFF  }
0xb2: {  	[dreg:$0x0] =	wrdreg $0x60  }
0xb3: {  	[dreg:$0x2] =	wrdreg s2  }
0xb4: {  	[dreg:$0x3] =	wrdreg s18  }
0xb5: {  	[dreg:$0x4] =	wrdreg s4  }
0xb6: {  	[dreg:$0x5] =	wrdreg s5  }
0xb7: {  	[dreg:$0x6] =	wrdreg s6  }
0xb8: {  	[dreg:$0x7] =	wrdreg s7  }
0xb9: {  	[dreg:$0x8] =	wrdreg s24  }
0xba: {  	[dreg:$0x9] =	wrdreg $0x9  }
0xbb: {  	_ =	task.clear_ibuf [dreg:s12], $0xAFFFF;
	_ =	strace $0x90000046  }
0xbc: {  	s29 =	simm.s32 $0x9;
	_ =	strace $0x80000048  }
0xbd: {  	_ =	swait.ge [sflag:s29], $0x1  }
0xbe: {  	[sflag:s29] =	ssyncadd.s32 $0xFFFFFFFF  }
0xbf: {  	_ =	strace $0x90000048  }
0xc0: {  	_ =	sfence  }
0xc1: {  	s30 =	sld [smem:$0x0];
	_ =	sdelay $0x2  }
0xc2: {  	s31 =	sshll.u32 s1, $0xD;
	s1 =	sshrl.u32 s1, $0x2  }
0xc3: {  	s3 =	sand.u32 $0x4000, s31;
	s1 =	sadd.s32 s1, s30  }
0xc4: {  	s0 =	sor.u32 s3, s0;
	s1 =	sshll.u32 s1, $0x11  }
0xc5: {  	s0 =	sor.u32 s1, s0  }
0xc6: {  	s0 =	sadd.s32 $0x8F2B, s0  }
0xc7: {  	[sflag:s0] =	ssyncadd.remote.s32 $0x1  }
0xc8: {  	_ =	sfence.sel $0xFFFF  }
0xc9: {  	[dreg:$0x0] =	wrdreg $0xFFFFFFFF;
	(pc) =	sbr.abs _section_cstart, $3  }
0xca: {  	[dreg:$0x1] =	wrdreg $0xFFFFFFFF  }
0xcb: {  	_ =	task.clear_ibuf [dreg:s12], $0x2FFFF;
	_ =	strace $0x9FFFFFFF  }
0xcc: {  	(tm) =	ssettm $0x7FFFFFFF  }
0xcd: {  	_ =	shalt  }
tec
execute0_lowered:
.L_overlay_start_1:
0x0: {  	(tag) =	ssettag $0x1  }
0x1: {  	s14 =	rddreg [dreg:$0x0]  }
0x2: {  	s15 =	rddreg [dreg:$0x1]  }
0x3: {  	s0 =	rddreg [dreg:$0x2]  }
0x4: {  	s2 =	rddreg [dreg:$0x3]  }
0x5: {  	s1 =	srdreg.scid;
	s3 =	rddreg [dreg:$0x4]  }
0x6: {  	s6 =	stileid.u32;
	s5 =	rddreg [dreg:$0x5]  }
0x7: {  	s8 =	rddreg [dreg:$0x6];
	s31 =	simm.s32 $0x80;
	s1 =	sand.u32 $0x1, s1  }
0x8: {  	s4 =	sshll.u32 s6, $0x1;
	s7 =	sshrl.u32 s6, $0x2;
	s6 =	simm.s32 $0x0  }
0x9: {  	s12 =	sadd.s32 $0x2000, s8;
	s21 =	sadd.s32 $0x200, s14;
	s24 =	sadd.s32 $0x400, s14  }
0xa: {  	s28 =	sadd.s32 $0x200, s15;
	s29 =	sadd.s32 $0x400, s15;
	s30 =	sadd.s32 $0x600, s15  }
0xb: {  	s4 =	sor.u32 s1, s4;
	s10 =	sshll.u32 s7, $0x11;
	[smem:$0x7FF] =	sst s6  }
0xc: {  	s7 =	smul.u32 $0xC3800, s7;
	s1 =	ssub.s32 $0x2, s1;
	s13 =	sshll.u32 s4, $0x7  }
0xd: {  	_ =	strace $0x80000047;
	s16 =	sshrl.u32 s1, $0x1;
	[dreg:$0xc] =	wrdreg s21  }
0xe: {  	s17 =	sshll.u32 s4, $0x6;
	s20 =	sshll.u32 s4, $0xD;
	[dreg:$0xe] =	wrdreg s24  }
0xf: {  	s9 =	sand.u32 $0x380, s13;
	s1 =	ssub.s32 s1, s16;
	s18 =	sadd.s32 s14, s17  }
0x10: {  	s19 =	sadd.s32 s15, s17;
	s4 =	sadd.s32 s12, s20;
	s22 =	sor.u32 $0x800, s20  }
0x11: {  	s25 =	sor.u32 $0x1000, s20;
	s26 =	sor.u32 $0x1800, s20;
	[dreg:$0x9] =	wrdreg s18  }
0x12: {  	s10 =	sor.u32 s10, s9;
	s7 =	sor.u32 s7, s9;
	[dreg:$0xa] =	wrdreg s19  }
0x13: {  	[dreg:$0xb] =	wrdreg s4;
	s23 =	sadd.s32 s12, s22;
	s17 =	sadd.s32 s12, s25  }
0x14: {  	s18 =	sadd.s32 s12, s26;
	s4 =	simm.s32 $0x400;
	s9 =	simm.s32 $0x19700  }
0x15: {  	s12 =	simm.s32 $0x0;
	s10 =	sshrl.u32 s10, $0x3;
	s7 =	sshrl.u32 s7, $0x3  }
0x16: {  	[dreg:$0xd] =	wrdreg s23;
	s11 =	sadd.s32 s10, s8;
	s8 =	sadd.s32 $0x42000, s8  }
0x17: {  	s0 =	sadd.s32 s0, s7;
	s16 =	sadd.s32 s2, s7;
	s7 =	simm.s32 $0x1A700  }
0x18: {  	[dreg:$0x8] =	wrdreg s0;
	s10 =	sadd.s32 $0x82000, s11;
	s13 =	sadd.s32 $0x83000, s11  }
0x19: {  	s19 =	sadd.s32 s8, s20;
	s20 =	sadd.s32 s8, s22;
	s21 =	sadd.s32 s8, s25  }
0x1a: {  	s22 =	sadd.s32 s8, s26;
	s23 =	sadd.s32 $0x84000, s11;
	s24 =	sadd.s32 $0x85000, s11  }
0x1b: {  	s25 =	smax.u32 s1, $0x1;
	s26 =	sadd.s32 $0x600, s14;
	s1 =	simm.s32 $0x3  }
0x1c: {  	s8 =	simm.s32 $0x2;
	s0 =	simm.s32 $0x18700;
	s11 =	simm.s32 $0x1  }
.LBB2_1:
0x1d: {  	s2 =	rddreg [dreg:$0x8]  }
0x1e: {  	[tilespmem:s6], [sflag:$0x2] =	stream.strided.gather [hbm4b:s2+s31], $0x18700, s4, s31, $0x38;
	[tilespmem:$0x1EB00] =	vst v63  }
0x1f: {  	s15 =	rddreg [dreg:$0x9];
	s14 =	simm.s32 $0x1E700  }
0x20: {  	[tilespmem:s14], [sflag:$0x3] =	stream.linear.gather [hbm4b:s15+s6], $0x200, $0x38;
	[tilespmem:$0x1EB00] =	vst v63  }
0x21: {  	_ =	swait.ge [sflag:s1], $0x200  }
0x22: {  	[sflag:s1] =	ssyncset.done $0x0  }
0x23: {  	s15 =	simm.s32 $0x1E900;
	s2 =	rddreg [dreg:$0xa];
	[sflag:s1] =	ssyncadd.s32 $0xFFFFFE00  }
0x24: {  	[tilespmem:s15], [sflag:$0x3] =	stream.linear.gather [hbm4b:s2+s6], $0x200, $0x38;
	[tilespmem:$0x1EB00] =	vst v63  }
0x25: {  	_ =	swait.ge [sflag:s1], $0x200  }
0x26: {  	[sflag:s1] =	ssyncset.done $0x0  }
0x27: {  	[sflag:s1] =	ssyncadd.s32 $0xFFFFFE00  }
0x28: {  	[tilespmem:s7], [sflag:$0x1] =	stream.indirect.gather [hbm4b:s3+s31], $0x80, s14, s31, $0xb8;
	[tilespmem:$0x1EB00] =	vst v63  }
0x29: {  	_ =	swait.ge [sflag:s8], $0x18700  }
0x2a: {  	[sflag:s8] =	ssyncset.done $0x0  }
0x2b: {  	[sflag:s8] =	ssyncadd.s32 $0xFFFE7900  }
0x2c: {  	s15 =	rddreg [dreg:$0x0]  }
0x2d: {  	[tilespmem:s9], [sflag:$0x3] =	stream.linear.gather [hbm4b:s15+s6], $0x1000, $0x38;
	[tilespmem:$0x1EB00] =	vst v63  }
0x2e: {  	_ =	swait.ge [sflag:s1], $0x1000  }
0x2f: {  	[sflag:s1] =	ssyncset.done $0x0  }
0x30: {  	s2 =	simm.s32 $0x0;
	[sflag:s1] =	ssyncadd.s32 $0xFFFFF000  }
0x31: {  	v0 =	vld [tilespmem:s2+$0x19700];
	_ =	sdelay $0x5  }
0x32: {  	v1 =	vld [tilespmem:s2+$0x19710];
	_ =	sdelay $0x1  }
0x33: {  	v0 =	vld.idx.msk [tilespmem:v0+s6+$0x0], $0xffff;
	_ =	sdelay $0x4  }
0x34: {  	[tilespmem:s2+$0x18700] =	vst v0;
	v0 =	vld [tilespmem:s2+$0x19720]  }
0x35: {  	v1 =	vld.idx.msk [tilespmem:v1+s6+$0x0], $0xffff;
	_ =	sdelay $0x4  }
0x36: {  	[tilespmem:s2+$0x18710] =	vst v1;
	v1 =	vld [tilespmem:s2+$0x19730];
	_ =	sdelay $0x1  }
0x37: {  	v0 =	vld.idx.msk [tilespmem:v0+s6+$0x0], $0xffff;
	_ =	sdelay $0x4  }
0x38: {  	[tilespmem:s2+$0x18720] =	vst v0;
	v0 =	vld [tilespmem:s2+$0x19740]  }
0x39: {  	v1 =	vld.idx.msk [tilespmem:v1+s6+$0x0], $0xffff;
	_ =	sdelay $0x4  }
0x3a: {  	[tilespmem:s2+$0x18730] =	vst v1;
	v1 =	vld [tilespmem:s2+$0x19750];
	_ =	sdelay $0x1  }
0x3b: {  	v0 =	vld.idx.msk [tilespmem:v0+s6+$0x0], $0xffff;
	_ =	sdelay $0x4  }
0x3c: {  	v2 =	vld [tilespmem:s2+$0x19760];
	[tilespmem:s2+$0x18740] =	vst v0  }
0x3d: {  	v0 =	vld.idx.msk [tilespmem:v1+s6+$0x0], $0xffff;
	_ =	sdelay $0x4  }
0x3e: {  	[tilespmem:s2+$0x18750] =	vst v0;
	v0 =	vld [tilespmem:s2+$0x19770];
	_ =	sdelay $0x1  }
0x3f: {  	v1 =	vld.idx.msk [tilespmem:v2+s6+$0x0], $0xffff;
	_ =	sdelay $0x3  }
0x40: {  	s14 =	simm.s32 $0x400;
	s15 =	simm.s32 $0x80  }
.LBB2_2:
0x41: {  	p0 =	sne.s32 s14, $0x3E00;
	v2 =	vld [tilespmem:s15+$0x19700];
	[tilespmem:s2+$0x18760] =	vst v1  }
0x42: {  	v0 =	vld.idx.msk [tilespmem:v0+s6+$0x0], $0xffff;
	_ =	sdelay $0x5  }
0x43: {  	v1 =	vld [tilespmem:s15+$0x19710];
	[tilespmem:s2+$0x18770] =	vst v0;
	s2 =	smov.u32 s15  }
0x44: {  	v0 =	vld.idx.msk [tilespmem:v2+s6+$0x0], $0xffff;
	_ =	sdelay $0x5  }
0x45: {  	[tilespmem:s2+$0x18700] =	vst v0;
	v0 =	vld [tilespmem:s2+$0x19720]  }
0x46: {  	v1 =	vld.idx.msk [tilespmem:v1+s6+$0x0], $0xffff;
	_ =	sdelay $0x5  }
0x47: {  	[tilespmem:s2+$0x18710] =	vst v1;
	v1 =	vld [tilespmem:s2+$0x19730]  }
0x48: {  	v0 =	vld.idx.msk [tilespmem:v0+s6+$0x0], $0xffff;
	_ =	sdelay $0x5  }
0x49: {  	[tilespmem:s2+$0x18720] =	vst v0;
	v0 =	vld [tilespmem:s2+$0x19740]  }
0x4a: {  	v1 =	vld.idx.msk [tilespmem:v1+s6+$0x0], $0xffff;
	_ =	sdelay $0x5  }
0x4b: {  	[tilespmem:s2+$0x18730] =	vst v1;
	v1 =	vld [tilespmem:s2+$0x19750]  }
0x4c: {  	v0 =	vld.idx.msk [tilespmem:v0+s6+$0x0], $0xffff;
	_ =	sdelay $0x5  }
0x4d: {  	[tilespmem:s2+$0x18740] =	vst v0;
	v2 =	vld [tilespmem:s2+$0x19760]  }
0x4e: {  	v0 =	vld.idx.msk [tilespmem:v1+s6+$0x0], $0xffff;
	_ =	sdelay $0x5  }
0x4f: {  	[tilespmem:s2+$0x18750] =	vst v0;
	v0 =	vld [tilespmem:s2+$0x19770]  }
0x50: {  	v1 =	vld.idx.msk [tilespmem:v2+s6+$0x0], $0xffff  }
.Ltmp0:
0x51: {  	(pc) =	sbr.rel @p0 .LBB2_2-.Ltmp0, $2  }
0x52: {  	_ =	sdelay $0x2  }
0x53: {  	s15 =	sshra.s32 s14, $0x2;
	s14 =	sadd.s32 $0x200, s14  }
0x54: {  	_ =	sdelay $0x1  }
0x55: {  	v2 =	vld [tilespmem:s15+$0x19700]  }
0x56: {  	[tilespmem:s2+$0x18760] =	vst v1  }
0x57: {  	v0 =	vld.idx.msk [tilespmem:v0+s6+$0x0], $0xffff;
	_ =	sdelay $0x3  }
0x58: {  	v1 =	vld [tilespmem:s15+$0x19710]  }
0x59: {  	[tilespmem:s2+$0x18770] =	vst v0  }
0x5a: {  	v0 =	vld.idx.msk [tilespmem:v2+s6+$0x0], $0xffff;
	_ =	sdelay $0x4  }
0x5b: {  	[tilespmem:s15+$0x18700] =	vst v0;
	v0 =	vld [tilespmem:s15+$0x19720]  }
0x5c: {  	v1 =	vld.idx.msk [tilespmem:v1+s6+$0x0], $0xffff;
	_ =	sdelay $0x4  }
0x5d: {  	[tilespmem:s15+$0x18710] =	vst v1;
	v1 =	vld [tilespmem:s15+$0x19730];
	_ =	sdelay $0x1  }
0x5e: {  	v0 =	vld.idx.msk [tilespmem:v0+s6+$0x0], $0xffff;
	_ =	sdelay $0x4  }
0x5f: {  	[tilespmem:s15+$0x18720] =	vst v0;
	v0 =	vld [tilespmem:s15+$0x19740]  }
0x60: {  	v1 =	vld.idx.msk [tilespmem:v1+s6+$0x0], $0xffff;
	_ =	sdelay $0x4  }
0x61: {  	[tilespmem:s15+$0x18730] =	vst v1;
	v1 =	vld [tilespmem:s15+$0x19750];
	_ =	sdelay $0x1  }
0x62: {  	v0 =	vld.idx.msk [tilespmem:v0+s6+$0x0], $0xffff;
	_ =	sdelay $0x4  }
0x63: {  	[tilespmem:s15+$0x18740] =	vst v0;
	v0 =	vld [tilespmem:s15+$0x19760]  }
0x64: {  	v1 =	vld.idx.msk [tilespmem:v1+s6+$0x0], $0xffff;
	_ =	sdelay $0x4  }
0x65: {  	[tilespmem:s15+$0x18750] =	vst v1;
	v1 =	vld [tilespmem:s15+$0x19770];
	_ =	sdelay $0x1  }
0x66: {  	v0 =	vld.idx.msk [tilespmem:v0+s6+$0x0], $0xffff;
	_ =	sdelay $0x4  }
0x67: {  	[tilespmem:s15+$0x18760] =	vst v0  }
0x68: {  	v0 =	vld.idx.msk [tilespmem:v1+s6+$0x0], $0xffff;
	_ =	sdelay $0x4  }
0x69: {  	[tilespmem:s15+$0x18770] =	vst v0  }
0x6a: {  	[hbm4b:s10+s31] =	stream.strided.scatter [tilespmem:s0], [sflag:$0x3], $0x1000, s4, s31, $0x38;
	[tilespmem:$0x1EB00] =	vst v63  }
0x6b: {  	_ =	swait.ge [sflag:s1], $0x1000  }
0x6c: {  	[sflag:s1] =	ssyncset.done $0x0  }
0x6d: {  	[sflag:s1] =	ssyncadd.s32 $0xFFFFF000  }
0x6e: {  	_ =	swait.ge [sflag:s11], $0x4000  }
0x6f: {  	[sflag:s11] =	ssyncset.done $0x0  }
0x70: {  	s2 =	simm.s32 $0x0;
	s14 =	rddreg [dreg:$0xb];
	[sflag:s11] =	ssyncadd.s32 $0xFFFFC000  }
0x71: {  	[hbm4b:s14+s2] =	stream.linear.scatter [tilespmem:s7], [sflag:$0x3], $0x4000, $0x38;
	[tilespmem:$0x1EB00] =	vst v63  }
0x72: {  	_ =	swait.ge [sflag:s1], $0x4000  }
0x73: {  	[sflag:s1] =	ssyncset.done $0x0  }
0x74: {  	s15 =	simm.s32 $0x1E780;
	[sflag:s1] =	ssyncadd.s32 $0xFFFFC000  }
0x75: {  	[tilespmem:s7], [sflag:$0x1] =	stream.indirect.gather [hbm4b:s3+s31], $0x80, s15, s31, $0xb8;
	[tilespmem:$0x1EB00] =	vst v63  }
0x76: {  	s15 =	rddreg [dreg:$0xc]  }
0x77: {  	[tilespmem:s9], [sflag:$0x3] =	stream.linear.gather [hbm4b:s15+s2], $0x1000, $0x38;
	[tilespmem:$0x1EB00] =	vst v63  }
0x78: {  	_ =	swait.ge [sflag:s1], $0x1000  }
0x79: {  	[sflag:s1] =	ssyncset.done $0x0  }
0x7a: {  	s2 =	simm.s32 $0x0;
	[sflag:s1] =	ssyncadd.s32 $0xFFFFF000  }
0x7b: {  	v0 =	vld [tilespmem:s2+$0x19700];
	_ =	sdelay $0x5  }
0x7c: {  	v1 =	vld [tilespmem:s2+$0x19710];
	_ =	sdelay $0x1  }
0x7d: {  	v0 =	vld.idx.msk [tilespmem:v0+s6+$0x0], $0xffff;
	_ =	sdelay $0x4  }
0x7e: {  	[tilespmem:s2+$0x18700] =	vst v0;
	v0 =	vld [tilespmem:s2+$0x19720]  }
0x7f: {  	v1 =	vld.idx.msk [tilespmem:v1+s6+$0x0], $0xffff;
	_ =	sdelay $0x4  }
0x80: {  	[tilespmem:s2+$0x18710] =	vst v1;
	v1 =	vld [tilespmem:s2+$0x19730];
	_ =	sdelay $0x1  }
0x81: {  	v0 =	vld.idx.msk [tilespmem:v0+s6+$0x0], $0xffff;
	_ =	sdelay $0x4  }
0x82: {  	[tilespmem:s2+$0x18720] =	vst v0;
	v0 =	vld [tilespmem:s2+$0x19740]  }
0x83: {  	v1 =	vld.idx.msk [tilespmem:v1+s6+$0x0], $0xffff;
	_ =	sdelay $0x4  }
0x84: {  	[tilespmem:s2+$0x18730] =	vst v1;
	v1 =	vld [tilespmem:s2+$0x19750];
	_ =	sdelay $0x1  }
0x85: {  	v0 =	vld.idx.msk [tilespmem:v0+s6+$0x0], $0xffff;
	_ =	sdelay $0x4  }
0x86: {  	v2 =	vld [tilespmem:s2+$0x19760];
	[tilespmem:s2+$0x18740] =	vst v0  }
0x87: {  	v0 =	vld.idx.msk [tilespmem:v1+s6+$0x0], $0xffff;
	_ =	sdelay $0x4  }
0x88: {  	[tilespmem:s2+$0x18750] =	vst v0;
	v0 =	vld [tilespmem:s2+$0x19770];
	_ =	sdelay $0x1  }
0x89: {  	v1 =	vld.idx.msk [tilespmem:v2+s6+$0x0], $0xffff;
	_ =	sdelay $0x3  }
0x8a: {  	s14 =	simm.s32 $0x400;
	s15 =	simm.s32 $0x80  }
.LBB2_4:
0x8b: {  	p0 =	sne.s32 s14, $0x3E00;
	v2 =	vld [tilespmem:s15+$0x19700];
	[tilespmem:s2+$0x18760] =	vst v1  }
0x8c: {  	v0 =	vld.idx.msk [tilespmem:v0+s6+$0x0], $0xffff;
	_ =	sdelay $0x5  }
0x8d: {  	v1 =	vld [tilespmem:s15+$0x19710];
	[tilespmem:s2+$0x18770] =	vst v0;
	s2 =	smov.u32 s15  }
0x8e: {  	v0 =	vld.idx.msk [tilespmem:v2+s6+$0x0], $0xffff;
	_ =	sdelay $0x5  }
0x8f: {  	[tilespmem:s2+$0x18700] =	vst v0;
	v0 =	vld [tilespmem:s2+$0x19720]  }
0x90: {  	v1 =	vld.idx.msk [tilespmem:v1+s6+$0x0], $0xffff;
	_ =	sdelay $0x5  }
0x91: {  	[tilespmem:s2+$0x18710] =	vst v1;
	v1 =	vld [tilespmem:s2+$0x19730]  }
0x92: {  	v0 =	vld.idx.msk [tilespmem:v0+s6+$0x0], $0xffff;
	_ =	sdelay $0x5  }
0x93: {  	[tilespmem:s2+$0x18720] =	vst v0;
	v0 =	vld [tilespmem:s2+$0x19740]  }
0x94: {  	v1 =	vld.idx.msk [tilespmem:v1+s6+$0x0], $0xffff;
	_ =	sdelay $0x5  }
0x95: {  	[tilespmem:s2+$0x18730] =	vst v1;
	v1 =	vld [tilespmem:s2+$0x19750]  }
0x96: {  	v0 =	vld.idx.msk [tilespmem:v0+s6+$0x0], $0xffff;
	_ =	sdelay $0x5  }
0x97: {  	[tilespmem:s2+$0x18740] =	vst v0;
	v2 =	vld [tilespmem:s2+$0x19760]  }
0x98: {  	v0 =	vld.idx.msk [tilespmem:v1+s6+$0x0], $0xffff;
	_ =	sdelay $0x5  }
0x99: {  	[tilespmem:s2+$0x18750] =	vst v0;
	v0 =	vld [tilespmem:s2+$0x19770]  }
0x9a: {  	v1 =	vld.idx.msk [tilespmem:v2+s6+$0x0], $0xffff  }
.Ltmp1:
0x9b: {  	(pc) =	sbr.rel @p0 .LBB2_4-.Ltmp1, $2  }
0x9c: {  	_ =	sdelay $0x2  }
0x9d: {  	s15 =	sshra.s32 s14, $0x2;
	s14 =	sadd.s32 $0x200, s14  }
0x9e: {  	_ =	sdelay $0x1  }
0x9f: {  	v2 =	vld [tilespmem:s15+$0x19700]  }
0xa0: {  	[tilespmem:s2+$0x18760] =	vst v1  }
0xa1: {  	v0 =	vld.idx.msk [tilespmem:v0+s6+$0x0], $0xffff;
	_ =	sdelay $0x3  }
0xa2: {  	v1 =	vld [tilespmem:s15+$0x19710]  }
0xa3: {  	[tilespmem:s2+$0x18770] =	vst v0  }
0xa4: {  	v0 =	vld.idx.msk [tilespmem:v2+s6+$0x0], $0xffff;
	_ =	sdelay $0x4  }
0xa5: {  	[tilespmem:s15+$0x18700] =	vst v0;
	v0 =	vld [tilespmem:s15+$0x19720]  }
0xa6: {  	v1 =	vld.idx.msk [tilespmem:v1+s6+$0x0], $0xffff;
	_ =	sdelay $0x4  }
0xa7: {  	[tilespmem:s15+$0x18710] =	vst v1;
	v1 =	vld [tilespmem:s15+$0x19730];
	_ =	sdelay $0x1  }
0xa8: {  	v0 =	vld.idx.msk [tilespmem:v0+s6+$0x0], $0xffff;
	_ =	sdelay $0x4  }
0xa9: {  	[tilespmem:s15+$0x18720] =	vst v0;
	v0 =	vld [tilespmem:s15+$0x19740]  }
0xaa: {  	v1 =	vld.idx.msk [tilespmem:v1+s6+$0x0], $0xffff;
	_ =	sdelay $0x4  }
0xab: {  	[tilespmem:s15+$0x18730] =	vst v1;
	v1 =	vld [tilespmem:s15+$0x19750];
	_ =	sdelay $0x1  }
0xac: {  	v0 =	vld.idx.msk [tilespmem:v0+s6+$0x0], $0xffff;
	_ =	sdelay $0x4  }
0xad: {  	[tilespmem:s15+$0x18740] =	vst v0;
	v0 =	vld [tilespmem:s15+$0x19760]  }
0xae: {  	v1 =	vld.idx.msk [tilespmem:v1+s6+$0x0], $0xffff;
	_ =	sdelay $0x4  }
0xaf: {  	[tilespmem:s15+$0x18750] =	vst v1;
	v1 =	vld [tilespmem:s15+$0x19770];
	_ =	sdelay $0x1  }
0xb0: {  	v0 =	vld.idx.msk [tilespmem:v0+s6+$0x0], $0xffff;
	_ =	sdelay $0x4  }
0xb1: {  	[tilespmem:s15+$0x18760] =	vst v0  }
0xb2: {  	v0 =	vld.idx.msk [tilespmem:v1+s6+$0x0], $0xffff;
	_ =	sdelay $0x4  }
0xb3: {  	[tilespmem:s15+$0x18770] =	vst v0  }
0xb4: {  	[hbm4b:s13+s31] =	stream.strided.scatter [tilespmem:s0], [sflag:$0x3], $0x1000, s4, s31, $0x38;
	[tilespmem:$0x1EB00] =	vst v63  }
0xb5: {  	_ =	swait.ge [sflag:s1], $0x1000  }
0xb6: {  	[sflag:s1] =	ssyncset.done $0x0  }
0xb7: {  	[sflag:s1] =	ssyncadd.s32 $0xFFFFF000  }
0xb8: {  	_ =	swait.ge [sflag:s11], $0x4000  }
0xb9: {  	[sflag:s11] =	ssyncset.done $0x0  }
0xba: {  	s2 =	simm.s32 $0x0;
	s14 =	rddreg [dreg:$0xd];
	[sflag:s11] =	ssyncadd.s32 $0xFFFFC000  }
0xbb: {  	[hbm4b:s14+s2] =	stream.linear.scatter [tilespmem:s7], [sflag:$0x3], $0x4000, $0x38;
	[tilespmem:$0x1EB00] =	vst v63  }
0xbc: {  	_ =	swait.ge [sflag:s1], $0x4000  }
0xbd: {  	[sflag:s1] =	ssyncset.done $0x0  }
0xbe: {  	s15 =	simm.s32 $0x1E800;
	[sflag:s1] =	ssyncadd.s32 $0xFFFFC000  }
0xbf: {  	[tilespmem:s7], [sflag:$0x1] =	stream.indirect.gather [hbm4b:s3+s31], $0x80, s15, s31, $0xb8;
	[tilespmem:$0x1EB00] =	vst v63  }
0xc0: {  	s15 =	rddreg [dreg:$0xe]  }
0xc1: {  	[tilespmem:s9], [sflag:$0x3] =	stream.linear.gather [hbm4b:s15+s2], $0x1000, $0x38;
	[tilespmem:$0x1EB00] =	vst v63  }
0xc2: {  	_ =	swait.ge [sflag:s1], $0x1000  }
0xc3: {  	[sflag:s1] =	ssyncset.done $0x0  }
0xc4: {  	s2 =	simm.s32 $0x0;
	[sflag:s1] =	ssyncadd.s32 $0xFFFFF000  }
0xc5: {  	v0 =	vld [tilespmem:s2+$0x19700];
	_ =	sdelay $0x5  }
0xc6: {  	v1 =	vld [tilespmem:s2+$0x19710];
	_ =	sdelay $0x1  }
0xc7: {  	v0 =	vld.idx.msk [tilespmem:v0+s6+$0x0], $0xffff;
	_ =	sdelay $0x4  }
0xc8: {  	[tilespmem:s2+$0x18700] =	vst v0;
	v0 =	vld [tilespmem:s2+$0x19720]  }
0xc9: {  	v1 =	vld.idx.msk [tilespmem:v1+s6+$0x0], $0xffff;
	_ =	sdelay $0x4  }
0xca: {  	[tilespmem:s2+$0x18710] =	vst v1;
	v1 =	vld [tilespmem:s2+$0x19730];
	_ =	sdelay $0x1  }
0xcb: {  	v0 =	vld.idx.msk [tilespmem:v0+s6+$0x0], $0xffff;
	_ =	sdelay $0x4  }
0xcc: {  	[tilespmem:s2+$0x18720] =	vst v0;
	v0 =	vld [tilespmem:s2+$0x19740]  }
0xcd: {  	v1 =	vld.idx.msk [tilespmem:v1+s6+$0x0], $0xffff;
	_ =	sdelay $0x4  }
0xce: {  	[tilespmem:s2+$0x18730] =	vst v1;
	v1 =	vld [tilespmem:s2+$0x19750];
	_ =	sdelay $0x1  }
0xcf: {  	v0 =	vld.idx.msk [tilespmem:v0+s6+$0x0], $0xffff;
	_ =	sdelay $0x4  }
0xd0: {  	v2 =	vld [tilespmem:s2+$0x19760];
	[tilespmem:s2+$0x18740] =	vst v0  }
0xd1: {  	v0 =	vld.idx.msk [tilespmem:v1+s6+$0x0], $0xffff;
	_ =	sdelay $0x4  }
0xd2: {  	[tilespmem:s2+$0x18750] =	vst v0;
	v0 =	vld [tilespmem:s2+$0x19770];
	_ =	sdelay $0x1  }
0xd3: {  	v1 =	vld.idx.msk [tilespmem:v2+s6+$0x0], $0xffff;
	_ =	sdelay $0x3  }
0xd4: {  	s14 =	simm.s32 $0x400;
	s15 =	simm.s32 $0x80  }
.LBB2_6:
0xd5: {  	p0 =	sne.s32 s14, $0x3E00;
	v2 =	vld [tilespmem:s15+$0x19700];
	[tilespmem:s2+$0x18760] =	vst v1  }
0xd6: {  	v0 =	vld.idx.msk [tilespmem:v0+s6+$0x0], $0xffff;
	_ =	sdelay $0x5  }
0xd7: {  	v1 =	vld [tilespmem:s15+$0x19710];
	[tilespmem:s2+$0x18770] =	vst v0;
	s2 =	smov.u32 s15  }
0xd8: {  	v0 =	vld.idx.msk [tilespmem:v2+s6+$0x0], $0xffff;
	_ =	sdelay $0x5  }
0xd9: {  	[tilespmem:s2+$0x18700] =	vst v0;
	v0 =	vld [tilespmem:s2+$0x19720]  }
0xda: {  	v1 =	vld.idx.msk [tilespmem:v1+s6+$0x0], $0xffff;
	_ =	sdelay $0x5  }
0xdb: {  	[tilespmem:s2+$0x18710] =	vst v1;
	v1 =	vld [tilespmem:s2+$0x19730]  }
0xdc: {  	v0 =	vld.idx.msk [tilespmem:v0+s6+$0x0], $0xffff;
	_ =	sdelay $0x5  }
0xdd: {  	[tilespmem:s2+$0x18720] =	vst v0;
	v0 =	vld [tilespmem:s2+$0x19740]  }
0xde: {  	v1 =	vld.idx.msk [tilespmem:v1+s6+$0x0], $0xffff;
	_ =	sdelay $0x5  }
0xdf: {  	[tilespmem:s2+$0x18730] =	vst v1;
	v1 =	vld [tilespmem:s2+$0x19750]  }
0xe0: {  	v0 =	vld.idx.msk [tilespmem:v0+s6+$0x0], $0xffff;
	_ =	sdelay $0x5  }
0xe1: {  	[tilespmem:s2+$0x18740] =	vst v0;
	v2 =	vld [tilespmem:s2+$0x19760]  }
0xe2: {  	v0 =	vld.idx.msk [tilespmem:v1+s6+$0x0], $0xffff;
	_ =	sdelay $0x5  }
0xe3: {  	[tilespmem:s2+$0x18750] =	vst v0;
	v0 =	vld [tilespmem:s2+$0x19770]  }
0xe4: {  	v1 =	vld.idx.msk [tilespmem:v2+s6+$0x0], $0xffff  }
.Ltmp2:
0xe5: {  	(pc) =	sbr.rel @p0 .LBB2_6-.Ltmp2, $2  }
0xe6: {  	_ =	sdelay $0x2  }
0xe7: {  	s15 =	sshra.s32 s14, $0x2;
	s14 =	sadd.s32 $0x200, s14  }
0xe8: {  	_ =	sdelay $0x1  }
0xe9: {  	v2 =	vld [tilespmem:s15+$0x19700]  }
0xea: {  	[tilespmem:s2+$0x18760] =	vst v1  }
0xeb: {  	v0 =	vld.idx.msk [tilespmem:v0+s6+$0x0], $0xffff;
	_ =	sdelay $0x3  }
0xec: {  	v1 =	vld [tilespmem:s15+$0x19710]  }
0xed: {  	[tilespmem:s2+$0x18770] =	vst v0  }
0xee: {  	v0 =	vld.idx.msk [tilespmem:v2+s6+$0x0], $0xffff;
	_ =	sdelay $0x4  }
0xef: {  	[tilespmem:s15+$0x18700] =	vst v0;
	v0 =	vld [tilespmem:s15+$0x19720]  }
0xf0: {  	v1 =	vld.idx.msk [tilespmem:v1+s6+$0x0], $0xffff;
	_ =	sdelay $0x4  }
0xf1: {  	[tilespmem:s15+$0x18710] =	vst v1;
	v1 =	vld [tilespmem:s15+$0x19730];
	_ =	sdelay $0x1  }
0xf2: {  	v0 =	vld.idx.msk [tilespmem:v0+s6+$0x0], $0xffff;
	_ =	sdelay $0x4  }
0xf3: {  	[tilespmem:s15+$0x18720] =	vst v0;
	v0 =	vld [tilespmem:s15+$0x19740]  }
0xf4: {  	v1 =	vld.idx.msk [tilespmem:v1+s6+$0x0], $0xffff;
	_ =	sdelay $0x4  }
0xf5: {  	[tilespmem:s15+$0x18730] =	vst v1;
	v1 =	vld [tilespmem:s15+$0x19750];
	_ =	sdelay $0x1  }
0xf6: {  	v0 =	vld.idx.msk [tilespmem:v0+s6+$0x0], $0xffff;
	_ =	sdelay $0x4  }
0xf7: {  	[tilespmem:s15+$0x18740] =	vst v0;
	v0 =	vld [tilespmem:s15+$0x19760]  }
0xf8: {  	v1 =	vld.idx.msk [tilespmem:v1+s6+$0x0], $0xffff;
	_ =	sdelay $0x4  }
0xf9: {  	[tilespmem:s15+$0x18750] =	vst v1;
	v1 =	vld [tilespmem:s15+$0x19770];
	_ =	sdelay $0x1  }
0xfa: {  	v0 =	vld.idx.msk [tilespmem:v0+s6+$0x0], $0xffff;
	_ =	sdelay $0x4  }
0xfb: {  	[tilespmem:s15+$0x18760] =	vst v0  }
0xfc: {  	v0 =	vld.idx.msk [tilespmem:v1+s6+$0x0], $0xffff;
	_ =	sdelay $0x4  }
0xfd: {  	[tilespmem:s15+$0x18770] =	vst v0  }
0xfe: {  	[hbm4b:s23+s31] =	stream.strided.scatter [tilespmem:s0], [sflag:$0x3], $0x1000, s4, s31, $0x38;
	[tilespmem:$0x1EB00] =	vst v63  }
0xff: {  	_ =	swait.ge [sflag:s1], $0x1000  }
0x100: {  	[sflag:s1] =	ssyncset.done $0x0  }
0x101: {  	[sflag:s1] =	ssyncadd.s32 $0xFFFFF000  }
0x102: {  	_ =	swait.ge [sflag:s11], $0x4000  }
0x103: {  	[sflag:s11] =	ssyncset.done $0x0  }
0x104: {  	s15 =	simm.s32 $0x0;
	[sflag:s11] =	ssyncadd.s32 $0xFFFFC000  }
0x105: {  	[hbm4b:s17+s15] =	stream.linear.scatter [tilespmem:s7], [sflag:$0x3], $0x4000, $0x38;
	[tilespmem:$0x1EB00] =	vst v63  }
0x106: {  	_ =	swait.ge [sflag:s1], $0x4000  }
0x107: {  	[sflag:s1] =	ssyncset.done $0x0  }
0x108: {  	s14 =	simm.s32 $0x1E880;
	[sflag:s1] =	ssyncadd.s32 $0xFFFFC000  }
0x109: {  	[tilespmem:s7], [sflag:$0x1] =	stream.indirect.gather [hbm4b:s3+s31], $0x80, s14, s31, $0xb8;
	[tilespmem:$0x1EB00] =	vst v63  }
0x10a: {  	_ = 	snop  }
0x10b: {  	[tilespmem:s9], [sflag:$0x3] =	stream.linear.gather [hbm4b:s26+s15], $0x1000, $0x38;
	[tilespmem:$0x1EB00] =	vst v63  }
0x10c: {  	_ =	swait.ge [sflag:s1], $0x1000  }
0x10d: {  	[sflag:s1] =	ssyncset.done $0x0  }
0x10e: {  	s2 =	simm.s32 $0x0;
	[sflag:s1] =	ssyncadd.s32 $0xFFFFF000  }
0x10f: {  	v0 =	vld [tilespmem:s2+$0x19700];
	_ =	sdelay $0x5  }
0x110: {  	v1 =	vld [tilespmem:s2+$0x19710];
	_ =	sdelay $0x1  }
0x111: {  	v0 =	vld.idx.msk [tilespmem:v0+s6+$0x0], $0xffff;
	_ =	sdelay $0x4  }
0x112: {  	[tilespmem:s2+$0x18700] =	vst v0;
	v0 =	vld [tilespmem:s2+$0x19720]  }
0x113: {  	v1 =	vld.idx.msk [tilespmem:v1+s6+$0x0], $0xffff;
	_ =	sdelay $0x4  }
0x114: {  	[tilespmem:s2+$0x18710] =	vst v1;
	v1 =	vld [tilespmem:s2+$0x19730];
	_ =	sdelay $0x1  }
0x115: {  	v0 =	vld.idx.msk [tilespmem:v0+s6+$0x0], $0xffff;
	_ =	sdelay $0x4  }
0x116: {  	[tilespmem:s2+$0x18720] =	vst v0;
	v0 =	vld [tilespmem:s2+$0x19740]  }
0x117: {  	v1 =	vld.idx.msk [tilespmem:v1+s6+$0x0], $0xffff;
	_ =	sdelay $0x4  }
0x118: {  	[tilespmem:s2+$0x18730] =	vst v1;
	v1 =	vld [tilespmem:s2+$0x19750];
	_ =	sdelay $0x1  }
0x119: {  	v0 =	vld.idx.msk [tilespmem:v0+s6+$0x0], $0xffff;
	_ =	sdelay $0x4  }
0x11a: {  	v2 =	vld [tilespmem:s2+$0x19760];
	[tilespmem:s2+$0x18740] =	vst v0  }
0x11b: {  	v0 =	vld.idx.msk [tilespmem:v1+s6+$0x0], $0xffff;
	_ =	sdelay $0x4  }
0x11c: {  	[tilespmem:s2+$0x18750] =	vst v0;
	v0 =	vld [tilespmem:s2+$0x19770];
	_ =	sdelay $0x1  }
0x11d: {  	v1 =	vld.idx.msk [tilespmem:v2+s6+$0x0], $0xffff;
	_ =	sdelay $0x3  }
0x11e: {  	s14 =	simm.s32 $0x400;
	s15 =	simm.s32 $0x80  }
.LBB2_8:
0x11f: {  	p0 =	sne.s32 s14, $0x3E00;
	v2 =	vld [tilespmem:s15+$0x19700];
	[tilespmem:s2+$0x18760] =	vst v1  }
0x120: {  	v0 =	vld.idx.msk [tilespmem:v0+s6+$0x0], $0xffff;
	_ =	sdelay $0x5  }
0x121: {  	v1 =	vld [tilespmem:s15+$0x19710];
	[tilespmem:s2+$0x18770] =	vst v0;
	s2 =	smov.u32 s15  }
0x122: {  	v0 =	vld.idx.msk [tilespmem:v2+s6+$0x0], $0xffff;
	_ =	sdelay $0x5  }
0x123: {  	[tilespmem:s2+$0x18700] =	vst v0;
	v0 =	vld [tilespmem:s2+$0x19720]  }
0x124: {  	v1 =	vld.idx.msk [tilespmem:v1+s6+$0x0], $0xffff;
	_ =	sdelay $0x5  }
0x125: {  	[tilespmem:s2+$0x18710] =	vst v1;
	v1 =	vld [tilespmem:s2+$0x19730]  }
0x126: {  	v0 =	vld.idx.msk [tilespmem:v0+s6+$0x0], $0xffff;
	_ =	sdelay $0x5  }
0x127: {  	[tilespmem:s2+$0x18720] =	vst v0;
	v0 =	vld [tilespmem:s2+$0x19740]  }
0x128: {  	v1 =	vld.idx.msk [tilespmem:v1+s6+$0x0], $0xffff;
	_ =	sdelay $0x5  }
0x129: {  	[tilespmem:s2+$0x18730] =	vst v1;
	v1 =	vld [tilespmem:s2+$0x19750]  }
0x12a: {  	v0 =	vld.idx.msk [tilespmem:v0+s6+$0x0], $0xffff;
	_ =	sdelay $0x5  }
0x12b: {  	[tilespmem:s2+$0x18740] =	vst v0;
	v2 =	vld [tilespmem:s2+$0x19760]  }
0x12c: {  	v0 =	vld.idx.msk [tilespmem:v1+s6+$0x0], $0xffff;
	_ =	sdelay $0x5  }
0x12d: {  	[tilespmem:s2+$0x18750] =	vst v0;
	v0 =	vld [tilespmem:s2+$0x19770]  }
0x12e: {  	v1 =	vld.idx.msk [tilespmem:v2+s6+$0x0], $0xffff  }
.Ltmp3:
0x12f: {  	(pc) =	sbr.rel @p0 .LBB2_8-.Ltmp3, $2  }
0x130: {  	_ =	sdelay $0x2  }
0x131: {  	s15 =	sshra.s32 s14, $0x2;
	s14 =	sadd.s32 $0x200, s14  }
0x132: {  	_ =	sdelay $0x1  }
0x133: {  	v2 =	vld [tilespmem:s15+$0x19700]  }
0x134: {  	[tilespmem:s2+$0x18760] =	vst v1  }
0x135: {  	v0 =	vld.idx.msk [tilespmem:v0+s6+$0x0], $0xffff;
	_ =	sdelay $0x3  }
0x136: {  	v1 =	vld [tilespmem:s15+$0x19710]  }
0x137: {  	[tilespmem:s2+$0x18770] =	vst v0  }
0x138: {  	v0 =	vld.idx.msk [tilespmem:v2+s6+$0x0], $0xffff;
	_ =	sdelay $0x4  }
0x139: {  	[tilespmem:s15+$0x18700] =	vst v0;
	v0 =	vld [tilespmem:s15+$0x19720]  }
0x13a: {  	v1 =	vld.idx.msk [tilespmem:v1+s6+$0x0], $0xffff;
	_ =	sdelay $0x4  }
0x13b: {  	[tilespmem:s15+$0x18710] =	vst v1;
	v1 =	vld [tilespmem:s15+$0x19730];
	_ =	sdelay $0x1  }
0x13c: {  	v0 =	vld.idx.msk [tilespmem:v0+s6+$0x0], $0xffff;
	_ =	sdelay $0x4  }
0x13d: {  	[tilespmem:s15+$0x18720] =	vst v0;
	v0 =	vld [tilespmem:s15+$0x19740]  }
0x13e: {  	v1 =	vld.idx.msk [tilespmem:v1+s6+$0x0], $0xffff;
	_ =	sdelay $0x4  }
0x13f: {  	[tilespmem:s15+$0x18730] =	vst v1;
	v1 =	vld [tilespmem:s15+$0x19750];
	_ =	sdelay $0x1  }
0x140: {  	v0 =	vld.idx.msk [tilespmem:v0+s6+$0x0], $0xffff;
	_ =	sdelay $0x4  }
0x141: {  	[tilespmem:s15+$0x18740] =	vst v0;
	v0 =	vld [tilespmem:s15+$0x19760]  }
0x142: {  	v1 =	vld.idx.msk [tilespmem:v1+s6+$0x0], $0xffff;
	_ =	sdelay $0x4  }
0x143: {  	[tilespmem:s15+$0x18750] =	vst v1;
	v1 =	vld [tilespmem:s15+$0x19770];
	_ =	sdelay $0x1  }
0x144: {  	v0 =	vld.idx.msk [tilespmem:v0+s6+$0x0], $0xffff;
	_ =	sdelay $0x4  }
0x145: {  	[tilespmem:s15+$0x18760] =	vst v0  }
0x146: {  	v0 =	vld.idx.msk [tilespmem:v1+s6+$0x0], $0xffff;
	_ =	sdelay $0x4  }
0x147: {  	s2 =	simm.s32 $0x0;
	[tilespmem:s15+$0x18770] =	vst v0  }
0x148: {  	[tilespmem:s2], [sflag:$0x2] =	stream.strided.gather [hbm4b:s16+s31], $0x18700, s4, s31, $0x38;
	[tilespmem:$0x1EB00] =	vst v63  }
0x149: {  	_ = 	snop  }
0x14a: {  	[hbm4b:s24+s31] =	stream.strided.scatter [tilespmem:s0], [sflag:$0x3], $0x1000, s4, s31, $0x38;
	[tilespmem:$0x1EB00] =	vst v63  }
0x14b: {  	_ =	swait.ge [sflag:s1], $0x1000  }
0x14c: {  	[sflag:s1] =	ssyncset.done $0x0  }
0x14d: {  	[sflag:s1] =	ssyncadd.s32 $0xFFFFF000  }
0x14e: {  	_ =	swait.ge [sflag:s11], $0x4000  }
0x14f: {  	[sflag:s11] =	ssyncset.done $0x0  }
0x150: {  	[sflag:s11] =	ssyncadd.s32 $0xFFFFC000  }
0x151: {  	[hbm4b:s18+s2] =	stream.linear.scatter [tilespmem:s7], [sflag:$0x3], $0x4000, $0x38;
	[tilespmem:$0x1EB00] =	vst v63  }
0x152: {  	_ =	swait.ge [sflag:s1], $0x4000  }
0x153: {  	[sflag:s1] =	ssyncset.done $0x0  }
0x154: {  	s14 =	simm.s32 $0x1E900;
	[sflag:s1] =	ssyncadd.s32 $0xFFFFC000  }
0x155: {  	[tilespmem:s7], [sflag:$0x1] =	stream.indirect.gather [hbm4b:s5+s31], $0x80, s14, s31, $0xb8;
	[tilespmem:$0x1EB00] =	vst v63  }
0x156: {  	s15 =	rddreg [dreg:$0x1]  }
0x157: {  	[tilespmem:s9], [sflag:$0x3] =	stream.linear.gather [hbm4b:s15+s2], $0x1000, $0x38;
	[tilespmem:$0x1EB00] =	vst v63  }
0x158: {  	_ =	swait.ge [sflag:s1], $0x1000  }
0x159: {  	[sflag:s1] =	ssyncset.done $0x0  }
0x15a: {  	[sflag:s1] =	ssyncadd.s32 $0xFFFFF000  }
0x15b: {  	[tilespmem:s0], [sflag:$0x3] =	stream.strided.gather [hbm4b:s10+s31], $0x1000, s4, s31, $0x38;
	[tilespmem:$0x1EB00] =	vst v63  }
0x15c: {  	_ =	swait.ge [sflag:s1], $0x1000  }
0x15d: {  	[sflag:s1] =	ssyncset.done $0x0  }
0x15e: {  	[sflag:s1] =	ssyncadd.s32 $0xFFFFF000  }
0x15f: {  	_ =	swait.ge [sflag:s8], $0x18700  }
0x160: {  	[sflag:s8] =	ssyncset.done $0x0  }
0x161: {  	s2 =	simm.s32 $0x0;
	[sflag:s8] =	ssyncadd.s32 $0xFFFE7900  }
0x162: {  	v0 =	vld [tilespmem:s2+$0x19700];
	_ =	sdelay $0x5  }
0x163: {  	v1 =	vld [tilespmem:s2+$0x19710]  }
0x164: {  	v2 =	vld [tilespmem:s2+$0x18700]  }
0x165: {  	v0 =	vld.idx.msk [tilespmem:v0+s6+$0x0], $0xffff;
	_ =	sdelay $0x4  }
0x166: {  	v0 =	vmul.f32 v0, v2;
	_ =	sdelay $0x1  }
0x167: {  	v2 =	vld [tilespmem:s2+$0x19720];
	[tilespmem:s2+$0x18700] =	vst v0  }
0x168: {  	v0 =	vld.idx.msk [tilespmem:v1+s6+$0x0], $0xffff  }
0x169: {  	v1 =	vld [tilespmem:s2+$0x18710];
	_ =	sdelay $0x4  }
0x16a: {  	v0 =	vmul.f32 v0, v1;
	_ =	sdelay $0x1  }
0x16b: {  	[tilespmem:s2+$0x18710] =	vst v0;
	v0 =	vld [tilespmem:s2+$0x19730]  }
0x16c: {  	v1 =	vld.idx.msk [tilespmem:v2+s6+$0x0], $0xffff  }
0x16d: {  	v2 =	vld [tilespmem:s2+$0x18720];
	_ =	sdelay $0x4  }
0x16e: {  	v1 =	vmul.f32 v1, v2  }
0x16f: {  	v2 =	vld [tilespmem:s2+$0x19740]  }
0x170: {  	[tilespmem:s2+$0x18720] =	vst v1;
	v1 =	vld [tilespmem:s2+$0x18730]  }
0x171: {  	v0 =	vld.idx.msk [tilespmem:v0+s6+$0x0], $0xffff;
	_ =	sdelay $0x4  }
0x172: {  	v0 =	vmul.f32 v0, v1;
	_ =	sdelay $0x1  }
0x173: {  	[tilespmem:s2+$0x18730] =	vst v0;
	v0 =	vld [tilespmem:s2+$0x19750]  }
0x174: {  	v1 =	vld.idx.msk [tilespmem:v2+s6+$0x0], $0xffff  }
0x175: {  	v2 =	vld [tilespmem:s2+$0x18740];
	_ =	sdelay $0x4  }
0x176: {  	v1 =	vmul.f32 v1, v2  }
0x177: {  	v2 =	vld [tilespmem:s2+$0x19760]  }
0x178: {  	[tilespmem:s2+$0x18740] =	vst v1;
	v1 =	vld [tilespmem:s2+$0x18750]  }
0x179: {  	v0 =	vld.idx.msk [tilespmem:v0+s6+$0x0], $0xffff;
	_ =	sdelay $0x4  }
0x17a: {  	v0 =	vmul.f32 v0, v1;
	_ =	sdelay $0x1  }
0x17b: {  	v1 =	vld [tilespmem:s2+$0x19770];
	[tilespmem:s2+$0x18750] =	vst v0  }
0x17c: {  	v0 =	vld.idx.msk [tilespmem:v2+s6+$0x0], $0xffff  }
0x17d: {  	v2 =	vld [tilespmem:s2+$0x18760];
	_ =	sdelay $0x4  }
0x17e: {  	v2 =	vmul.f32 v0, v2  }
0x17f: {  	s15 =	simm.s32 $0x80  }
0x180: {  	v0 =	vld [tilespmem:s15+$0x19700];
	[tilespmem:s2+$0x18760] =	vst v2  }
0x181: {  	s14 =	simm.s32 $0x400;
	v1 =	vld.idx.msk [tilespmem:v1+s6+$0x0], $0xffff  }
.LBB2_10:
0x182: {  	p0 =	sne.s32 s14, $0x3E00;
	v2 =	vld [tilespmem:s2+$0x18770];
	_ =	sdelay $0x4  }
0x183: {  	v1 =	vmul.f32 v1, v2;
	_ =	sdelay $0x1  }
0x184: {  	v2 =	vld [tilespmem:s15+$0x19710];
	[tilespmem:s2+$0x18770] =	vst v1;
	s2 =	smov.u32 s15  }
0x185: {  	v0 =	vld.idx.msk [tilespmem:v0+s6+$0x0], $0xffff  }
0x186: {  	v1 =	vld [tilespmem:s2+$0x18700];
	_ =	sdelay $0x4  }
0x187: {  	v0 =	vmul.f32 v0, v1;
	_ =	sdelay $0x1  }
0x188: {  	[tilespmem:s2+$0x18700] =	vst v0;
	v0 =	vld [tilespmem:s2+$0x19720]  }
0x189: {  	v1 =	vld.idx.msk [tilespmem:v2+s6+$0x0], $0xffff  }
0x18a: {  	v2 =	vld [tilespmem:s2+$0x18710];
	_ =	sdelay $0x4  }
0x18b: {  	v1 =	vmul.f32 v1, v2;
	_ =	sdelay $0x1  }
0x18c: {  	[tilespmem:s2+$0x18710] =	vst v1;
	v1 =	vld [tilespmem:s2+$0x19730]  }
0x18d: {  	v0 =	vld.idx.msk [tilespmem:v0+s6+$0x0], $0xffff  }
0x18e: {  	v2 =	vld [tilespmem:s2+$0x18720];
	_ =	sdelay $0x4  }
0x18f: {  	v0 =	vmul.f32 v0, v2;
	_ =	sdelay $0x1  }
0x190: {  	[tilespmem:s2+$0x18720] =	vst v0;
	v0 =	vld [tilespmem:s2+$0x19740]  }
0x191: {  	v1 =	vld.idx.msk [tilespmem:v1+s6+$0x0], $0xffff  }
0x192: {  	v2 =	vld [tilespmem:s2+$0x18730];
	_ =	sdelay $0x4  }
0x193: {  	v1 =	vmul.f32 v1, v2;
	_ =	sdelay $0x1  }
0x194: {  	[tilespmem:s2+$0x18730] =	vst v1;
	v1 =	vld [tilespmem:s2+$0x19750]  }
0x195: {  	v0 =	vld.idx.msk [tilespmem:v0+s6+$0x0], $0xffff  }
0x196: {  	v2 =	vld [tilespmem:s2+$0x18740];
	_ =	sdelay $0x4  }
0x197: {  	v0 =	vmul.f32 v0, v2;
	_ =	sdelay $0x1  }
0x198: {  	[tilespmem:s2+$0x18740] =	vst v0;
	v0 =	vld [tilespmem:s2+$0x19760]  }
0x199: {  	v1 =	vld.idx.msk [tilespmem:v1+s6+$0x0], $0xffff  }
0x19a: {  	v2 =	vld [tilespmem:s2+$0x18750];
	_ =	sdelay $0x4  }
0x19b: {  	v1 =	vmul.f32 v1, v2;
	_ =	sdelay $0x1  }
0x19c: {  	[tilespmem:s2+$0x18750] =	vst v1;
	v1 =	vld [tilespmem:s2+$0x19770]  }
0x19d: {  	v0 =	vld.idx.msk [tilespmem:v0+s6+$0x0], $0xffff  }
0x19e: {  	v2 =	vld [tilespmem:s2+$0x18760];
	_ =	sdelay $0x3  }
.Ltmp4:
0x19f: {  	(pc) =	sbr.rel @p0 .LBB2_10-.Ltmp4, $4  }
0x1a0: {  	v2 =	vmul.f32 v0, v2  }
0x1a1: {  	s15 =	sshra.s32 s14, $0x2  }
0x1a2: {  	v0 =	vld [tilespmem:s15+$0x19700];
	[tilespmem:s2+$0x18760] =	vst v2  }
0x1a3: {  	s14 =	sadd.s32 $0x200, s14;
	v1 =	vld.idx.msk [tilespmem:v1+s6+$0x0], $0xffff  }
0x1a4: {  	v2 =	vld [tilespmem:s2+$0x18770];
	_ =	sdelay $0x4  }
0x1a5: {  	v1 =	vmul.f32 v1, v2;
	_ =	sdelay $0x1  }
0x1a6: {  	v2 =	vld [tilespmem:s15+$0x19710];
	[tilespmem:s2+$0x18770] =	vst v1  }
0x1a7: {  	v0 =	vld.idx.msk [tilespmem:v0+s6+$0x0], $0xffff  }
0x1a8: {  	v1 =	vld [tilespmem:s15+$0x18700];
	_ =	sdelay $0x4  }
0x1a9: {  	v0 =	vmul.f32 v0, v1;
	_ =	sdelay $0x1  }
0x1aa: {  	v1 =	vld [tilespmem:s15+$0x18710];
	[tilespmem:s15+$0x18700] =	vst v0  }
0x1ab: {  	v0 =	vld.idx.msk [tilespmem:v2+s6+$0x0], $0xffff  }
0x1ac: {  	v2 =	vld [tilespmem:s15+$0x19720];
	_ =	sdelay $0x4  }
0x1ad: {  	v0 =	vmul.f32 v0, v1;
	_ =	sdelay $0x1  }
0x1ae: {  	[tilespmem:s15+$0x18710] =	vst v0;
	v0 =	vld [tilespmem:s15+$0x19730]  }
0x1af: {  	v1 =	vld.idx.msk [tilespmem:v2+s6+$0x0], $0xffff  }
0x1b0: {  	v2 =	vld [tilespmem:s15+$0x18720];
	_ =	sdelay $0x4  }
0x1b1: {  	v1 =	vmul.f32 v1, v2  }
0x1b2: {  	v2 =	vld [tilespmem:s15+$0x19740]  }
0x1b3: {  	[tilespmem:s15+$0x18720] =	vst v1;
	v1 =	vld [tilespmem:s15+$0x18730]  }
0x1b4: {  	v0 =	vld.idx.msk [tilespmem:v0+s6+$0x0], $0xffff;
	_ =	sdelay $0x4  }
0x1b5: {  	v0 =	vmul.f32 v0, v1;
	_ =	sdelay $0x1  }
0x1b6: {  	[tilespmem:s15+$0x18730] =	vst v0;
	v0 =	vld [tilespmem:s15+$0x19750]  }
0x1b7: {  	v1 =	vld.idx.msk [tilespmem:v2+s6+$0x0], $0xffff  }
0x1b8: {  	v2 =	vld [tilespmem:s15+$0x18740];
	_ =	sdelay $0x4  }
0x1b9: {  	v1 =	vmul.f32 v1, v2  }
0x1ba: {  	v2 =	vld [tilespmem:s15+$0x19760]  }
0x1bb: {  	[tilespmem:s15+$0x18740] =	vst v1;
	v1 =	vld [tilespmem:s15+$0x18750]  }
0x1bc: {  	v0 =	vld.idx.msk [tilespmem:v0+s6+$0x0], $0xffff;
	_ =	sdelay $0x4  }
0x1bd: {  	v0 =	vmul.f32 v0, v1;
	_ =	sdelay $0x1  }
0x1be: {  	[tilespmem:s15+$0x18750] =	vst v0;
	v0 =	vld [tilespmem:s15+$0x19770]  }
0x1bf: {  	v1 =	vld.idx.msk [tilespmem:v2+s6+$0x0], $0xffff  }
0x1c0: {  	v2 =	vld [tilespmem:s15+$0x18760];
	_ =	sdelay $0x4  }
0x1c1: {  	v1 =	vmul.f32 v1, v2;
	_ =	sdelay $0x1  }
0x1c2: {  	[tilespmem:s15+$0x18760] =	vst v1;
	v1 =	vld [tilespmem:s15+$0x18770]  }
0x1c3: {  	v0 =	vld.idx.msk [tilespmem:v0+s6+$0x0], $0xffff;
	_ =	sdelay $0x4  }
0x1c4: {  	v0 =	vmul.f32 v0, v1;
	_ =	sdelay $0x1  }
0x1c5: {  	[tilespmem:s15+$0x18770] =	vst v0  }
0x1c6: {  	[hbm4b:s10+s31] =	stream.strided.scatter [tilespmem:s0], [sflag:$0x3], $0x1000, s4, s31, $0x38;
	[tilespmem:$0x1EB00] =	vst v63  }
0x1c7: {  	_ =	swait.ge [sflag:s1], $0x1000  }
0x1c8: {  	[sflag:s1] =	ssyncset.done $0x0  }
0x1c9: {  	[sflag:s1] =	ssyncadd.s32 $0xFFFFF000  }
0x1ca: {  	_ =	swait.ge [sflag:s11], $0x4000  }
0x1cb: {  	[sflag:s11] =	ssyncset.done $0x0  }
0x1cc: {  	s15 =	simm.s32 $0x0;
	[sflag:s11] =	ssyncadd.s32 $0xFFFFC000  }
0x1cd: {  	[hbm4b:s19+s15] =	stream.linear.scatter [tilespmem:s7], [sflag:$0x3], $0x4000, $0x38;
	[tilespmem:$0x1EB00] =	vst v63  }
0x1ce: {  	_ =	swait.ge [sflag:s1], $0x4000  }
0x1cf: {  	[sflag:s1] =	ssyncset.done $0x0  }
0x1d0: {  	s14 =	simm.s32 $0x1E980;
	[sflag:s1] =	ssyncadd.s32 $0xFFFFC000  }
0x1d1: {  	[tilespmem:s7], [sflag:$0x1] =	stream.indirect.gather [hbm4b:s5+s31], $0x80, s14, s31, $0xb8;
	[tilespmem:$0x1EB00] =	vst v63  }
0x1d2: {  	_ = 	snop  }
0x1d3: {  	[tilespmem:s9], [sflag:$0x3] =	stream.linear.gather [hbm4b:s28+s15], $0x1000, $0x38;
	[tilespmem:$0x1EB00] =	vst v63  }
0x1d4: {  	_ =	swait.ge [sflag:s1], $0x1000  }
0x1d5: {  	[sflag:s1] =	ssyncset.done $0x0  }
0x1d6: {  	[sflag:s1] =	ssyncadd.s32 $0xFFFFF000  }
0x1d7: {  	[tilespmem:s0], [sflag:$0x3] =	stream.strided.gather [hbm4b:s13+s31], $0x1000, s4, s31, $0x38;
	[tilespmem:$0x1EB00] =	vst v63  }
0x1d8: {  	_ =	swait.ge [sflag:s1], $0x1000  }
0x1d9: {  	[sflag:s1] =	ssyncset.done $0x0  }
0x1da: {  	s2 =	simm.s32 $0x0;
	[sflag:s1] =	ssyncadd.s32 $0xFFFFF000  }
0x1db: {  	v0 =	vld [tilespmem:s2+$0x19700];
	_ =	sdelay $0x5  }
0x1dc: {  	v1 =	vld [tilespmem:s2+$0x19710]  }
0x1dd: {  	v2 =	vld [tilespmem:s2+$0x18700]  }
0x1de: {  	v0 =	vld.idx.msk [tilespmem:v0+s6+$0x0], $0xffff;
	_ =	sdelay $0x4  }
0x1df: {  	v0 =	vmul.f32 v0, v2;
	_ =	sdelay $0x1  }
0x1e0: {  	v2 =	vld [tilespmem:s2+$0x19720];
	[tilespmem:s2+$0x18700] =	vst v0  }
0x1e1: {  	v0 =	vld.idx.msk [tilespmem:v1+s6+$0x0], $0xffff  }
0x1e2: {  	v1 =	vld [tilespmem:s2+$0x18710];
	_ =	sdelay $0x4  }
0x1e3: {  	v0 =	vmul.f32 v0, v1;
	_ =	sdelay $0x1  }
0x1e4: {  	[tilespmem:s2+$0x18710] =	vst v0;
	v0 =	vld [tilespmem:s2+$0x19730]  }
0x1e5: {  	v1 =	vld.idx.msk [tilespmem:v2+s6+$0x0], $0xffff  }
0x1e6: {  	v2 =	vld [tilespmem:s2+$0x18720];
	_ =	sdelay $0x4  }
0x1e7: {  	v1 =	vmul.f32 v1, v2  }
0x1e8: {  	v2 =	vld [tilespmem:s2+$0x19740]  }
0x1e9: {  	[tilespmem:s2+$0x18720] =	vst v1;
	v1 =	vld [tilespmem:s2+$0x18730]  }
0x1ea: {  	v0 =	vld.idx.msk [tilespmem:v0+s6+$0x0], $0xffff;
	_ =	sdelay $0x4  }
0x1eb: {  	v0 =	vmul.f32 v0, v1;
	_ =	sdelay $0x1  }
0x1ec: {  	[tilespmem:s2+$0x18730] =	vst v0;
	v0 =	vld [tilespmem:s2+$0x19750]  }
0x1ed: {  	v1 =	vld.idx.msk [tilespmem:v2+s6+$0x0], $0xffff  }
0x1ee: {  	v2 =	vld [tilespmem:s2+$0x18740];
	_ =	sdelay $0x4  }
0x1ef: {  	v1 =	vmul.f32 v1, v2  }
0x1f0: {  	v2 =	vld [tilespmem:s2+$0x19760]  }
0x1f1: {  	[tilespmem:s2+$0x18740] =	vst v1;
	v1 =	vld [tilespmem:s2+$0x18750]  }
0x1f2: {  	v0 =	vld.idx.msk [tilespmem:v0+s6+$0x0], $0xffff;
	_ =	sdelay $0x4  }
0x1f3: {  	v0 =	vmul.f32 v0, v1;
	_ =	sdelay $0x1  }
0x1f4: {  	v1 =	vld [tilespmem:s2+$0x19770];
	[tilespmem:s2+$0x18750] =	vst v0  }
0x1f5: {  	v0 =	vld.idx.msk [tilespmem:v2+s6+$0x0], $0xffff  }
0x1f6: {  	v2 =	vld [tilespmem:s2+$0x18760];
	_ =	sdelay $0x4  }
0x1f7: {  	v2 =	vmul.f32 v0, v2  }
0x1f8: {  	s15 =	simm.s32 $0x80  }
0x1f9: {  	v0 =	vld [tilespmem:s15+$0x19700];
	[tilespmem:s2+$0x18760] =	vst v2  }
0x1fa: {  	s14 =	simm.s32 $0x400;
	v1 =	vld.idx.msk [tilespmem:v1+s6+$0x0], $0xffff  }
.LBB2_12:
0x1fb: {  	p0 =	sne.s32 s14, $0x3E00;
	v2 =	vld [tilespmem:s2+$0x18770];
	_ =	sdelay $0x4  }
0x1fc: {  	v1 =	vmul.f32 v1, v2;
	_ =	sdelay $0x1  }
0x1fd: {  	v2 =	vld [tilespmem:s15+$0x19710];
	[tilespmem:s2+$0x18770] =	vst v1;
	s2 =	smov.u32 s15  }
0x1fe: {  	v0 =	vld.idx.msk [tilespmem:v0+s6+$0x0], $0xffff  }
0x1ff: {  	v1 =	vld [tilespmem:s2+$0x18700];
	_ =	sdelay $0x4  }
0x200: {  	v0 =	vmul.f32 v0, v1;
	_ =	sdelay $0x1  }
0x201: {  	[tilespmem:s2+$0x18700] =	vst v0;
	v0 =	vld [tilespmem:s2+$0x19720]  }
0x202: {  	v1 =	vld.idx.msk [tilespmem:v2+s6+$0x0], $0xffff  }
0x203: {  	v2 =	vld [tilespmem:s2+$0x18710];
	_ =	sdelay $0x4  }
0x204: {  	v1 =	vmul.f32 v1, v2;
	_ =	sdelay $0x1  }
0x205: {  	[tilespmem:s2+$0x18710] =	vst v1;
	v1 =	vld [tilespmem:s2+$0x19730]  }
0x206: {  	v0 =	vld.idx.msk [tilespmem:v0+s6+$0x0], $0xffff  }
0x207: {  	v2 =	vld [tilespmem:s2+$0x18720];
	_ =	sdelay $0x4  }
0x208: {  	v0 =	vmul.f32 v0, v2;
	_ =	sdelay $0x1  }
0x209: {  	[tilespmem:s2+$0x18720] =	vst v0;
	v0 =	vld [tilespmem:s2+$0x19740]  }
0x20a: {  	v1 =	vld.idx.msk [tilespmem:v1+s6+$0x0], $0xffff  }
0x20b: {  	v2 =	vld [tilespmem:s2+$0x18730];
	_ =	sdelay $0x4  }
0x20c: {  	v1 =	vmul.f32 v1, v2;
	_ =	sdelay $0x1  }
0x20d: {  	[tilespmem:s2+$0x18730] =	vst v1;
	v1 =	vld [tilespmem:s2+$0x19750]  }
0x20e: {  	v0 =	vld.idx.msk [tilespmem:v0+s6+$0x0], $0xffff  }
0x20f: {  	v2 =	vld [tilespmem:s2+$0x18740];
	_ =	sdelay $0x4  }
0x210: {  	v0 =	vmul.f32 v0, v2;
	_ =	sdelay $0x1  }
0x211: {  	[tilespmem:s2+$0x18740] =	vst v0;
	v0 =	vld [tilespmem:s2+$0x19760]  }
0x212: {  	v1 =	vld.idx.msk [tilespmem:v1+s6+$0x0], $0xffff  }
0x213: {  	v2 =	vld [tilespmem:s2+$0x18750];
	_ =	sdelay $0x4  }
0x214: {  	v1 =	vmul.f32 v1, v2;
	_ =	sdelay $0x1  }
0x215: {  	[tilespmem:s2+$0x18750] =	vst v1;
	v1 =	vld [tilespmem:s2+$0x19770]  }
0x216: {  	v0 =	vld.idx.msk [tilespmem:v0+s6+$0x0], $0xffff  }
0x217: {  	v2 =	vld [tilespmem:s2+$0x18760];
	_ =	sdelay $0x3  }
.Ltmp5:
0x218: {  	(pc) =	sbr.rel @p0 .LBB2_12-.Ltmp5, $4  }
0x219: {  	v2 =	vmul.f32 v0, v2  }
0x21a: {  	s15 =	sshra.s32 s14, $0x2  }
0x21b: {  	v0 =	vld [tilespmem:s15+$0x19700];
	[tilespmem:s2+$0x18760] =	vst v2  }
0x21c: {  	s14 =	sadd.s32 $0x200, s14;
	v1 =	vld.idx.msk [tilespmem:v1+s6+$0x0], $0xffff  }
0x21d: {  	v2 =	vld [tilespmem:s2+$0x18770];
	_ =	sdelay $0x4  }
0x21e: {  	v1 =	vmul.f32 v1, v2;
	_ =	sdelay $0x1  }
0x21f: {  	v2 =	vld [tilespmem:s15+$0x19710];
	[tilespmem:s2+$0x18770] =	vst v1  }
0x220: {  	v0 =	vld.idx.msk [tilespmem:v0+s6+$0x0], $0xffff  }
0x221: {  	v1 =	vld [tilespmem:s15+$0x18700];
	_ =	sdelay $0x4  }
0x222: {  	v0 =	vmul.f32 v0, v1;
	_ =	sdelay $0x1  }
0x223: {  	v1 =	vld [tilespmem:s15+$0x18710];
	[tilespmem:s15+$0x18700] =	vst v0  }
0x224: {  	v0 =	vld.idx.msk [tilespmem:v2+s6+$0x0], $0xffff  }
0x225: {  	v2 =	vld [tilespmem:s15+$0x19720];
	_ =	sdelay $0x4  }
0x226: {  	v0 =	vmul.f32 v0, v1;
	_ =	sdelay $0x1  }
0x227: {  	[tilespmem:s15+$0x18710] =	vst v0;
	v0 =	vld [tilespmem:s15+$0x19730]  }
0x228: {  	v1 =	vld.idx.msk [tilespmem:v2+s6+$0x0], $0xffff  }
0x229: {  	v2 =	vld [tilespmem:s15+$0x18720];
	_ =	sdelay $0x4  }
0x22a: {  	v1 =	vmul.f32 v1, v2  }
0x22b: {  	v2 =	vld [tilespmem:s15+$0x19740]  }
0x22c: {  	[tilespmem:s15+$0x18720] =	vst v1;
	v1 =	vld [tilespmem:s15+$0x18730]  }
0x22d: {  	v0 =	vld.idx.msk [tilespmem:v0+s6+$0x0], $0xffff;
	_ =	sdelay $0x4  }
0x22e: {  	v0 =	vmul.f32 v0, v1;
	_ =	sdelay $0x1  }
0x22f: {  	[tilespmem:s15+$0x18730] =	vst v0;
	v0 =	vld [tilespmem:s15+$0x19750]  }
0x230: {  	v1 =	vld.idx.msk [tilespmem:v2+s6+$0x0], $0xffff  }
0x231: {  	v2 =	vld [tilespmem:s15+$0x18740];
	_ =	sdelay $0x4  }
0x232: {  	v1 =	vmul.f32 v1, v2  }
0x233: {  	v2 =	vld [tilespmem:s15+$0x19760]  }
0x234: {  	[tilespmem:s15+$0x18740] =	vst v1;
	v1 =	vld [tilespmem:s15+$0x18750]  }
0x235: {  	v0 =	vld.idx.msk [tilespmem:v0+s6+$0x0], $0xffff;
	_ =	sdelay $0x4  }
0x236: {  	v0 =	vmul.f32 v0, v1;
	_ =	sdelay $0x1  }
0x237: {  	[tilespmem:s15+$0x18750] =	vst v0;
	v0 =	vld [tilespmem:s15+$0x19770]  }
0x238: {  	v1 =	vld.idx.msk [tilespmem:v2+s6+$0x0], $0xffff  }
0x239: {  	v2 =	vld [tilespmem:s15+$0x18760];
	_ =	sdelay $0x4  }
0x23a: {  	v1 =	vmul.f32 v1, v2;
	_ =	sdelay $0x1  }
0x23b: {  	[tilespmem:s15+$0x18760] =	vst v1;
	v1 =	vld [tilespmem:s15+$0x18770]  }
0x23c: {  	v0 =	vld.idx.msk [tilespmem:v0+s6+$0x0], $0xffff;
	_ =	sdelay $0x4  }
0x23d: {  	v0 =	vmul.f32 v0, v1;
	_ =	sdelay $0x1  }
0x23e: {  	[tilespmem:s15+$0x18770] =	vst v0  }
0x23f: {  	[hbm4b:s13+s31] =	stream.strided.scatter [tilespmem:s0], [sflag:$0x3], $0x1000, s4, s31, $0x38;
	[tilespmem:$0x1EB00] =	vst v63  }
0x240: {  	_ =	swait.ge [sflag:s1], $0x1000  }
0x241: {  	[sflag:s1] =	ssyncset.done $0x0  }
0x242: {  	[sflag:s1] =	ssyncadd.s32 $0xFFFFF000  }
0x243: {  	_ =	swait.ge [sflag:s11], $0x4000  }
0x244: {  	[sflag:s11] =	ssyncset.done $0x0  }
0x245: {  	s15 =	simm.s32 $0x0;
	[sflag:s11] =	ssyncadd.s32 $0xFFFFC000  }
0x246: {  	[hbm4b:s20+s15] =	stream.linear.scatter [tilespmem:s7], [sflag:$0x3], $0x4000, $0x38;
	[tilespmem:$0x1EB00] =	vst v63  }
0x247: {  	_ =	swait.ge [sflag:s1], $0x4000  }
0x248: {  	[sflag:s1] =	ssyncset.done $0x0  }
0x249: {  	s14 =	simm.s32 $0x1EA00;
	[sflag:s1] =	ssyncadd.s32 $0xFFFFC000  }
0x24a: {  	[tilespmem:s7], [sflag:$0x1] =	stream.indirect.gather [hbm4b:s5+s31], $0x80, s14, s31, $0xb8;
	[tilespmem:$0x1EB00] =	vst v63  }
0x24b: {  	_ = 	snop  }
0x24c: {  	[tilespmem:s9], [sflag:$0x3] =	stream.linear.gather [hbm4b:s29+s15], $0x1000, $0x38;
	[tilespmem:$0x1EB00] =	vst v63  }
0x24d: {  	_ =	swait.ge [sflag:s1], $0x1000  }
0x24e: {  	[sflag:s1] =	ssyncset.done $0x0  }
0x24f: {  	[sflag:s1] =	ssyncadd.s32 $0xFFFFF000  }
0x250: {  	[tilespmem:s0], [sflag:$0x3] =	stream.strided.gather [hbm4b:s23+s31], $0x1000, s4, s31, $0x38;
	[tilespmem:$0x1EB00] =	vst v63  }
0x251: {  	_ =	swait.ge [sflag:s1], $0x1000  }
0x252: {  	[sflag:s1] =	ssyncset.done $0x0  }
0x253: {  	s2 =	simm.s32 $0x0;
	[sflag:s1] =	ssyncadd.s32 $0xFFFFF000  }
0x254: {  	v0 =	vld [tilespmem:s2+$0x19700];
	_ =	sdelay $0x5  }
0x255: {  	v1 =	vld [tilespmem:s2+$0x19710]  }
0x256: {  	v2 =	vld [tilespmem:s2+$0x18700]  }
0x257: {  	v0 =	vld.idx.msk [tilespmem:v0+s6+$0x0], $0xffff;
	_ =	sdelay $0x4  }
0x258: {  	v0 =	vmul.f32 v0, v2;
	_ =	sdelay $0x1  }
0x259: {  	v2 =	vld [tilespmem:s2+$0x19720];
	[tilespmem:s2+$0x18700] =	vst v0  }
0x25a: {  	v0 =	vld.idx.msk [tilespmem:v1+s6+$0x0], $0xffff  }
0x25b: {  	v1 =	vld [tilespmem:s2+$0x18710];
	_ =	sdelay $0x4  }
0x25c: {  	v0 =	vmul.f32 v0, v1;
	_ =	sdelay $0x1  }
0x25d: {  	[tilespmem:s2+$0x18710] =	vst v0;
	v0 =	vld [tilespmem:s2+$0x19730]  }
0x25e: {  	v1 =	vld.idx.msk [tilespmem:v2+s6+$0x0], $0xffff  }
0x25f: {  	v2 =	vld [tilespmem:s2+$0x18720];
	_ =	sdelay $0x4  }
0x260: {  	v1 =	vmul.f32 v1, v2  }
0x261: {  	v2 =	vld [tilespmem:s2+$0x19740]  }
0x262: {  	[tilespmem:s2+$0x18720] =	vst v1;
	v1 =	vld [tilespmem:s2+$0x18730]  }
0x263: {  	v0 =	vld.idx.msk [tilespmem:v0+s6+$0x0], $0xffff;
	_ =	sdelay $0x4  }
0x264: {  	v0 =	vmul.f32 v0, v1;
	_ =	sdelay $0x1  }
0x265: {  	[tilespmem:s2+$0x18730] =	vst v0;
	v0 =	vld [tilespmem:s2+$0x19750]  }
0x266: {  	v1 =	vld.idx.msk [tilespmem:v2+s6+$0x0], $0xffff  }
0x267: {  	v2 =	vld [tilespmem:s2+$0x18740];
	_ =	sdelay $0x4  }
0x268: {  	v1 =	vmul.f32 v1, v2  }
0x269: {  	v2 =	vld [tilespmem:s2+$0x19760]  }
0x26a: {  	[tilespmem:s2+$0x18740] =	vst v1;
	v1 =	vld [tilespmem:s2+$0x18750]  }
0x26b: {  	v0 =	vld.idx.msk [tilespmem:v0+s6+$0x0], $0xffff;
	_ =	sdelay $0x4  }
0x26c: {  	v0 =	vmul.f32 v0, v1;
	_ =	sdelay $0x1  }
0x26d: {  	v1 =	vld [tilespmem:s2+$0x19770];
	[tilespmem:s2+$0x18750] =	vst v0  }
0x26e: {  	v0 =	vld.idx.msk [tilespmem:v2+s6+$0x0], $0xffff  }
0x26f: {  	v2 =	vld [tilespmem:s2+$0x18760];
	_ =	sdelay $0x4  }
0x270: {  	v2 =	vmul.f32 v0, v2  }
0x271: {  	s15 =	simm.s32 $0x80  }
0x272: {  	v0 =	vld [tilespmem:s15+$0x19700];
	[tilespmem:s2+$0x18760] =	vst v2  }
0x273: {  	s14 =	simm.s32 $0x400;
	v1 =	vld.idx.msk [tilespmem:v1+s6+$0x0], $0xffff  }
.LBB2_14:
0x274: {  	p0 =	sne.s32 s14, $0x3E00;
	v2 =	vld [tilespmem:s2+$0x18770];
	_ =	sdelay $0x4  }
0x275: {  	v1 =	vmul.f32 v1, v2;
	_ =	sdelay $0x1  }
0x276: {  	v2 =	vld [tilespmem:s15+$0x19710];
	[tilespmem:s2+$0x18770] =	vst v1;
	s2 =	smov.u32 s15  }
0x277: {  	v0 =	vld.idx.msk [tilespmem:v0+s6+$0x0], $0xffff  }
0x278: {  	v1 =	vld [tilespmem:s2+$0x18700];
	_ =	sdelay $0x4  }
0x279: {  	v0 =	vmul.f32 v0, v1;
	_ =	sdelay $0x1  }
0x27a: {  	[tilespmem:s2+$0x18700] =	vst v0;
	v0 =	vld [tilespmem:s2+$0x19720]  }
0x27b: {  	v1 =	vld.idx.msk [tilespmem:v2+s6+$0x0], $0xffff  }
0x27c: {  	v2 =	vld [tilespmem:s2+$0x18710];
	_ =	sdelay $0x4  }
0x27d: {  	v1 =	vmul.f32 v1, v2;
	_ =	sdelay $0x1  }
0x27e: {  	[tilespmem:s2+$0x18710] =	vst v1;
	v1 =	vld [tilespmem:s2+$0x19730]  }
0x27f: {  	v0 =	vld.idx.msk [tilespmem:v0+s6+$0x0], $0xffff  }
0x280: {  	v2 =	vld [tilespmem:s2+$0x18720];
	_ =	sdelay $0x4  }
0x281: {  	v0 =	vmul.f32 v0, v2;
	_ =	sdelay $0x1  }
0x282: {  	[tilespmem:s2+$0x18720] =	vst v0;
	v0 =	vld [tilespmem:s2+$0x19740]  }
0x283: {  	v1 =	vld.idx.msk [tilespmem:v1+s6+$0x0], $0xffff  }
0x284: {  	v2 =	vld [tilespmem:s2+$0x18730];
	_ =	sdelay $0x4  }
0x285: {  	v1 =	vmul.f32 v1, v2;
	_ =	sdelay $0x1  }
0x286: {  	[tilespmem:s2+$0x18730] =	vst v1;
	v1 =	vld [tilespmem:s2+$0x19750]  }
0x287: {  	v0 =	vld.idx.msk [tilespmem:v0+s6+$0x0], $0xffff  }
0x288: {  	v2 =	vld [tilespmem:s2+$0x18740];
	_ =	sdelay $0x4  }
0x289: {  	v0 =	vmul.f32 v0, v2;
	_ =	sdelay $0x1  }
0x28a: {  	[tilespmem:s2+$0x18740] =	vst v0;
	v0 =	vld [tilespmem:s2+$0x19760]  }
0x28b: {  	v1 =	vld.idx.msk [tilespmem:v1+s6+$0x0], $0xffff  }
0x28c: {  	v2 =	vld [tilespmem:s2+$0x18750];
	_ =	sdelay $0x4  }
0x28d: {  	v1 =	vmul.f32 v1, v2;
	_ =	sdelay $0x1  }
0x28e: {  	[tilespmem:s2+$0x18750] =	vst v1;
	v1 =	vld [tilespmem:s2+$0x19770]  }
0x28f: {  	v0 =	vld.idx.msk [tilespmem:v0+s6+$0x0], $0xffff  }
0x290: {  	v2 =	vld [tilespmem:s2+$0x18760];
	_ =	sdelay $0x3  }
.Ltmp6:
0x291: {  	(pc) =	sbr.rel @p0 .LBB2_14-.Ltmp6, $4  }
0x292: {  	v2 =	vmul.f32 v0, v2  }
0x293: {  	s15 =	sshra.s32 s14, $0x2  }
0x294: {  	v0 =	vld [tilespmem:s15+$0x19700];
	[tilespmem:s2+$0x18760] =	vst v2  }
0x295: {  	s14 =	sadd.s32 $0x200, s14;
	v1 =	vld.idx.msk [tilespmem:v1+s6+$0x0], $0xffff  }
0x296: {  	v2 =	vld [tilespmem:s2+$0x18770];
	_ =	sdelay $0x4  }
0x297: {  	v1 =	vmul.f32 v1, v2;
	_ =	sdelay $0x1  }
0x298: {  	v2 =	vld [tilespmem:s15+$0x19710];
	[tilespmem:s2+$0x18770] =	vst v1  }
0x299: {  	v0 =	vld.idx.msk [tilespmem:v0+s6+$0x0], $0xffff  }
0x29a: {  	v1 =	vld [tilespmem:s15+$0x18700];
	_ =	sdelay $0x4  }
0x29b: {  	v0 =	vmul.f32 v0, v1;
	_ =	sdelay $0x1  }
0x29c: {  	v1 =	vld [tilespmem:s15+$0x18710];
	[tilespmem:s15+$0x18700] =	vst v0  }
0x29d: {  	v0 =	vld.idx.msk [tilespmem:v2+s6+$0x0], $0xffff  }
0x29e: {  	v2 =	vld [tilespmem:s15+$0x19720];
	_ =	sdelay $0x4  }
0x29f: {  	v0 =	vmul.f32 v0, v1;
	_ =	sdelay $0x1  }
0x2a0: {  	[tilespmem:s15+$0x18710] =	vst v0;
	v0 =	vld [tilespmem:s15+$0x19730]  }
0x2a1: {  	v1 =	vld.idx.msk [tilespmem:v2+s6+$0x0], $0xffff  }
0x2a2: {  	v2 =	vld [tilespmem:s15+$0x18720];
	_ =	sdelay $0x4  }
0x2a3: {  	v1 =	vmul.f32 v1, v2  }
0x2a4: {  	v2 =	vld [tilespmem:s15+$0x19740]  }
0x2a5: {  	[tilespmem:s15+$0x18720] =	vst v1;
	v1 =	vld [tilespmem:s15+$0x18730]  }
0x2a6: {  	v0 =	vld.idx.msk [tilespmem:v0+s6+$0x0], $0xffff;
	_ =	sdelay $0x4  }
0x2a7: {  	v0 =	vmul.f32 v0, v1;
	_ =	sdelay $0x1  }
0x2a8: {  	[tilespmem:s15+$0x18730] =	vst v0;
	v0 =	vld [tilespmem:s15+$0x19750]  }
0x2a9: {  	v1 =	vld.idx.msk [tilespmem:v2+s6+$0x0], $0xffff  }
0x2aa: {  	v2 =	vld [tilespmem:s15+$0x18740];
	_ =	sdelay $0x4  }
0x2ab: {  	v1 =	vmul.f32 v1, v2  }
0x2ac: {  	v2 =	vld [tilespmem:s15+$0x19760]  }
0x2ad: {  	[tilespmem:s15+$0x18740] =	vst v1;
	v1 =	vld [tilespmem:s15+$0x18750]  }
0x2ae: {  	v0 =	vld.idx.msk [tilespmem:v0+s6+$0x0], $0xffff;
	_ =	sdelay $0x4  }
0x2af: {  	v0 =	vmul.f32 v0, v1;
	_ =	sdelay $0x1  }
0x2b0: {  	[tilespmem:s15+$0x18750] =	vst v0;
	v0 =	vld [tilespmem:s15+$0x19770]  }
0x2b1: {  	v1 =	vld.idx.msk [tilespmem:v2+s6+$0x0], $0xffff  }
0x2b2: {  	v2 =	vld [tilespmem:s15+$0x18760];
	_ =	sdelay $0x4  }
0x2b3: {  	v1 =	vmul.f32 v1, v2;
	_ =	sdelay $0x1  }
0x2b4: {  	[tilespmem:s15+$0x18760] =	vst v1;
	v1 =	vld [tilespmem:s15+$0x18770]  }
0x2b5: {  	v0 =	vld.idx.msk [tilespmem:v0+s6+$0x0], $0xffff;
	_ =	sdelay $0x4  }
0x2b6: {  	v0 =	vmul.f32 v0, v1;
	_ =	sdelay $0x1  }
0x2b7: {  	[tilespmem:s15+$0x18770] =	vst v0  }
0x2b8: {  	[hbm4b:s23+s31] =	stream.strided.scatter [tilespmem:s0], [sflag:$0x3], $0x1000, s4, s31, $0x38;
	[tilespmem:$0x1EB00] =	vst v63  }
0x2b9: {  	_ =	swait.ge [sflag:s1], $0x1000  }
0x2ba: {  	[sflag:s1] =	ssyncset.done $0x0  }
0x2bb: {  	[sflag:s1] =	ssyncadd.s32 $0xFFFFF000  }
0x2bc: {  	_ =	swait.ge [sflag:s11], $0x4000  }
0x2bd: {  	[sflag:s11] =	ssyncset.done $0x0  }
0x2be: {  	s15 =	simm.s32 $0x0;
	[sflag:s11] =	ssyncadd.s32 $0xFFFFC000  }
0x2bf: {  	[hbm4b:s21+s15] =	stream.linear.scatter [tilespmem:s7], [sflag:$0x3], $0x4000, $0x38;
	[tilespmem:$0x1EB00] =	vst v63  }
0x2c0: {  	_ =	swait.ge [sflag:s1], $0x4000  }
0x2c1: {  	[sflag:s1] =	ssyncset.done $0x0  }
0x2c2: {  	s14 =	simm.s32 $0x1EA80;
	[sflag:s1] =	ssyncadd.s32 $0xFFFFC000  }
0x2c3: {  	[tilespmem:s7], [sflag:$0x1] =	stream.indirect.gather [hbm4b:s5+s31], $0x80, s14, s31, $0xb8;
	[tilespmem:$0x1EB00] =	vst v63  }
0x2c4: {  	_ = 	snop  }
0x2c5: {  	[tilespmem:s9], [sflag:$0x3] =	stream.linear.gather [hbm4b:s30+s15], $0x1000, $0x38;
	[tilespmem:$0x1EB00] =	vst v63  }
0x2c6: {  	_ =	swait.ge [sflag:s1], $0x1000  }
0x2c7: {  	[sflag:s1] =	ssyncset.done $0x0  }
0x2c8: {  	[sflag:s1] =	ssyncadd.s32 $0xFFFFF000  }
0x2c9: {  	[tilespmem:s0], [sflag:$0x3] =	stream.strided.gather [hbm4b:s24+s31], $0x1000, s4, s31, $0x38;
	[tilespmem:$0x1EB00] =	vst v63  }
0x2ca: {  	_ =	swait.ge [sflag:s1], $0x1000  }
0x2cb: {  	[sflag:s1] =	ssyncset.done $0x0  }
0x2cc: {  	s2 =	simm.s32 $0x0;
	[sflag:s1] =	ssyncadd.s32 $0xFFFFF000  }
0x2cd: {  	v0 =	vld [tilespmem:s2+$0x19700];
	_ =	sdelay $0x5  }
0x2ce: {  	v1 =	vld [tilespmem:s2+$0x19710]  }
0x2cf: {  	v2 =	vld [tilespmem:s2+$0x18700]  }
0x2d0: {  	v0 =	vld.idx.msk [tilespmem:v0+s6+$0x0], $0xffff;
	_ =	sdelay $0x4  }
0x2d1: {  	v0 =	vmul.f32 v0, v2;
	_ =	sdelay $0x1  }
0x2d2: {  	v2 =	vld [tilespmem:s2+$0x19720];
	[tilespmem:s2+$0x18700] =	vst v0  }
0x2d3: {  	v0 =	vld.idx.msk [tilespmem:v1+s6+$0x0], $0xffff  }
0x2d4: {  	v1 =	vld [tilespmem:s2+$0x18710];
	_ =	sdelay $0x4  }
0x2d5: {  	v0 =	vmul.f32 v0, v1;
	_ =	sdelay $0x1  }
0x2d6: {  	[tilespmem:s2+$0x18710] =	vst v0;
	v0 =	vld [tilespmem:s2+$0x19730]  }
0x2d7: {  	v1 =	vld.idx.msk [tilespmem:v2+s6+$0x0], $0xffff  }
0x2d8: {  	v2 =	vld [tilespmem:s2+$0x18720];
	_ =	sdelay $0x4  }
0x2d9: {  	v1 =	vmul.f32 v1, v2  }
0x2da: {  	v2 =	vld [tilespmem:s2+$0x19740]  }
0x2db: {  	[tilespmem:s2+$0x18720] =	vst v1;
	v1 =	vld [tilespmem:s2+$0x18730]  }
0x2dc: {  	v0 =	vld.idx.msk [tilespmem:v0+s6+$0x0], $0xffff;
	_ =	sdelay $0x4  }
0x2dd: {  	v0 =	vmul.f32 v0, v1;
	_ =	sdelay $0x1  }
0x2de: {  	[tilespmem:s2+$0x18730] =	vst v0;
	v0 =	vld [tilespmem:s2+$0x19750]  }
0x2df: {  	v1 =	vld.idx.msk [tilespmem:v2+s6+$0x0], $0xffff  }
0x2e0: {  	v2 =	vld [tilespmem:s2+$0x18740];
	_ =	sdelay $0x4  }
0x2e1: {  	v1 =	vmul.f32 v1, v2  }
0x2e2: {  	v2 =	vld [tilespmem:s2+$0x19760]  }
0x2e3: {  	[tilespmem:s2+$0x18740] =	vst v1;
	v1 =	vld [tilespmem:s2+$0x18750]  }
0x2e4: {  	v0 =	vld.idx.msk [tilespmem:v0+s6+$0x0], $0xffff;
	_ =	sdelay $0x4  }
0x2e5: {  	v0 =	vmul.f32 v0, v1;
	_ =	sdelay $0x1  }
0x2e6: {  	v1 =	vld [tilespmem:s2+$0x19770];
	[tilespmem:s2+$0x18750] =	vst v0  }
0x2e7: {  	v0 =	vld.idx.msk [tilespmem:v2+s6+$0x0], $0xffff  }
0x2e8: {  	v2 =	vld [tilespmem:s2+$0x18760];
	_ =	sdelay $0x4  }
0x2e9: {  	v2 =	vmul.f32 v0, v2  }
0x2ea: {  	s15 =	simm.s32 $0x80  }
0x2eb: {  	v0 =	vld [tilespmem:s15+$0x19700];
	[tilespmem:s2+$0x18760] =	vst v2  }
0x2ec: {  	s14 =	simm.s32 $0x400;
	v1 =	vld.idx.msk [tilespmem:v1+s6+$0x0], $0xffff  }
.LBB2_16:
0x2ed: {  	p0 =	sne.s32 s14, $0x3E00;
	v2 =	vld [tilespmem:s2+$0x18770];
	_ =	sdelay $0x4  }
0x2ee: {  	v1 =	vmul.f32 v1, v2;
	_ =	sdelay $0x1  }
0x2ef: {  	v2 =	vld [tilespmem:s15+$0x19710];
	[tilespmem:s2+$0x18770] =	vst v1;
	s2 =	smov.u32 s15  }
0x2f0: {  	v0 =	vld.idx.msk [tilespmem:v0+s6+$0x0], $0xffff  }
0x2f1: {  	v1 =	vld [tilespmem:s2+$0x18700];
	_ =	sdelay $0x4  }
0x2f2: {  	v0 =	vmul.f32 v0, v1;
	_ =	sdelay $0x1  }
0x2f3: {  	[tilespmem:s2+$0x18700] =	vst v0;
	v0 =	vld [tilespmem:s2+$0x19720]  }
0x2f4: {  	v1 =	vld.idx.msk [tilespmem:v2+s6+$0x0], $0xffff  }
0x2f5: {  	v2 =	vld [tilespmem:s2+$0x18710];
	_ =	sdelay $0x4  }
0x2f6: {  	v1 =	vmul.f32 v1, v2;
	_ =	sdelay $0x1  }
0x2f7: {  	[tilespmem:s2+$0x18710] =	vst v1;
	v1 =	vld [tilespmem:s2+$0x19730]  }
0x2f8: {  	v0 =	vld.idx.msk [tilespmem:v0+s6+$0x0], $0xffff  }
0x2f9: {  	v2 =	vld [tilespmem:s2+$0x18720];
	_ =	sdelay $0x4  }
0x2fa: {  	v0 =	vmul.f32 v0, v2;
	_ =	sdelay $0x1  }
0x2fb: {  	[tilespmem:s2+$0x18720] =	vst v0;
	v0 =	vld [tilespmem:s2+$0x19740]  }
0x2fc: {  	v1 =	vld.idx.msk [tilespmem:v1+s6+$0x0], $0xffff  }
0x2fd: {  	v2 =	vld [tilespmem:s2+$0x18730];
	_ =	sdelay $0x4  }
0x2fe: {  	v1 =	vmul.f32 v1, v2;
	_ =	sdelay $0x1  }
0x2ff: {  	[tilespmem:s2+$0x18730] =	vst v1;
	v1 =	vld [tilespmem:s2+$0x19750]  }
0x300: {  	v0 =	vld.idx.msk [tilespmem:v0+s6+$0x0], $0xffff  }
0x301: {  	v2 =	vld [tilespmem:s2+$0x18740];
	_ =	sdelay $0x4  }
0x302: {  	v0 =	vmul.f32 v0, v2;
	_ =	sdelay $0x1  }
0x303: {  	[tilespmem:s2+$0x18740] =	vst v0;
	v0 =	vld [tilespmem:s2+$0x19760]  }
0x304: {  	v1 =	vld.idx.msk [tilespmem:v1+s6+$0x0], $0xffff  }
0x305: {  	v2 =	vld [tilespmem:s2+$0x18750];
	_ =	sdelay $0x4  }
0x306: {  	v1 =	vmul.f32 v1, v2;
	_ =	sdelay $0x1  }
0x307: {  	[tilespmem:s2+$0x18750] =	vst v1;
	v1 =	vld [tilespmem:s2+$0x19770]  }
0x308: {  	v0 =	vld.idx.msk [tilespmem:v0+s6+$0x0], $0xffff  }
0x309: {  	v2 =	vld [tilespmem:s2+$0x18760];
	_ =	sdelay $0x3  }
.Ltmp7:
0x30a: {  	(pc) =	sbr.rel @p0 .LBB2_16-.Ltmp7, $4  }
0x30b: {  	v2 =	vmul.f32 v0, v2  }
0x30c: {  	s15 =	sshra.s32 s14, $0x2  }
0x30d: {  	v0 =	vld [tilespmem:s15+$0x19700];
	[tilespmem:s2+$0x18760] =	vst v2  }
0x30e: {  	s14 =	sadd.s32 $0x200, s14;
	v1 =	vld.idx.msk [tilespmem:v1+s6+$0x0], $0xffff  }
0x30f: {  	v2 =	vld [tilespmem:s2+$0x18770];
	_ =	sdelay $0x4  }
0x310: {  	v1 =	vmul.f32 v1, v2;
	_ =	sdelay $0x1  }
0x311: {  	v47 =	vld [tilespmem:s15+$0x19710];
	[tilespmem:s2+$0x18770] =	vst v1  }
0x312: {  	v0 =	vld.idx.msk [tilespmem:v0+s6+$0x0], $0xffff  }
0x313: {  	v1 =	vld [tilespmem:s15+$0x18700];
	_ =	sdelay $0x4  }
0x314: {  	v0 =	vmul.f32 v0, v1  }
0x315: {  	v48 =	vld [tilespmem:s15+$0x18710]  }
0x316: {  	v49 =	vld [tilespmem:s15+$0x19720];
	[tilespmem:s15+$0x18700] =	vst v0  }
0x317: {  	v0 =	vld.idx.msk [tilespmem:v47+s6+$0x0], $0xffff;
	_ =	sdelay $0x4  }
0x318: {  	v0 =	vmul.f32 v0, v48  }
0x319: {  	v50 =	vld [tilespmem:s15+$0x19730]  }
0x31a: {  	v52 =	vld [tilespmem:s15+$0x18720];
	[tilespmem:s15+$0x18710] =	vst v0  }
0x31b: {  	v51 =	vld.idx.msk [tilespmem:v49+s6+$0x0], $0xffff;
	_ =	sdelay $0x4  }
0x31c: {  	v1 =	vmul.f32 v51, v52  }
0x31d: {  	v53 =	vld [tilespmem:s15+$0x18730]  }
0x31e: {  	v54 =	vld [tilespmem:s15+$0x19740];
	[tilespmem:s15+$0x18720] =	vst v1  }
0x31f: {  	v0 =	vld.idx.msk [tilespmem:v50+s6+$0x0], $0xffff;
	_ =	sdelay $0x4  }
0x320: {  	v0 =	vmul.f32 v0, v53  }
0x321: {  	v55 =	vld [tilespmem:s15+$0x19750]  }
0x322: {  	v57 =	vld [tilespmem:s15+$0x18740];
	[tilespmem:s15+$0x18730] =	vst v0  }
0x323: {  	v56 =	vld.idx.msk [tilespmem:v54+s6+$0x0], $0xffff;
	_ =	sdelay $0x4  }
0x324: {  	v1 =	vmul.f32 v56, v57  }
0x325: {  	v58 =	vld [tilespmem:s15+$0x18750]  }
0x326: {  	v59 =	vld [tilespmem:s15+$0x19760];
	[tilespmem:s15+$0x18740] =	vst v1  }
0x327: {  	v0 =	vld.idx.msk [tilespmem:v55+s6+$0x0], $0xffff;
	_ =	sdelay $0x4  }
0x328: {  	v0 =	vmul.f32 v0, v58  }
0x329: {  	v60 =	vld [tilespmem:s15+$0x19770]  }
0x32a: {  	v62 =	vld [tilespmem:s15+$0x18760];
	[tilespmem:s15+$0x18750] =	vst v0  }
0x32b: {  	v61 =	vld.idx.msk [tilespmem:v59+s6+$0x0], $0xffff;
	_ =	sdelay $0x4  }
0x32c: {  	v1 =	vmul.f32 v61, v62;
	_ =	sdelay $0x1  }
0x32d: {  	v63 =	vld [tilespmem:s15+$0x18770];
	[tilespmem:s15+$0x18760] =	vst v1  }
0x32e: {  	v0 =	vld.idx.msk [tilespmem:v60+s6+$0x0], $0xffff;
	_ =	sdelay $0x4  }
0x32f: {  	v0 =	vmul.f32 v0, v63;
	_ =	sdelay $0x1  }
0x330: {  	[tilespmem:s15+$0x18770] =	vst v0  }
0x331: {  	[hbm4b:s24+s31] =	stream.strided.scatter [tilespmem:s0], [sflag:$0x3], $0x1000, s4, s31, $0x38;
	[tilespmem:$0x1EB00] =	vst v63  }
0x332: {  	_ =	swait.ge [sflag:s1], $0x1000  }
0x333: {  	[sflag:s1] =	ssyncset.done $0x0  }
0x334: {  	[sflag:s1] =	ssyncadd.s32 $0xFFFFF000  }
0x335: {  	s12 =	sadd.s32 $0x1, s12;
	_ =	swait.ge [sflag:s11], $0x4000  }
0x336: {  	p0 =	sne.s32 s12, s25;
	[sflag:s11] =	ssyncset.done $0x0  }
.Ltmp8:
0x337: {  	[sflag:s11] =	ssyncadd.s32 $0xFFFFC000;
	(pc) =	sbr.rel @p0 .LBB2_1-.Ltmp8, $4  }
0x338: {  	[hbm4b:s22+s6] =	stream.linear.scatter [tilespmem:s7], [sflag:$0x3], $0x4000, $0x38;
	[tilespmem:$0x1EB00] =	vst v63  }
0x339: {  	_ =	swait.ge [sflag:s1], $0x4000  }
0x33a: {  	[sflag:s1] =	ssyncset.done $0x0  }
0x33b: {  	[sflag:s1] =	ssyncadd.s32 $0xFFFFC000  }
0x33c: {  	_ =	sfence.sel $0x180000  }
0x33d: {  	[bflag:$0x0] =	sbarrier.arrive $0xFFFF  }
0x33e: {  	_ =	strace $0x90000047  }
0x33f: {  	s0 =	stileid.u32;
	[bflag:$0x2] =	sbarrier.arrive $0xFFFF  }
0x340: {  	p0 =	sne.s32 s0, $0x0;
	s0 =	rddreg [dreg:$0x7]  }
0x341: {  	s0 =	sadd.s32 @!p0 $0x100000, s0  }
0x342: {  	[sflag:s0] =	ssyncadd.tile.s32 @!p0 $0x1;
	_ =	shalt  }
.Lfunc_end2:
_tile_overlayer_lowered:
.L_overlay_start_2:
0x343: {  	(tag) =	ssettag $0x2  }
0x344: {  	s0 =	rddreg [dreg:$0x0];
	s2 =	stileid.u32  }
0x345: {  	s1 =	rddreg [dreg:$0x1];
	p0 =	sne.s32 s2, $0x0  }
0x346: {  	s3 =	rddreg [dreg:$0x2];
	[bflag:$0x3] =	sbarrier.arrive $0xFFFF;
	s2 =	simm.s32 @!p0 $0x1C03  }
0x347: {  	[timem:s3], [sflag:s2] =	dma.local @!p0 [hbm:s0], s1  }
0x348: {  	s0 =	simm.s32 @!p0 $0x3  }
0x349: {  	_ =	swait.ge @!p0 [sflag:s0], s1  }
0x34a: {  	s1 =	ssub.s32 @!p0 $0x0, s1;
	[sflag:s0] =	ssyncset.done @!p0 $0x0  }
0x34b: {  	[sflag:s0] =	ssyncadd.s32 @!p0 s1  }
0x34c: {  	[bflag:$0x3] =	sbarrier.arrive $0xFFFF  }
0x34d: {  	_ =	shalt  }

</sc_bundles>
